<compile_context>
chip_gen: v7x
topology: tpu7x:2x2x1
jax: 0.10.2.dev20260603
libtpu: 0.0.44.dev20260713+nightly
codegen_flags: <defaults>
</compile_context>

<pallas_src>
import functools

import jax
import jax.numpy as jnp
from jax import lax
from jax.experimental import pallas as pl
from jax.experimental.pallas import tpu as pltpu
from jax.experimental.pallas import tpu_sc as plsc

_N = 10000
_E = 320000
_D = 128
_H = 128
_C = 64

_NC = 2
_NS = 16
_NW = _NC * _NS
_L = 16

_N_PAD = 10240
_TR = _N_PAD // _NS
_CHUNK = 128
_NCH = 80
_EPT = _NCH * _CHUNK
_E_PAD = _NW * _EPT
_DUMMY_DST = _N

_BR = 2048
_NB = _N_PAD // _BR

def _hist_body(pk_hbm, out_hbm, pkv, dstv, ones_v, zb_v, acc_sh):
    cid = lax.axis_index("c")
    sid = lax.axis_index("s")
    wid = cid * _NS + sid

    pltpu.sync_copy(pk_hbm.at[wid], pkv)

    def unpack(j, _):
        def grp(k, _):
            sl = pl.ds(k * _L, _L)
            dstv[j, sl] = lax.bitwise_and(pkv[j, sl], jnp.int32(0xFFFF))
            return 0
        lax.fori_loop(0, _CHUNK // _L, grp, 0)
        return 0
    lax.fori_loop(0, _NCH, unpack, 0)

    def fill1(i, _):
        ones_v[pl.ds(i * _L, _L)] = jnp.ones((_L,), jnp.float32)
        return 0
    lax.fori_loop(0, _CHUNK // _L, fill1, 0)

    def fill0(i, _):
        zb_v[pl.ds(i * _L, _L)] = jnp.zeros((_L,), jnp.float32)
        return 0
    lax.fori_loop(0, _TR // _L, fill0, 0)

    pltpu.sync_copy(zb_v, acc_sh.at[pl.ds(sid * _TR, _TR)])
    plsc.subcore_barrier()

    def step(j, _):
        pltpu.sync_copy(ones_v, acc_sh.at[dstv.at[j]], add=True)
        return 0
    lax.fori_loop(0, _NCH, step, 0)

    plsc.subcore_barrier()
    pltpu.sync_copy(acc_sh.at[pl.ds(sid * _TR, _TR)],
                    out_hbm.at[cid, pl.ds(sid * _TR, _TR)])


@functools.cache
def _hist_kernel():
    return pl.kernel(
        _hist_body,
        out_type=jax.ShapeDtypeStruct((_NC, _N_PAD), jnp.float32),
        mesh=plsc.VectorSubcoreMesh(core_axis_name="c", subcore_axis_name="s"),
        scratch_types=[
            pltpu.VMEM((_NCH, _CHUNK), jnp.int32),
            pltpu.VMEM((_NCH, _CHUNK), jnp.int32),
            pltpu.VMEM((_CHUNK,), jnp.float32),
            pltpu.VMEM((_TR,), jnp.float32),
            pltpu.VMEM_SHARED((_N_PAD,), jnp.float32),
        ],
    )


def _hist(pk3):
    return _hist_kernel()(pk3)


def _agg_body(y_hbm, pk_hbm, zeros_hbm, out_hbm,
              pkv, sidx, didx, rows_a, rows_b, acc_sh, sem_a, sem_b):
    cid = lax.axis_index("c")
    sid = lax.axis_index("s")
    wid = cid * _NS + sid

    pltpu.sync_copy(pk_hbm.at[wid], pkv)

    pltpu.sync_copy(zeros_hbm, rows_a)
    for k in range(_TR // _CHUNK):
        pltpu.sync_copy(rows_a, acc_sh.at[pl.ds(sid * _TR + k * _CHUNK, _CHUNK)])
    plsc.subcore_barrier()

    rows = [rows_a, rows_b]
    sems = [sem_a, sem_b]

    def unpack(j, b):
        def grp(k, _):
            sl = pl.ds(k * _L, _L)
            pkl = pkv[j, sl]
            sidx[b, sl] = lax.shift_right_logical(pkl, 16)
            didx[b, sl] = lax.bitwise_and(pkl, jnp.int32(0xFFFF))
            return 0
        lax.fori_loop(0, _CHUNK // _L, grp, 0)

    for b in range(2):
        unpack(b, b)
        pltpu.async_copy(y_hbm.at[sidx.at[b]], rows[b], sems[b])

    def pair(g, _):
        for b in range(2):
            j = 2 * g + b
            pltpu.make_async_copy(y_hbm.at[pl.ds(0, _CHUNK)],
                                  rows[b], sems[b]).wait()
            pltpu.sync_copy(rows[b], acc_sh.at[didx.at[b]], add=True)
            unpack(j + 2, b)
            pltpu.async_copy(y_hbm.at[sidx.at[b]], rows[b], sems[b])
        return 0
    lax.fori_loop(0, _NCH // 2 - 1, pair, 0)

    for b in range(2):
        pltpu.make_async_copy(y_hbm.at[pl.ds(0, _CHUNK)],
                              rows[b], sems[b]).wait()
        pltpu.sync_copy(rows[b], acc_sh.at[didx.at[b]], add=True)

    plsc.subcore_barrier()
    for k in range(_TR // _CHUNK):
        sl = pl.ds(sid * _TR + k * _CHUNK, _CHUNK)
        pltpu.sync_copy(acc_sh.at[sl], rows_a)
        pltpu.sync_copy(rows_a, out_hbm.at[cid, sl])


@functools.cache
def _agg_kernel():
    return pl.kernel(
        _agg_body,
        out_type=jax.ShapeDtypeStruct((_NC, _N_PAD, _H), jnp.float32),
        mesh=plsc.VectorSubcoreMesh(core_axis_name="c", subcore_axis_name="s"),
        scratch_types=[
            pltpu.VMEM((_NCH, _CHUNK), jnp.int32),
            pltpu.VMEM((2, _CHUNK), jnp.int32),
            pltpu.VMEM((2, _CHUNK), jnp.int32),
            pltpu.VMEM((_CHUNK, _H), jnp.float32),
            pltpu.VMEM((_CHUNK, _H), jnp.float32),
            pltpu.VMEM_SHARED((_N_PAD, _H), jnp.float32),
            pltpu.SemaphoreType.DMA,
            pltpu.SemaphoreType.DMA,
        ],
    )


def _agg(y, pk3, zeros_tile):
    return _agg_kernel()(y, pk3, zeros_tile)


def _k1_body(hop2d, hop_col, x_ref, pre_ref, w1_ref, d0_ref, d1_ref,
             y1_ref, premm_ref, dinv_ref):
    md = jnp.max(hop2d[...])
    hopb = hop_col[...]
    deepest = jnp.logical_and(md > 0, hopb == md)
    xb = jnp.where(deepest, 0.0, x_ref[...])
    dinv = lax.rsqrt(d0_ref[...] + d1_ref[...] + 1.0)
    y1_ref[...] = jnp.dot(xb, w1_ref[...],
                          preferred_element_type=jnp.float32) * dinv
    premm_ref[...] = jnp.dot(pre_ref[...], w1_ref[...],
                             preferred_element_type=jnp.float32)
    dinv_ref[...] = dinv


def _k3_body(hop2d, hop_col, a0_ref, a1_ref, y1_ref, premm_ref, dinv_ref,
             w2_ref, b1_ref, y2_ref):
    md = jnp.max(hop2d[...])
    frontier = jnp.logical_and(md > 0, hop_col[...] == md - 1)
    dinv = dinv_ref[...]
    agg = a0_ref[...] + a1_ref[...] + y1_ref[...]
    h1 = jnp.where(frontier, premm_ref[...], dinv * agg) + b1_ref[...]
    h1 = jnp.maximum(h1, 0.0)
    y2_ref[...] = jnp.dot(h1, w2_ref[...],
                          preferred_element_type=jnp.float32) * dinv


def _k5_body(p0_ref, p1_ref, y2_ref, dinv_ref, b2_ref, wc_ref, bc_ref,
             out_ref):
    agg = p0_ref[...] + p1_ref[...] + y2_ref[...]
    h2 = jnp.maximum(dinv_ref[...] * agg + b2_ref[...], 0.0)
    out_ref[...] = jnp.dot(h2, wc_ref[...],
                           preferred_element_type=jnp.float32) + bc_ref[...]


def _row_spec(w):
    return pl.BlockSpec((_BR, w), lambda i: (i, 0))


def _full_spec(h, w):
    return pl.BlockSpec((h, w), lambda i: (0, 0))


def kernel(x, edge_index, hop_depths, last_hop_preagg, W1, b1, W2, b2, Wc, bc):
    f32 = jnp.float32
    pad_n = _N_PAD - _N
    pad_e = _E_PAD - _E

    pk = jnp.bitwise_or(jnp.left_shift(edge_index[0], 16), edge_index[1])
    pk3 = jnp.pad(pk, (0, pad_e),
                  constant_values=_DUMMY_DST).reshape(_NW, _NCH, _CHUNK)
    x_p = jnp.pad(x, ((0, pad_n), (0, 0)))
    pre_p = jnp.pad(last_hop_preagg, ((0, pad_n), (0, 0)))
    hop_p = jnp.pad(hop_depths, (0, pad_n))
    hop2d = hop_p.reshape(_N_PAD // _D, _D)
    hop_col = hop_p.reshape(_N_PAD, 1)
    zeros_tile = jnp.zeros((_CHUNK, _H), f32)
    b1r = b1.reshape(1, _H)
    b2r = b2.reshape(1, _H)
    bcr = bc.reshape(1, _C)

    deg_parts = _hist(pk3)
    d0 = deg_parts[0].reshape(_N_PAD, 1)
    d1 = deg_parts[1].reshape(_N_PAD, 1)

    y1, premm, dinv = pl.pallas_call(
        _k1_body,
        grid=(_NB,),
        in_specs=[_full_spec(_N_PAD // _D, _D), _row_spec(1), _row_spec(_D),
                  _row_spec(_D), _full_spec(_D, _H), _row_spec(1),
                  _row_spec(1)],
        out_specs=[_row_spec(_H), _row_spec(_H), _row_spec(1)],
        out_shape=[jax.ShapeDtypeStruct((_N_PAD, _H), f32),
                   jax.ShapeDtypeStruct((_N_PAD, _H), f32),
                   jax.ShapeDtypeStruct((_N_PAD, 1), f32)],
    )(hop2d, hop_col, x_p, pre_p, W1, d0, d1)

    parts1 = _agg(y1, pk3, zeros_tile)

    y2 = pl.pallas_call(
        _k3_body,
        grid=(_NB,),
        in_specs=[_full_spec(_N_PAD // _D, _D), _row_spec(1), _row_spec(_H),
                  _row_spec(_H), _row_spec(_H), _row_spec(_H), _row_spec(1),
                  _full_spec(_H, _H), _full_spec(1, _H)],
        out_specs=[_row_spec(_H)],
        out_shape=[jax.ShapeDtypeStruct((_N_PAD, _H), f32)],
    )(hop2d, hop_col, parts1[0], parts1[1], y1, premm, dinv, W2, b1r)[0]

    parts2 = _agg(y2, pk3, zeros_tile)

    out = pl.pallas_call(
        _k5_body,
        grid=(_NB,),
        in_specs=[_row_spec(_H), _row_spec(_H), _row_spec(_H), _row_spec(1),
                  _full_spec(1, _H), _full_spec(_H, _C), _full_spec(1, _C)],
        out_specs=[_row_spec(_C)],
        out_shape=[jax.ShapeDtypeStruct((_N_PAD, _C), f32)],
    )(parts2[0], parts2[1], y2, dinv, b2r, Wc, bcr)[0]

    return out[:_N]

# --- scband reference (transcript-rebuilt; emitter-appended) ---
"""Pipeline reference for scband-hybrid-last-hop-gcnwrapper-62560493634015 (READ-ONLY COPY).

The authoritative reference and input builder live on the scoring server;
editing this copy changes nothing except your own understanding.
"""

import jax, jax.numpy as jnp
import numpy as np

N = 10000
E = 320000
D = 128
H = 128
C = 64


def gcn_conv(x, edge_index, W, b):
    # GCNConv: add self-loops, symmetric deg normalization, linear, scatter-add
    n = x.shape[0]
    loop = jnp.arange(n, dtype=edge_index.dtype)
    src = jnp.concatenate([edge_index[0], loop])
    dst = jnp.concatenate([edge_index[1], loop])
    deg = jnp.zeros((n,), x.dtype).at[dst].add(1.0)
    dinv = jax.lax.rsqrt(deg)
    xw = x @ W
    coef = (dinv[src] * dinv[dst])[:, None]
    out = jnp.zeros((n, W.shape[1]), x.dtype).at[dst].add(xw[src] * coef)
    return out + b


def setup_inputs(seed: int = 0) -> dict:
    key = jax.random.key(seed)
    ks = jax.random.split(key, 8)
    x = jax.random.normal(ks[0], (N, D), dtype=jnp.float32)
    edge_index = jax.random.randint(ks[1], (2, E), 0, N, dtype=jnp.int32)
    hop_depths = jax.random.randint(ks[2], (N,), 0, 3, dtype=jnp.int32)
    last_hop_preagg = jax.random.normal(ks[3], (N, D), dtype=jnp.float32)
    W1 = jax.random.normal(ks[4], (D, H), dtype=jnp.float32) / np.sqrt(D)
    b1 = jnp.zeros((H,), dtype=jnp.float32)
    W2 = jax.random.normal(ks[5], (H, H), dtype=jnp.float32) / np.sqrt(H)
    b2 = jnp.zeros((H,), dtype=jnp.float32)
    Wc = jax.random.normal(ks[6], (H, C), dtype=jnp.float32) / np.sqrt(H)
    bc = jnp.zeros((C,), dtype=jnp.float32)
    return {"x": x, "edge_index": edge_index, "hop_depths": hop_depths,
            "last_hop_preagg": last_hop_preagg,
            "W1": W1, "b1": b1, "W2": W2, "b2": b2, "Wc": Wc, "bc": bc}


def reference(x, edge_index, hop_depths, last_hop_preagg, W1, b1, W2, b2, Wc, bc):
    max_depth = jnp.max(hop_depths)

    def shallow_branch(md):
        hidden = jax.nn.relu(gcn_conv(x, edge_index, W1, b1))
        hidden = jax.nn.relu(gcn_conv(hidden, edge_index, W2, b2))
        return hidden @ Wc + bc

    def deep_branch(md):
        deepest_mask = hop_depths == md
        frontier_mask = hop_depths == (md - 1)
        # zero-out deepest-hop raw features
        raw_x = jnp.where(deepest_mask[:, None], 0.0, x)
        hidden = gcn_conv(raw_x, edge_index, W1, b1)
        # replace frontier rows with GCN1.lin(preagg) + bias
        replaced = last_hop_preagg @ W1 + b1
        hidden = jnp.where(frontier_mask[:, None], replaced, hidden)
        hidden = jax.nn.relu(hidden)
        hidden = jax.nn.relu(gcn_conv(hidden, edge_index, W2, b2))
        return hidden @ Wc + bc

    return jax.lax.cond(max_depth <= 0, shallow_branch, deep_branch, max_depth)

if __name__ == "__main__":
    import jax
    _d = setup_inputs()
    print(jax.jit(kernel)(*tuple(_d.values())))

</pallas_src>

<mosaic_0001>
#map = affine_map<(d0, d1) -> (0, 0, 0)>
#map1 = affine_map<(d0, d1) -> (0, 0)>
module attributes {stable_mosaic.version = 14 : i64} {
  func.func @_hist_body(%arg0: i32, %arg1: i32, %arg2: memref<32x80x128xi32, #tpu.memory_space<hbm>>, %arg3: memref<2x10240xf32, #tpu.memory_space<hbm>>, %arg4: memref<80x128xi32, #tpu.memory_space<vmem>>, %arg5: memref<80x128xi32, #tpu.memory_space<vmem>>, %arg6: memref<128xf32, #tpu.memory_space<vmem>>, %arg7: memref<640xf32, #tpu.memory_space<vmem>>, %arg8: memref<10240xf32, #tpu.memory_space<vmem_shared>>) attributes {dimension_semantics = [#tpu.dimension_semantics<core_parallel>, #tpu.dimension_semantics<subcore_parallel>], iteration_bounds = array<i64: 2, 16>, scalar_prefetch = 0 : i64, scratch_operands = 5 : i64, tpu.core_type = #tpu.core_type<sc_vector_subcore>, window_params = [{transform_indices = #map}, {transform_indices = #map1}]} {
    %mul3A = arith.constant 16 : i32
    %mul3A_0 = arith.muli %arg0, %mul3A : i32
    %add3A = arith.addi %mul3A_0, %arg1 : i32
    "tpu.region"() ({
      %run_scoped3A = tpu.sem_alloc : memref<!tpu.dma_semaphore, #tpu.memory_space<semaphore_mem>>
      %dma_start3A = arith.constant 0 : i32
      %dma_start3A_35 = arith.constant 0 : i32
      %dma_start3A_36 = tpu.memref_slice %arg2[%add3A, %dma_start3A, %dma_start3A_35] : memref<32x80x128xi32, #tpu.memory_space<hbm>> -> memref<1x80x128xi32, #tpu.memory_space<hbm>>
      %dma_start3A_37 = tpu.memref_squeeze %dma_start3A_36 : memref<1x80x128xi32, #tpu.memory_space<hbm>> -> memref<80x128xi32, #tpu.memory_space<hbm>>
      %dma_start3A_38 = arith.constant 0 : i32
      %dma_start3A_39 = arith.constant 0 : i32
      %dma_start3A_40 = tpu.memref_slice %arg2[%add3A, %dma_start3A_38, %dma_start3A_39] : memref<32x80x128xi32, #tpu.memory_space<hbm>> -> memref<1x80x128xi32, #tpu.memory_space<hbm>>
      %dma_start3A_41 = tpu.memref_squeeze %dma_start3A_40 : memref<1x80x128xi32, #tpu.memory_space<hbm>> -> memref<80x128xi32, #tpu.memory_space<hbm>>
      tpu.enqueue_dma source(%dma_start3A_41 : memref<80x128xi32, #tpu.memory_space<hbm>>) target(%arg4 : memref<80x128xi32, #tpu.memory_space<vmem>>) target_semaphore(%run_scoped3A : memref<!tpu.dma_semaphore, #tpu.memory_space<semaphore_mem>>)
      %dma_wait3A = arith.constant 0 : i32
      %dma_wait3A_42 = arith.constant 0 : i32
      %dma_wait3A_43 = tpu.memref_slice %arg2[%add3A, %dma_wait3A, %dma_wait3A_42] : memref<32x80x128xi32, #tpu.memory_space<hbm>> -> memref<1x80x128xi32, #tpu.memory_space<hbm>>
      %dma_wait3A_44 = tpu.memref_squeeze %dma_wait3A_43 : memref<1x80x128xi32, #tpu.memory_space<hbm>> -> memref<80x128xi32, #tpu.memory_space<hbm>>
      %dma_wait3A_45 = arith.constant 0 : i32
      %dma_wait3A_46 = arith.constant 0 : i32
      %dma_wait3A_47 = tpu.memref_slice %arg2[%add3A, %dma_wait3A_45, %dma_wait3A_46] : memref<32x80x128xi32, #tpu.memory_space<hbm>> -> memref<1x80x128xi32, #tpu.memory_space<hbm>>
      %dma_wait3A_48 = tpu.memref_squeeze %dma_wait3A_47 : memref<1x80x128xi32, #tpu.memory_space<hbm>> -> memref<80x128xi32, #tpu.memory_space<hbm>>
      tpu.wait_dma2 semaphore(%run_scoped3A : memref<!tpu.dma_semaphore, #tpu.memory_space<semaphore_mem>>) src(%dma_wait3A_48 : memref<80x128xi32, #tpu.memory_space<hbm>>) dst(%arg4 : memref<80x128xi32, #tpu.memory_space<vmem>>)
      tpu.yield
    }) : () -> ()
    %scan3A = arith.constant 0 : i32
    %scan3A_1 = arith.constant 0 : i32
    %scan3A_2 = arith.constant 80 : i32
    %scan3A_3 = arith.addi %scan3A_1, %scan3A_2 : i32
    %scan3A_4 = arith.constant 1 : i32
    %scan3A_5 = scf.for %scan3A_35 = %scan3A_1 to %scan3A_3 step %scan3A_4 iter_args(%scan3A_36 = %scan3A) -> (i32)  : i32 {
      %scan3A_37 = arith.constant 0 : i32
      %scan3A_38 = arith.constant 0 : i32
      %scan3A_39 = arith.constant 8 : i32
      %scan3A_40 = arith.addi %scan3A_38, %scan3A_39 : i32
      %scan3A_41 = arith.constant 1 : i32
      %scan3A_42 = scf.for %scan3A_45 = %scan3A_38 to %scan3A_40 step %scan3A_41 iter_args(%scan3A_46 = %scan3A_37) -> (i32)  : i32 {
        %mul3A_47 = arith.constant 16 : i32
        %mul3A_48 = arith.muli %scan3A_45, %mul3A_47 : i32
        %get3A = arith.index_cast %scan3A_35 : i32 to index
        %get3A_49 = arith.index_cast %mul3A_48 : i32 to index
        %get3A_50 = tpu.vector_load %arg4[%get3A, %get3A_49] {strides = array<i32>} : memref<80x128xi32, #tpu.memory_space<vmem>>, vector<1x16xi32>,
        %get3A_51 = vector.shape_cast %get3A_50 : vector<1x16xi32> to vector<16xi32>
        %and3A = arith.constant 65535 : i32
        %and3A_52 = vector.broadcast %and3A : i32 to vector<16xi32>
        %and3A_53 = arith.andi %get3A_51, %and3A_52 : vector<16xi32>
        %swap3A = arith.index_cast %scan3A_35 : i32 to index
        %swap3A_54 = arith.index_cast %mul3A_48 : i32 to index
        %swap3A_55 = tpu.vector_load %arg5[%swap3A, %swap3A_54] {strides = array<i32>} : memref<80x128xi32, #tpu.memory_space<vmem>>, vector<1x16xi32>,
        %swap3A_56 = vector.shape_cast %swap3A_55 : vector<1x16xi32> to vector<16xi32>
        %swap3A_57 = vector.shape_cast %and3A_53 : vector<16xi32> to vector<1x16xi32>
        tpu.vector_store %arg5[%swap3A, %swap3A_54], %swap3A_57 {strides = array<i32>} : memref<80x128xi32, #tpu.memory_space<vmem>>, vector<1x16xi32>,
        %scan3A_58 = arith.constant 0 : i32
        scf.yield %scan3A_58 : i32
      }
      %scan3A_43 = arith.constant 8 : i32
      %scan3A_44 = arith.constant 0 : i32
      scf.yield %scan3A_44 : i32
    }
    %scan3A_6 = arith.constant 80 : i32
    %scan3A_7 = arith.constant 0 : i32
    %scan3A_8 = arith.constant 0 : i32
    %scan3A_9 = arith.constant 8 : i32
    %scan3A_10 = arith.addi %scan3A_8, %scan3A_9 : i32
    %scan3A_11 = arith.constant 1 : i32
    %scan3A_12 = scf.for %scan3A_35 = %scan3A_8 to %scan3A_10 step %scan3A_11 iter_args(%scan3A_36 = %scan3A_7) -> (i32)  : i32 {
      %broadcast_in_dim3A = arith.constant 1.000000e+00 : f32
      %broadcast_in_dim3A_37 = vector.broadcast %broadcast_in_dim3A : f32 to vector<16xf32>
      %mul3A_38 = arith.constant 16 : i32
      %mul3A_39 = arith.muli %scan3A_35, %mul3A_38 : i32
      %swap3A = arith.index_cast %mul3A_39 : i32 to index
      %swap3A_40 = tpu.vector_load %arg6[%swap3A] {strides = array<i32>} : memref<128xf32, #tpu.memory_space<vmem>>, vector<16xf32>,
      %swap3A_41 = vector.shape_cast %swap3A_40 : vector<16xf32> to vector<16xf32>
      %swap3A_42 = vector.shape_cast %broadcast_in_dim3A_37 : vector<16xf32> to vector<16xf32>
      tpu.vector_store %arg6[%swap3A], %swap3A_42 {strides = array<i32>} : memref<128xf32, #tpu.memory_space<vmem>>, vector<16xf32>,
      %scan3A_43 = arith.constant 0 : i32
      scf.yield %scan3A_43 : i32
    }
    %scan3A_13 = arith.constant 8 : i32
    %scan3A_14 = arith.constant 0 : i32
    %scan3A_15 = arith.constant 0 : i32
    %scan3A_16 = arith.constant 40 : i32
    %scan3A_17 = arith.addi %scan3A_15, %scan3A_16 : i32
    %scan3A_18 = arith.constant 1 : i32
    %scan3A_19 = scf.for %scan3A_35 = %scan3A_15 to %scan3A_17 step %scan3A_18 iter_args(%scan3A_36 = %scan3A_14) -> (i32)  : i32 {
      %broadcast_in_dim3A = arith.constant 0.000000e+00 : f32
      %broadcast_in_dim3A_37 = vector.broadcast %broadcast_in_dim3A : f32 to vector<16xf32>
      %mul3A_38 = arith.constant 16 : i32
      %mul3A_39 = arith.muli %scan3A_35, %mul3A_38 : i32
      %swap3A = arith.index_cast %mul3A_39 : i32 to index
      %swap3A_40 = tpu.vector_load %arg7[%swap3A] {strides = array<i32>} : memref<640xf32, #tpu.memory_space<vmem>>, vector<16xf32>,
      %swap3A_41 = vector.shape_cast %swap3A_40 : vector<16xf32> to vector<16xf32>
      %swap3A_42 = vector.shape_cast %broadcast_in_dim3A_37 : vector<16xf32> to vector<16xf32>
      tpu.vector_store %arg7[%swap3A], %swap3A_42 {strides = array<i32>} : memref<640xf32, #tpu.memory_space<vmem>>, vector<16xf32>,
      %scan3A_43 = arith.constant 0 : i32
      scf.yield %scan3A_43 : i32
    }
    %scan3A_20 = arith.constant 40 : i32
    %mul3A_21 = arith.constant 640 : i32
    %mul3A_22 = arith.muli %arg1, %mul3A_21 : i32
    "tpu.region"() ({
      %run_scoped3A = tpu.sem_alloc : memref<!tpu.dma_semaphore, #tpu.memory_space<semaphore_mem>>
      %dma_start3A = tpu.memref_slice %arg8[%mul3A_22] : memref<10240xf32, #tpu.memory_space<vmem_shared>> -> memref<640xf32, #tpu.memory_space<vmem_shared>>
      %dma_start3A_35 = tpu.memref_slice %arg8[%mul3A_22] : memref<10240xf32, #tpu.memory_space<vmem_shared>> -> memref<640xf32, #tpu.memory_space<vmem_shared>>
      tpu.enqueue_dma source(%arg7 : memref<640xf32, #tpu.memory_space<vmem>>) target(%dma_start3A_35 : memref<640xf32, #tpu.memory_space<vmem_shared>>) target_semaphore(%run_scoped3A : memref<!tpu.dma_semaphore, #tpu.memory_space<semaphore_mem>>)
      %dma_wait3A = tpu.memref_slice %arg8[%mul3A_22] : memref<10240xf32, #tpu.memory_space<vmem_shared>> -> memref<640xf32, #tpu.memory_space<vmem_shared>>
      %dma_wait3A_36 = tpu.memref_slice %arg8[%mul3A_22] : memref<10240xf32, #tpu.memory_space<vmem_shared>> -> memref<640xf32, #tpu.memory_space<vmem_shared>>
      tpu.wait_dma2 semaphore(%run_scoped3A : memref<!tpu.dma_semaphore, #tpu.memory_space<semaphore_mem>>) src(%arg7 : memref<640xf32, #tpu.memory_space<vmem>>) dst(%dma_wait3A_36 : memref<640xf32, #tpu.memory_space<vmem_shared>>)
      tpu.yield
    }) : () -> ()
    %barrier3A = arith.constant 0 : index
    tpu.barrier barrier_id(%barrier3A)
    %scan3A_23 = arith.constant 0 : i32
    %scan3A_24 = arith.constant 0 : i32
    %scan3A_25 = arith.constant 80 : i32
    %scan3A_26 = arith.addi %scan3A_24, %scan3A_25 : i32
    %scan3A_27 = arith.constant 1 : i32
    %scan3A_28 = scf.for %scan3A_35 = %scan3A_24 to %scan3A_26 step %scan3A_27 iter_args(%scan3A_36 = %scan3A_23) -> (i32)  : i32 {
      "tpu.region"() ({
        %run_scoped3A = tpu.sem_alloc : memref<!tpu.dma_semaphore, #tpu.memory_space<semaphore_mem>>
        %dma_start3A = arith.constant 0 : i32
        %dma_start3A_38 = tpu.memref_slice %arg5[%scan3A_35, %dma_start3A] : memref<80x128xi32, #tpu.memory_space<vmem>> -> memref<1x128xi32, #tpu.memory_space<vmem>>
        %dma_start3A_39 = tpu.memref_squeeze %dma_start3A_38 : memref<1x128xi32, #tpu.memory_space<vmem>> -> memref<128xi32, #tpu.memory_space<vmem>>
        %dma_start3A_40 = arith.constant 0 : i32
        %dma_start3A_41 = tpu.memref_slice %arg8[%dma_start3A_40] : memref<10240xf32, #tpu.memory_space<vmem_shared>> -> memref<10240xf32, #tpu.memory_space<vmem_shared>>
        tpu.enqueue_indirect_dma source(%arg6 : memref<128xf32, #tpu.memory_space<vmem>>) target(%dma_start3A_41 : memref<10240xf32, #tpu.memory_space<vmem_shared>>) offsets(%dma_start3A_39 : memref<128xi32, #tpu.memory_space<vmem>>) semaphore(%run_scoped3A : memref<!tpu.dma_semaphore, #tpu.memory_space<semaphore_mem>>) {add = true}
        %dma_wait3A = arith.constant 0 : i32
        %dma_wait3A_42 = tpu.memref_slice %arg5[%scan3A_35, %dma_wait3A] : memref<80x128xi32, #tpu.memory_space<vmem>> -> memref<1x128xi32, #tpu.memory_space<vmem>>
        %dma_wait3A_43 = tpu.memref_squeeze %dma_wait3A_42 : memref<1x128xi32, #tpu.memory_space<vmem>> -> memref<128xi32, #tpu.memory_space<vmem>>
        %dma_wait3A_44 = arith.constant 0 : i32
        %dma_wait3A_45 = tpu.memref_slice %arg8[%dma_wait3A_44] : memref<10240xf32, #tpu.memory_space<vmem_shared>> -> memref<10240xf32, #tpu.memory_space<vmem_shared>>
        tpu.wait_indirect_dma semaphore(%run_scoped3A : memref<!tpu.dma_semaphore, #tpu.memory_space<semaphore_mem>>) src(%arg6 : memref<128xf32, #tpu.memory_space<vmem>>) dst(%dma_wait3A_45 : memref<10240xf32, #tpu.memory_space<vmem_shared>>)
        tpu.yield
      }) : () -> ()
      %scan3A_37 = arith.constant 0 : i32
      scf.yield %scan3A_37 : i32
    }
    %scan3A_29 = arith.constant 80 : i32
    %barrier3A_30 = arith.constant 0 : index
    tpu.barrier barrier_id(%barrier3A_30)
    %mul3A_31 = arith.constant 640 : i32
    %mul3A_32 = arith.muli %arg1, %mul3A_31 : i32
    %mul3A_33 = arith.constant 640 : i32
    %mul3A_34 = arith.muli %arg1, %mul3A_33 : i32
    "tpu.region"() ({
      %run_scoped3A = tpu.sem_alloc : memref<!tpu.dma_semaphore, #tpu.memory_space<semaphore_mem>>
      %dma_start3A = tpu.memref_slice %arg3[%arg0, %mul3A_34] : memref<2x10240xf32, #tpu.memory_space<hbm>> -> memref<1x640xf32, #tpu.memory_space<hbm>>
      %dma_start3A_35 = tpu.memref_squeeze %dma_start3A : memref<1x640xf32, #tpu.memory_space<hbm>> -> memref<640xf32, #tpu.memory_space<hbm>>
      %dma_start3A_36 = tpu.memref_slice %arg8[%mul3A_32] : memref<10240xf32, #tpu.memory_space<vmem_shared>> -> memref<640xf32, #tpu.memory_space<vmem_shared>>
      tpu.enqueue_dma source(%dma_start3A_36 : memref<640xf32, #tpu.memory_space<vmem_shared>>) target(%dma_start3A_35 : memref<640xf32, #tpu.memory_space<hbm>>) target_semaphore(%run_scoped3A : memref<!tpu.dma_semaphore, #tpu.memory_space<semaphore_mem>>)
      %dma_wait3A = tpu.memref_slice %arg3[%arg0, %mul3A_34] : memref<2x10240xf32, #tpu.memory_space<hbm>> -> memref<1x640xf32, #tpu.memory_space<hbm>>
      %dma_wait3A_37 = tpu.memref_squeeze %dma_wait3A : memref<1x640xf32, #tpu.memory_space<hbm>> -> memref<640xf32, #tpu.memory_space<hbm>>
      %dma_wait3A_38 = tpu.memref_slice %arg8[%mul3A_32] : memref<10240xf32, #tpu.memory_space<vmem_shared>> -> memref<640xf32, #tpu.memory_space<vmem_shared>>
      tpu.wait_dma2 semaphore(%run_scoped3A : memref<!tpu.dma_semaphore, #tpu.memory_space<semaphore_mem>>) src(%dma_wait3A_38 : memref<640xf32, #tpu.memory_space<vmem_shared>>) dst(%dma_wait3A_37 : memref<640xf32, #tpu.memory_space<hbm>>)
      tpu.yield
    }) : () -> ()
    return
  }
}

#map = affine_map<(d0, d1) -> (0, 0)>
#map1 = affine_map<(d0, d1) -> (0, 0, 0)>
module attributes {stable_mosaic.version = 14 : i64} {
  func.func @_agg_body(%arg0: i32, %arg1: i32, %arg2: memref<10240x128xf32, #tpu.memory_space<hbm>>, %arg3: memref<32x80x128xi32, #tpu.memory_space<hbm>>, %arg4: memref<128x128xf32, #tpu.memory_space<hbm>>, %arg5: memref<2x10240x128xf32, #tpu.memory_space<hbm>>, %arg6: memref<80x128xi32, #tpu.memory_space<vmem>>, %arg7: memref<2x128xi32, #tpu.memory_space<vmem>>, %arg8: memref<2x128xi32, #tpu.memory_space<vmem>>, %arg9: memref<128x128xf32, #tpu.memory_space<vmem>>, %arg10: memref<128x128xf32, #tpu.memory_space<vmem>>, %arg11: memref<10240x128xf32, #tpu.memory_space<vmem_shared>>, %arg12: memref<!tpu.dma_semaphore, #tpu.memory_space<semaphore_mem>>, %arg13: memref<!tpu.dma_semaphore, #tpu.memory_space<semaphore_mem>>) attributes {dimension_semantics = [#tpu.dimension_semantics<core_parallel>, #tpu.dimension_semantics<subcore_parallel>], iteration_bounds = array<i64: 2, 16>, scalar_prefetch = 0 : i64, scratch_operands = 8 : i64, tpu.core_type = #tpu.core_type<sc_vector_subcore>, window_params = [{transform_indices = #map}, {transform_indices = #map1}, {transform_indices = #map}, {transform_indices = #map1}]} {
    %mul3A = arith.constant 16 : i32
    %mul3A_0 = arith.muli %arg0, %mul3A : i32
    %add3A = arith.addi %mul3A_0, %arg1 : i32
    "tpu.region"() ({
      %run_scoped3A_87 = tpu.sem_alloc : memref<!tpu.dma_semaphore, #tpu.memory_space<semaphore_mem>>
      %dma_start3A_88 = arith.constant 0 : i32
      %dma_start3A_89 = arith.constant 0 : i32
      %dma_start3A_90 = tpu.memref_slice %arg3[%add3A, %dma_start3A_88, %dma_start3A_89] : memref<32x80x128xi32, #tpu.memory_space<hbm>> -> memref<1x80x128xi32, #tpu.memory_space<hbm>>
      %dma_start3A_91 = tpu.memref_squeeze %dma_start3A_90 : memref<1x80x128xi32, #tpu.memory_space<hbm>> -> memref<80x128xi32, #tpu.memory_space<hbm>>
      %dma_start3A_92 = arith.constant 0 : i32
      %dma_start3A_93 = arith.constant 0 : i32
      %dma_start3A_94 = tpu.memref_slice %arg3[%add3A, %dma_start3A_92, %dma_start3A_93] : memref<32x80x128xi32, #tpu.memory_space<hbm>> -> memref<1x80x128xi32, #tpu.memory_space<hbm>>
      %dma_start3A_95 = tpu.memref_squeeze %dma_start3A_94 : memref<1x80x128xi32, #tpu.memory_space<hbm>> -> memref<80x128xi32, #tpu.memory_space<hbm>>
      tpu.enqueue_dma source(%dma_start3A_95 : memref<80x128xi32, #tpu.memory_space<hbm>>) target(%arg6 : memref<80x128xi32, #tpu.memory_space<vmem>>) target_semaphore(%run_scoped3A_87 : memref<!tpu.dma_semaphore, #tpu.memory_space<semaphore_mem>>)
      %dma_wait3A_96 = arith.constant 0 : i32
      %dma_wait3A_97 = arith.constant 0 : i32
      %dma_wait3A_98 = tpu.memref_slice %arg3[%add3A, %dma_wait3A_96, %dma_wait3A_97] : memref<32x80x128xi32, #tpu.memory_space<hbm>> -> memref<1x80x128xi32, #tpu.memory_space<hbm>>
      %dma_wait3A_99 = tpu.memref_squeeze %dma_wait3A_98 : memref<1x80x128xi32, #tpu.memory_space<hbm>> -> memref<80x128xi32, #tpu.memory_space<hbm>>
      %dma_wait3A_100 = arith.constant 0 : i32
      %dma_wait3A_101 = arith.constant 0 : i32
      %dma_wait3A_102 = tpu.memref_slice %arg3[%add3A, %dma_wait3A_100, %dma_wait3A_101] : memref<32x80x128xi32, #tpu.memory_space<hbm>> -> memref<1x80x128xi32, #tpu.memory_space<hbm>>
      %dma_wait3A_103 = tpu.memref_squeeze %dma_wait3A_102 : memref<1x80x128xi32, #tpu.memory_space<hbm>> -> memref<80x128xi32, #tpu.memory_space<hbm>>
      tpu.wait_dma2 semaphore(%run_scoped3A_87 : memref<!tpu.dma_semaphore, #tpu.memory_space<semaphore_mem>>) src(%dma_wait3A_103 : memref<80x128xi32, #tpu.memory_space<hbm>>) dst(%arg6 : memref<80x128xi32, #tpu.memory_space<vmem>>)
      tpu.yield
    }) : () -> ()
    "tpu.region"() ({
      %run_scoped3A_87 = tpu.sem_alloc : memref<!tpu.dma_semaphore, #tpu.memory_space<semaphore_mem>>
      tpu.enqueue_dma source(%arg4 : memref<128x128xf32, #tpu.memory_space<hbm>>) target(%arg9 : memref<128x128xf32, #tpu.memory_space<vmem>>) target_semaphore(%run_scoped3A_87 : memref<!tpu.dma_semaphore, #tpu.memory_space<semaphore_mem>>)
      tpu.wait_dma2 semaphore(%run_scoped3A_87 : memref<!tpu.dma_semaphore, #tpu.memory_space<semaphore_mem>>) src(%arg4 : memref<128x128xf32, #tpu.memory_space<hbm>>) dst(%arg9 : memref<128x128xf32, #tpu.memory_space<vmem>>)
      tpu.yield
    }) : () -> ()
    %mul3A_1 = arith.constant 640 : i32
    %mul3A_2 = arith.muli %arg1, %mul3A_1 : i32
    %add3A_3 = arith.constant 0 : i32
    %add3A_4 = arith.addi %mul3A_2, %add3A_3 : i32
    "tpu.region"() ({
      %run_scoped3A_87 = tpu.sem_alloc : memref<!tpu.dma_semaphore, #tpu.memory_space<semaphore_mem>>
      %dma_start3A_88 = arith.constant 0 : i32
      %dma_start3A_89 = tpu.memref_slice %arg11[%add3A_4, %dma_start3A_88] : memref<10240x128xf32, #tpu.memory_space<vmem_shared>> -> memref<128x128xf32, #tpu.memory_space<vmem_shared>>
      %dma_start3A_90 = arith.constant 0 : i32
      %dma_start3A_91 = tpu.memref_slice %arg11[%add3A_4, %dma_start3A_90] : memref<10240x128xf32, #tpu.memory_space<vmem_shared>> -> memref<128x128xf32, #tpu.memory_space<vmem_shared>>
      tpu.enqueue_dma source(%arg9 : memref<128x128xf32, #tpu.memory_space<vmem>>) target(%dma_start3A_91 : memref<128x128xf32, #tpu.memory_space<vmem_shared>>) target_semaphore(%run_scoped3A_87 : memref<!tpu.dma_semaphore, #tpu.memory_space<semaphore_mem>>)
      %dma_wait3A_92 = arith.constant 0 : i32
      %dma_wait3A_93 = tpu.memref_slice %arg11[%add3A_4, %dma_wait3A_92] : memref<10240x128xf32, #tpu.memory_space<vmem_shared>> -> memref<128x128xf32, #tpu.memory_space<vmem_shared>>
      %dma_wait3A_94 = arith.constant 0 : i32
      %dma_wait3A_95 = tpu.memref_slice %arg11[%add3A_4, %dma_wait3A_94] : memref<10240x128xf32, #tpu.memory_space<vmem_shared>> -> memref<128x128xf32, #tpu.memory_space<vmem_shared>>
      tpu.wait_dma2 semaphore(%run_scoped3A_87 : memref<!tpu.dma_semaphore, #tpu.memory_space<semaphore_mem>>) src(%arg9 : memref<128x128xf32, #tpu.memory_space<vmem>>) dst(%dma_wait3A_95 : memref<128x128xf32, #tpu.memory_space<vmem_shared>>)
      tpu.yield
    }) : () -> ()
    %mul3A_5 = arith.constant 640 : i32
    %mul3A_6 = arith.muli %arg1, %mul3A_5 : i32
    %add3A_7 = arith.constant 128 : i32
    %add3A_8 = arith.addi %mul3A_6, %add3A_7 : i32
    "tpu.region"() ({
      %run_scoped3A_87 = tpu.sem_alloc : memref<!tpu.dma_semaphore, #tpu.memory_space<semaphore_mem>>
      %dma_start3A_88 = arith.constant 0 : i32
      %dma_start3A_89 = tpu.memref_slice %arg11[%add3A_8, %dma_start3A_88] : memref<10240x128xf32, #tpu.memory_space<vmem_shared>> -> memref<128x128xf32, #tpu.memory_space<vmem_shared>>
      %dma_start3A_90 = arith.constant 0 : i32
      %dma_start3A_91 = tpu.memref_slice %arg11[%add3A_8, %dma_start3A_90] : memref<10240x128xf32, #tpu.memory_space<vmem_shared>> -> memref<128x128xf32, #tpu.memory_space<vmem_shared>>
      tpu.enqueue_dma source(%arg9 : memref<128x128xf32, #tpu.memory_space<vmem>>) target(%dma_start3A_91 : memref<128x128xf32, #tpu.memory_space<vmem_shared>>) target_semaphore(%run_scoped3A_87 : memref<!tpu.dma_semaphore, #tpu.memory_space<semaphore_mem>>)
      %dma_wait3A_92 = arith.constant 0 : i32
      %dma_wait3A_93 = tpu.memref_slice %arg11[%add3A_8, %dma_wait3A_92] : memref<10240x128xf32, #tpu.memory_space<vmem_shared>> -> memref<128x128xf32, #tpu.memory_space<vmem_shared>>
      %dma_wait3A_94 = arith.constant 0 : i32
      %dma_wait3A_95 = tpu.memref_slice %arg11[%add3A_8, %dma_wait3A_94] : memref<10240x128xf32, #tpu.memory_space<vmem_shared>> -> memref<128x128xf32, #tpu.memory_space<vmem_shared>>
      tpu.wait_dma2 semaphore(%run_scoped3A_87 : memref<!tpu.dma_semaphore, #tpu.memory_space<semaphore_mem>>) src(%arg9 : memref<128x128xf32, #tpu.memory_space<vmem>>) dst(%dma_wait3A_95 : memref<128x128xf32, #tpu.memory_space<vmem_shared>>)
      tpu.yield
    }) : () -> ()
    %mul3A_9 = arith.constant 640 : i32
    %mul3A_10 = arith.muli %arg1, %mul3A_9 : i32
    %add3A_11 = arith.constant 256 : i32
    %add3A_12 = arith.addi %mul3A_10, %add3A_11 : i32
    "tpu.region"() ({
      %run_scoped3A_87 = tpu.sem_alloc : memref<!tpu.dma_semaphore, #tpu.memory_space<semaphore_mem>>
      %dma_start3A_88 = arith.constant 0 : i32
      %dma_start3A_89 = tpu.memref_slice %arg11[%add3A_12, %dma_start3A_88] : memref<10240x128xf32, #tpu.memory_space<vmem_shared>> -> memref<128x128xf32, #tpu.memory_space<vmem_shared>>
      %dma_start3A_90 = arith.constant 0 : i32
      %dma_start3A_91 = tpu.memref_slice %arg11[%add3A_12, %dma_start3A_90] : memref<10240x128xf32, #tpu.memory_space<vmem_shared>> -> memref<128x128xf32, #tpu.memory_space<vmem_shared>>
      tpu.enqueue_dma source(%arg9 : memref<128x128xf32, #tpu.memory_space<vmem>>) target(%dma_start3A_91 : memref<128x128xf32, #tpu.memory_space<vmem_shared>>) target_semaphore(%run_scoped3A_87 : memref<!tpu.dma_semaphore, #tpu.memory_space<semaphore_mem>>)
      %dma_wait3A_92 = arith.constant 0 : i32
      %dma_wait3A_93 = tpu.memref_slice %arg11[%add3A_12, %dma_wait3A_92] : memref<10240x128xf32, #tpu.memory_space<vmem_shared>> -> memref<128x128xf32, #tpu.memory_space<vmem_shared>>
      %dma_wait3A_94 = arith.constant 0 : i32
      %dma_wait3A_95 = tpu.memref_slice %arg11[%add3A_12, %dma_wait3A_94] : memref<10240x128xf32, #tpu.memory_space<vmem_shared>> -> memref<128x128xf32, #tpu.memory_space<vmem_shared>>
      tpu.wait_dma2 semaphore(%run_scoped3A_87 : memref<!tpu.dma_semaphore, #tpu.memory_space<semaphore_mem>>) src(%arg9 : memref<128x128xf32, #tpu.memory_space<vmem>>) dst(%dma_wait3A_95 : memref<128x128xf32, #tpu.memory_space<vmem_shared>>)
      tpu.yield
    }) : () -> ()
    %mul3A_13 = arith.constant 640 : i32
    %mul3A_14 = arith.muli %arg1, %mul3A_13 : i32
    %add3A_15 = arith.constant 384 : i32
    %add3A_16 = arith.addi %mul3A_14, %add3A_15 : i32
    "tpu.region"() ({
      %run_scoped3A_87 = tpu.sem_alloc : memref<!tpu.dma_semaphore, #tpu.memory_space<semaphore_mem>>
      %dma_start3A_88 = arith.constant 0 : i32
      %dma_start3A_89 = tpu.memref_slice %arg11[%add3A_16, %dma_start3A_88] : memref<10240x128xf32, #tpu.memory_space<vmem_shared>> -> memref<128x128xf32, #tpu.memory_space<vmem_shared>>
      %dma_start3A_90 = arith.constant 0 : i32
      %dma_start3A_91 = tpu.memref_slice %arg11[%add3A_16, %dma_start3A_90] : memref<10240x128xf32, #tpu.memory_space<vmem_shared>> -> memref<128x128xf32, #tpu.memory_space<vmem_shared>>
      tpu.enqueue_dma source(%arg9 : memref<128x128xf32, #tpu.memory_space<vmem>>) target(%dma_start3A_91 : memref<128x128xf32, #tpu.memory_space<vmem_shared>>) target_semaphore(%run_scoped3A_87 : memref<!tpu.dma_semaphore, #tpu.memory_space<semaphore_mem>>)
      %dma_wait3A_92 = arith.constant 0 : i32
      %dma_wait3A_93 = tpu.memref_slice %arg11[%add3A_16, %dma_wait3A_92] : memref<10240x128xf32, #tpu.memory_space<vmem_shared>> -> memref<128x128xf32, #tpu.memory_space<vmem_shared>>
      %dma_wait3A_94 = arith.constant 0 : i32
      %dma_wait3A_95 = tpu.memref_slice %arg11[%add3A_16, %dma_wait3A_94] : memref<10240x128xf32, #tpu.memory_space<vmem_shared>> -> memref<128x128xf32, #tpu.memory_space<vmem_shared>>
      tpu.wait_dma2 semaphore(%run_scoped3A_87 : memref<!tpu.dma_semaphore, #tpu.memory_space<semaphore_mem>>) src(%arg9 : memref<128x128xf32, #tpu.memory_space<vmem>>) dst(%dma_wait3A_95 : memref<128x128xf32, #tpu.memory_space<vmem_shared>>)
      tpu.yield
    }) : () -> ()
    %mul3A_17 = arith.constant 640 : i32
    %mul3A_18 = arith.muli %arg1, %mul3A_17 : i32
    %add3A_19 = arith.constant 512 : i32
    %add3A_20 = arith.addi %mul3A_18, %add3A_19 : i32
    "tpu.region"() ({
      %run_scoped3A_87 = tpu.sem_alloc : memref<!tpu.dma_semaphore, #tpu.memory_space<semaphore_mem>>
      %dma_start3A_88 = arith.constant 0 : i32
      %dma_start3A_89 = tpu.memref_slice %arg11[%add3A_20, %dma_start3A_88] : memref<10240x128xf32, #tpu.memory_space<vmem_shared>> -> memref<128x128xf32, #tpu.memory_space<vmem_shared>>
      %dma_start3A_90 = arith.constant 0 : i32
      %dma_start3A_91 = tpu.memref_slice %arg11[%add3A_20, %dma_start3A_90] : memref<10240x128xf32, #tpu.memory_space<vmem_shared>> -> memref<128x128xf32, #tpu.memory_space<vmem_shared>>
      tpu.enqueue_dma source(%arg9 : memref<128x128xf32, #tpu.memory_space<vmem>>) target(%dma_start3A_91 : memref<128x128xf32, #tpu.memory_space<vmem_shared>>) target_semaphore(%run_scoped3A_87 : memref<!tpu.dma_semaphore, #tpu.memory_space<semaphore_mem>>)
      %dma_wait3A_92 = arith.constant 0 : i32
      %dma_wait3A_93 = tpu.memref_slice %arg11[%add3A_20, %dma_wait3A_92] : memref<10240x128xf32, #tpu.memory_space<vmem_shared>> -> memref<128x128xf32, #tpu.memory_space<vmem_shared>>
      %dma_wait3A_94 = arith.constant 0 : i32
      %dma_wait3A_95 = tpu.memref_slice %arg11[%add3A_20, %dma_wait3A_94] : memref<10240x128xf32, #tpu.memory_space<vmem_shared>> -> memref<128x128xf32, #tpu.memory_space<vmem_shared>>
      tpu.wait_dma2 semaphore(%run_scoped3A_87 : memref<!tpu.dma_semaphore, #tpu.memory_space<semaphore_mem>>) src(%arg9 : memref<128x128xf32, #tpu.memory_space<vmem>>) dst(%dma_wait3A_95 : memref<128x128xf32, #tpu.memory_space<vmem_shared>>)
      tpu.yield
    }) : () -> ()
    %barrier3A = arith.constant 0 : index
    tpu.barrier barrier_id(%barrier3A)
    %scan3A = arith.constant 0 : i32
    %scan3A_21 = arith.constant 0 : i32
    %scan3A_22 = arith.constant 8 : i32
    %scan3A_23 = arith.addi %scan3A_21, %scan3A_22 : i32
    %scan3A_24 = arith.constant 1 : i32
    %scan3A_25 = scf.for %scan3A_87 = %scan3A_21 to %scan3A_23 step %scan3A_24 iter_args(%scan3A_88 = %scan3A) -> (i32)  : i32 {
      %mul3A_89 = arith.constant 16 : i32
      %mul3A_90 = arith.muli %scan3A_87, %mul3A_89 : i32
      %get3A = arith.constant 0 : i32
      %get3A_91 = arith.index_cast %get3A : i32 to index
      %get3A_92 = arith.index_cast %mul3A_90 : i32 to index
      %get3A_93 = tpu.vector_load %arg6[%get3A_91, %get3A_92] {strides = array<i32>} : memref<80x128xi32, #tpu.memory_space<vmem>>, vector<1x16xi32>,
      %get3A_94 = vector.shape_cast %get3A_93 : vector<1x16xi32> to vector<16xi32>
      %shift_right_logical3A = arith.constant 16 : i32
      %shift_right_logical3A_95 = vector.broadcast %shift_right_logical3A : i32 to vector<16xi32>
      %shift_right_logical3A_96 = arith.shrui %get3A_94, %shift_right_logical3A_95 : vector<16xi32>
      %swap3A = arith.constant 0 : i32
      %swap3A_97 = arith.index_cast %swap3A : i32 to index
      %swap3A_98 = arith.index_cast %mul3A_90 : i32 to index
      %swap3A_99 = tpu.vector_load %arg7[%swap3A_97, %swap3A_98] {strides = array<i32>} : memref<2x128xi32, #tpu.memory_space<vmem>>, vector<1x16xi32>,
      %swap3A_100 = vector.shape_cast %swap3A_99 : vector<1x16xi32> to vector<16xi32>
      %swap3A_101 = vector.shape_cast %shift_right_logical3A_96 : vector<16xi32> to vector<1x16xi32>
      tpu.vector_store %arg7[%swap3A_97, %swap3A_98], %swap3A_101 {strides = array<i32>} : memref<2x128xi32, #tpu.memory_space<vmem>>, vector<1x16xi32>,
      %and3A = arith.constant 65535 : i32
      %and3A_102 = vector.broadcast %and3A : i32 to vector<16xi32>
      %and3A_103 = arith.andi %get3A_94, %and3A_102 : vector<16xi32>
      %swap3A_104 = arith.constant 0 : i32
      %swap3A_105 = arith.index_cast %swap3A_104 : i32 to index
      %swap3A_106 = arith.index_cast %mul3A_90 : i32 to index
      %swap3A_107 = tpu.vector_load %arg8[%swap3A_105, %swap3A_106] {strides = array<i32>} : memref<2x128xi32, #tpu.memory_space<vmem>>, vector<1x16xi32>,
      %swap3A_108 = vector.shape_cast %swap3A_107 : vector<1x16xi32> to vector<16xi32>
      %swap3A_109 = vector.shape_cast %and3A_103 : vector<16xi32> to vector<1x16xi32>
      tpu.vector_store %arg8[%swap3A_105, %swap3A_106], %swap3A_109 {strides = array<i32>} : memref<2x128xi32, #tpu.memory_space<vmem>>, vector<1x16xi32>,
      %scan3A_110 = arith.constant 0 : i32
      scf.yield %scan3A_110 : i32
    }
    %scan3A_26 = arith.constant 8 : i32
    %dma_start3A = arith.constant 0 : i32
    %dma_start3A_27 = arith.constant 0 : i32
    %dma_start3A_28 = tpu.memref_slice %arg7[%dma_start3A, %dma_start3A_27] : memref<2x128xi32, #tpu.memory_space<vmem>> -> memref<1x128xi32, #tpu.memory_space<vmem>>
    %dma_start3A_29 = tpu.memref_squeeze %dma_start3A_28 : memref<1x128xi32, #tpu.memory_space<vmem>> -> memref<128xi32, #tpu.memory_space<vmem>>
    %dma_start3A_30 = arith.constant 0 : i32
    %dma_start3A_31 = arith.constant 0 : i32
    %dma_start3A_32 = tpu.memref_slice %arg2[%dma_start3A_30, %dma_start3A_31] : memref<10240x128xf32, #tpu.memory_space<hbm>> -> memref<10240x128xf32, #tpu.memory_space<hbm>>
    tpu.enqueue_indirect_dma source(%dma_start3A_32 : memref<10240x128xf32, #tpu.memory_space<hbm>>) target(%arg9 : memref<128x128xf32, #tpu.memory_space<vmem>>) offsets(%dma_start3A_29 : memref<128xi32, #tpu.memory_space<vmem>>) semaphore(%arg12 : memref<!tpu.dma_semaphore, #tpu.memory_space<semaphore_mem>>)
    %scan3A_33 = arith.constant 0 : i32
    %scan3A_34 = arith.constant 0 : i32
    %scan3A_35 = arith.constant 8 : i32
    %scan3A_36 = arith.addi %scan3A_34, %scan3A_35 : i32
    %scan3A_37 = arith.constant 1 : i32
    %scan3A_38 = scf.for %scan3A_87 = %scan3A_34 to %scan3A_36 step %scan3A_37 iter_args(%scan3A_88 = %scan3A_33) -> (i32)  : i32 {
      %mul3A_89 = arith.constant 16 : i32
      %mul3A_90 = arith.muli %scan3A_87, %mul3A_89 : i32
      %get3A = arith.constant 1 : i32
      %get3A_91 = arith.index_cast %get3A : i32 to index
      %get3A_92 = arith.index_cast %mul3A_90 : i32 to index
      %get3A_93 = tpu.vector_load %arg6[%get3A_91, %get3A_92] {strides = array<i32>} : memref<80x128xi32, #tpu.memory_space<vmem>>, vector<1x16xi32>,
      %get3A_94 = vector.shape_cast %get3A_93 : vector<1x16xi32> to vector<16xi32>
      %shift_right_logical3A = arith.constant 16 : i32
      %shift_right_logical3A_95 = vector.broadcast %shift_right_logical3A : i32 to vector<16xi32>
      %shift_right_logical3A_96 = arith.shrui %get3A_94, %shift_right_logical3A_95 : vector<16xi32>
      %swap3A = arith.constant 1 : i32
      %swap3A_97 = arith.index_cast %swap3A : i32 to index
      %swap3A_98 = arith.index_cast %mul3A_90 : i32 to index
      %swap3A_99 = tpu.vector_load %arg7[%swap3A_97, %swap3A_98] {strides = array<i32>} : memref<2x128xi32, #tpu.memory_space<vmem>>, vector<1x16xi32>,
      %swap3A_100 = vector.shape_cast %swap3A_99 : vector<1x16xi32> to vector<16xi32>
      %swap3A_101 = vector.shape_cast %shift_right_logical3A_96 : vector<16xi32> to vector<1x16xi32>
      tpu.vector_store %arg7[%swap3A_97, %swap3A_98], %swap3A_101 {strides = array<i32>} : memref<2x128xi32, #tpu.memory_space<vmem>>, vector<1x16xi32>,
      %and3A = arith.constant 65535 : i32
      %and3A_102 = vector.broadcast %and3A : i32 to vector<16xi32>
      %and3A_103 = arith.andi %get3A_94, %and3A_102 : vector<16xi32>
      %swap3A_104 = arith.constant 1 : i32
      %swap3A_105 = arith.index_cast %swap3A_104 : i32 to index
      %swap3A_106 = arith.index_cast %mul3A_90 : i32 to index
      %swap3A_107 = tpu.vector_load %arg8[%swap3A_105, %swap3A_106] {strides = array<i32>} : memref<2x128xi32, #tpu.memory_space<vmem>>, vector<1x16xi32>,
      %swap3A_108 = vector.shape_cast %swap3A_107 : vector<1x16xi32> to vector<16xi32>
      %swap3A_109 = vector.shape_cast %and3A_103 : vector<16xi32> to vector<1x16xi32>
      tpu.vector_store %arg8[%swap3A_105, %swap3A_106], %swap3A_109 {strides = array<i32>} : memref<2x128xi32, #tpu.memory_space<vmem>>, vector<1x16xi32>,
      %scan3A_110 = arith.constant 0 : i32
      scf.yield %scan3A_110 : i32
    }
    %scan3A_39 = arith.constant 8 : i32
    %dma_start3A_40 = arith.constant 1 : i32
    %dma_start3A_41 = arith.constant 0 : i32
    %dma_start3A_42 = tpu.memref_slice %arg7[%dma_start3A_40, %dma_start3A_41] : memref<2x128xi32, #tpu.memory_space<vmem>> -> memref<1x128xi32, #tpu.memory_space<vmem>>
    %dma_start3A_43 = tpu.memref_squeeze %dma_start3A_42 : memref<1x128xi32, #tpu.memory_space<vmem>> -> memref<128xi32, #tpu.memory_space<vmem>>
    %dma_start3A_44 = arith.constant 0 : i32
    %dma_start3A_45 = arith.constant 0 : i32
    %dma_start3A_46 = tpu.memref_slice %arg2[%dma_start3A_44, %dma_start3A_45] : memref<10240x128xf32, #tpu.memory_space<hbm>> -> memref<10240x128xf32, #tpu.memory_space<hbm>>
    tpu.enqueue_indirect_dma source(%dma_start3A_46 : memref<10240x128xf32, #tpu.memory_space<hbm>>) target(%arg10 : memref<128x128xf32, #tpu.memory_space<vmem>>) offsets(%dma_start3A_43 : memref<128xi32, #tpu.memory_space<vmem>>) semaphore(%arg13 : memref<!tpu.dma_semaphore, #tpu.memory_space<semaphore_mem>>)
    %scan3A_47 = arith.constant 0 : i32
    %scan3A_48 = arith.constant 0 : i32
    %scan3A_49 = arith.constant 39 : i32
    %scan3A_50 = arith.addi %scan3A_48, %scan3A_49 : i32
    %scan3A_51 = arith.constant 1 : i32
    %scan3A_52 = scf.for %scan3A_87 = %scan3A_48 to %scan3A_50 step %scan3A_51 iter_args(%scan3A_88 = %scan3A_47) -> (i32)  : i32 {
      %mul3A_89 = arith.constant 2 : i32
      %mul3A_90 = arith.muli %mul3A_89, %scan3A_87 : i32
      %add3A_91 = arith.constant 0 : i32
      %add3A_92 = arith.addi %mul3A_90, %add3A_91 : i32
      %dma_wait3A_93 = arith.constant 0 : i32
      %dma_wait3A_94 = arith.constant 0 : i32
      %dma_wait3A_95 = tpu.memref_slice %arg2[%dma_wait3A_93, %dma_wait3A_94] : memref<10240x128xf32, #tpu.memory_space<hbm>> -> memref<128x128xf32, #tpu.memory_space<hbm>>
      %dma_wait3A_96 = arith.constant 0 : i32
      %dma_wait3A_97 = arith.constant 0 : i32
      %dma_wait3A_98 = tpu.memref_slice %arg2[%dma_wait3A_96, %dma_wait3A_97] : memref<10240x128xf32, #tpu.memory_space<hbm>> -> memref<128x128xf32, #tpu.memory_space<hbm>>
      tpu.wait_dma2 semaphore(%arg12 : memref<!tpu.dma_semaphore, #tpu.memory_space<semaphore_mem>>) src(%dma_wait3A_98 : memref<128x128xf32, #tpu.memory_space<hbm>>) dst(%arg9 : memref<128x128xf32, #tpu.memory_space<vmem>>)
      %run_scoped3A_99 = arith.constant 0 : i32
      "tpu.region"() ({
        %run_scoped3A_144 = tpu.sem_alloc : memref<!tpu.dma_semaphore, #tpu.memory_space<semaphore_mem>>
        %dma_start3A_145 = arith.constant 0 : i32
        %dma_start3A_146 = tpu.memref_slice %arg8[%run_scoped3A_99, %dma_start3A_145] : memref<2x128xi32, #tpu.memory_space<vmem>> -> memref<1x128xi32, #tpu.memory_space<vmem>>
        %dma_start3A_147 = tpu.memref_squeeze %dma_start3A_146 : memref<1x128xi32, #tpu.memory_space<vmem>> -> memref<128xi32, #tpu.memory_space<vmem>>
        %dma_start3A_148 = arith.constant 0 : i32
        %dma_start3A_149 = arith.constant 0 : i32
        %dma_start3A_150 = tpu.memref_slice %arg11[%dma_start3A_148, %dma_start3A_149] : memref<10240x128xf32, #tpu.memory_space<vmem_shared>> -> memref<10240x128xf32, #tpu.memory_space<vmem_shared>>
        tpu.enqueue_indirect_dma source(%arg9 : memref<128x128xf32, #tpu.memory_space<vmem>>) target(%dma_start3A_150 : memref<10240x128xf32, #tpu.memory_space<vmem_shared>>) offsets(%dma_start3A_147 : memref<128xi32, #tpu.memory_space<vmem>>) semaphore(%run_scoped3A_144 : memref<!tpu.dma_semaphore, #tpu.memory_space<semaphore_mem>>) {add = true}
        %dma_wait3A_151 = arith.constant 0 : i32
        %dma_wait3A_152 = tpu.memref_slice %arg8[%run_scoped3A_99, %dma_wait3A_151] : memref<2x128xi32, #tpu.memory_space<vmem>> -> memref<1x128xi32, #tpu.memory_space<vmem>>
        %dma_wait3A_153 = tpu.memref_squeeze %dma_wait3A_152 : memref<1x128xi32, #tpu.memory_space<vmem>> -> memref<128xi32, #tpu.memory_space<vmem>>
        %dma_wait3A_154 = arith.constant 0 : i32
        %dma_wait3A_155 = arith.constant 0 : i32
        %dma_wait3A_156 = tpu.memref_slice %arg11[%dma_wait3A_154, %dma_wait3A_155] : memref<10240x128xf32, #tpu.memory_space<vmem_shared>> -> memref<10240x128xf32, #tpu.memory_space<vmem_shared>>
        tpu.wait_indirect_dma semaphore(%run_scoped3A_144 : memref<!tpu.dma_semaphore, #tpu.memory_space<semaphore_mem>>) src(%arg9 : memref<128x128xf32, #tpu.memory_space<vmem>>) dst(%dma_wait3A_156 : memref<10240x128xf32, #tpu.memory_space<vmem_shared>>)
        tpu.yield
      }) : () -> ()
      %add3A_100 = arith.constant 2 : i32
      %add3A_101 = arith.addi %add3A_92, %add3A_100 : i32
      %scan3A_102 = arith.constant 0 : i32
      %scan3A_103 = arith.constant 0 : i32
      %scan3A_104 = arith.constant 8 : i32
      %scan3A_105 = arith.addi %scan3A_103, %scan3A_104 : i32
      %scan3A_106 = arith.constant 1 : i32
      %scan3A_107 = scf.for %scan3A_144 = %scan3A_103 to %scan3A_105 step %scan3A_106 iter_args(%scan3A_145 = %scan3A_102) -> (i32)  : i32 {
        %mul3A_146 = arith.constant 16 : i32
        %mul3A_147 = arith.muli %scan3A_144, %mul3A_146 : i32
        %get3A = arith.index_cast %add3A_101 : i32 to index
        %get3A_148 = arith.index_cast %mul3A_147 : i32 to index
        %get3A_149 = tpu.vector_load %arg6[%get3A, %get3A_148] {strides = array<i32>} : memref<80x128xi32, #tpu.memory_space<vmem>>, vector<1x16xi32>,
        %get3A_150 = vector.shape_cast %get3A_149 : vector<1x16xi32> to vector<16xi32>
        %shift_right_logical3A = arith.constant 16 : i32
        %shift_right_logical3A_151 = vector.broadcast %shift_right_logical3A : i32 to vector<16xi32>
        %shift_right_logical3A_152 = arith.shrui %get3A_150, %shift_right_logical3A_151 : vector<16xi32>
        %swap3A = arith.constant 0 : i32
        %swap3A_153 = arith.index_cast %swap3A : i32 to index
        %swap3A_154 = arith.index_cast %mul3A_147 : i32 to index
        %swap3A_155 = tpu.vector_load %arg7[%swap3A_153, %swap3A_154] {strides = array<i32>} : memref<2x128xi32, #tpu.memory_space<vmem>>, vector<1x16xi32>,
        %swap3A_156 = vector.shape_cast %swap3A_155 : vector<1x16xi32> to vector<16xi32>
        %swap3A_157 = vector.shape_cast %shift_right_logical3A_152 : vector<16xi32> to vector<1x16xi32>
        tpu.vector_store %arg7[%swap3A_153, %swap3A_154], %swap3A_157 {strides = array<i32>} : memref<2x128xi32, #tpu.memory_space<vmem>>, vector<1x16xi32>,
        %and3A = arith.constant 65535 : i32
        %and3A_158 = vector.broadcast %and3A : i32 to vector<16xi32>
        %and3A_159 = arith.andi %get3A_150, %and3A_158 : vector<16xi32>
        %swap3A_160 = arith.constant 0 : i32
        %swap3A_161 = arith.index_cast %swap3A_160 : i32 to index
        %swap3A_162 = arith.index_cast %mul3A_147 : i32 to index
        %swap3A_163 = tpu.vector_load %arg8[%swap3A_161, %swap3A_162] {strides = array<i32>} : memref<2x128xi32, #tpu.memory_space<vmem>>, vector<1x16xi32>,
        %swap3A_164 = vector.shape_cast %swap3A_163 : vector<1x16xi32> to vector<16xi32>
        %swap3A_165 = vector.shape_cast %and3A_159 : vector<16xi32> to vector<1x16xi32>
        tpu.vector_store %arg8[%swap3A_161, %swap3A_162], %swap3A_165 {strides = array<i32>} : memref<2x128xi32, #tpu.memory_space<vmem>>, vector<1x16xi32>,
        %scan3A_166 = arith.constant 0 : i32
        scf.yield %scan3A_166 : i32
      }
      %scan3A_108 = arith.constant 8 : i32
      %dma_start3A_109 = arith.constant 0 : i32
      %dma_start3A_110 = arith.constant 0 : i32
      %dma_start3A_111 = tpu.memref_slice %arg7[%dma_start3A_109, %dma_start3A_110] : memref<2x128xi32, #tpu.memory_space<vmem>> -> memref<1x128xi32, #tpu.memory_space<vmem>>
      %dma_start3A_112 = tpu.memref_squeeze %dma_start3A_111 : memref<1x128xi32, #tpu.memory_space<vmem>> -> memref<128xi32, #tpu.memory_space<vmem>>
      %dma_start3A_113 = arith.constant 0 : i32
      %dma_start3A_114 = arith.constant 0 : i32
      %dma_start3A_115 = tpu.memref_slice %arg2[%dma_start3A_113, %dma_start3A_114] : memref<10240x128xf32, #tpu.memory_space<hbm>> -> memref<10240x128xf32, #tpu.memory_space<hbm>>
      tpu.enqueue_indirect_dma source(%dma_start3A_115 : memref<10240x128xf32, #tpu.memory_space<hbm>>) target(%arg9 : memref<128x128xf32, #tpu.memory_space<vmem>>) offsets(%dma_start3A_112 : memref<128xi32, #tpu.memory_space<vmem>>) semaphore(%arg12 : memref<!tpu.dma_semaphore, #tpu.memory_space<semaphore_mem>>)
      %mul3A_116 = arith.constant 2 : i32
      %mul3A_117 = arith.muli %mul3A_116, %scan3A_87 : i32
      %add3A_118 = arith.constant 1 : i32
      %add3A_119 = arith.addi %mul3A_117, %add3A_118 : i32
      %dma_wait3A_120 = arith.constant 0 : i32
      %dma_wait3A_121 = arith.constant 0 : i32
      %dma_wait3A_122 = tpu.memref_slice %arg2[%dma_wait3A_120, %dma_wait3A_121] : memref<10240x128xf32, #tpu.memory_space<hbm>> -> memref<128x128xf32, #tpu.memory_space<hbm>>
      %dma_wait3A_123 = arith.constant 0 : i32
      %dma_wait3A_124 = arith.constant 0 : i32
      %dma_wait3A_125 = tpu.memref_slice %arg2[%dma_wait3A_123, %dma_wait3A_124] : memref<10240x128xf32, #tpu.memory_space<hbm>> -> memref<128x128xf32, #tpu.memory_space<hbm>>
      tpu.wait_dma2 semaphore(%arg13 : memref<!tpu.dma_semaphore, #tpu.memory_space<semaphore_mem>>) src(%dma_wait3A_125 : memref<128x128xf32, #tpu.memory_space<hbm>>) dst(%arg10 : memref<128x128xf32, #tpu.memory_space<vmem>>)
      %run_scoped3A_126 = arith.constant 1 : i32
      "tpu.region"() ({
        %run_scoped3A_144 = tpu.sem_alloc : memref<!tpu.dma_semaphore, #tpu.memory_space<semaphore_mem>>
        %dma_start3A_145 = arith.constant 0 : i32
        %dma_start3A_146 = tpu.memref_slice %arg8[%run_scoped3A_126, %dma_start3A_145] : memref<2x128xi32, #tpu.memory_space<vmem>> -> memref<1x128xi32, #tpu.memory_space<vmem>>
        %dma_start3A_147 = tpu.memref_squeeze %dma_start3A_146 : memref<1x128xi32, #tpu.memory_space<vmem>> -> memref<128xi32, #tpu.memory_space<vmem>>
        %dma_start3A_148 = arith.constant 0 : i32
        %dma_start3A_149 = arith.constant 0 : i32
        %dma_start3A_150 = tpu.memref_slice %arg11[%dma_start3A_148, %dma_start3A_149] : memref<10240x128xf32, #tpu.memory_space<vmem_shared>> -> memref<10240x128xf32, #tpu.memory_space<vmem_shared>>
        tpu.enqueue_indirect_dma source(%arg10 : memref<128x128xf32, #tpu.memory_space<vmem>>) target(%dma_start3A_150 : memref<10240x128xf32, #tpu.memory_space<vmem_shared>>) offsets(%dma_start3A_147 : memref<128xi32, #tpu.memory_space<vmem>>) semaphore(%run_scoped3A_144 : memref<!tpu.dma_semaphore, #tpu.memory_space<semaphore_mem>>) {add = true}
        %dma_wait3A_151 = arith.constant 0 : i32
        %dma_wait3A_152 = tpu.memref_slice %arg8[%run_scoped3A_126, %dma_wait3A_151] : memref<2x128xi32, #tpu.memory_space<vmem>> -> memref<1x128xi32, #tpu.memory_space<vmem>>
        %dma_wait3A_153 = tpu.memref_squeeze %dma_wait3A_152 : memref<1x128xi32, #tpu.memory_space<vmem>> -> memref<128xi32, #tpu.memory_space<vmem>>
        %dma_wait3A_154 = arith.constant 0 : i32
        %dma_wait3A_155 = arith.constant 0 : i32
        %dma_wait3A_156 = tpu.memref_slice %arg11[%dma_wait3A_154, %dma_wait3A_155] : memref<10240x128xf32, #tpu.memory_space<vmem_shared>> -> memref<10240x128xf32, #tpu.memory_space<vmem_shared>>
        tpu.wait_indirect_dma semaphore(%run_scoped3A_144 : memref<!tpu.dma_semaphore, #tpu.memory_space<semaphore_mem>>) src(%arg10 : memref<128x128xf32, #tpu.memory_space<vmem>>) dst(%dma_wait3A_156 : memref<10240x128xf32, #tpu.memory_space<vmem_shared>>)
        tpu.yield
      }) : () -> ()
      %add3A_127 = arith.constant 2 : i32
      %add3A_128 = arith.addi %add3A_119, %add3A_127 : i32
      %scan3A_129 = arith.constant 0 : i32
      %scan3A_130 = arith.constant 0 : i32
      %scan3A_131 = arith.constant 8 : i32
      %scan3A_132 = arith.addi %scan3A_130, %scan3A_131 : i32
      %scan3A_133 = arith.constant 1 : i32
      %scan3A_134 = scf.for %scan3A_144 = %scan3A_130 to %scan3A_132 step %scan3A_133 iter_args(%scan3A_145 = %scan3A_129) -> (i32)  : i32 {
        %mul3A_146 = arith.constant 16 : i32
        %mul3A_147 = arith.muli %scan3A_144, %mul3A_146 : i32
        %get3A = arith.index_cast %add3A_128 : i32 to index
        %get3A_148 = arith.index_cast %mul3A_147 : i32 to index
        %get3A_149 = tpu.vector_load %arg6[%get3A, %get3A_148] {strides = array<i32>} : memref<80x128xi32, #tpu.memory_space<vmem>>, vector<1x16xi32>,
        %get3A_150 = vector.shape_cast %get3A_149 : vector<1x16xi32> to vector<16xi32>
        %shift_right_logical3A = arith.constant 16 : i32
        %shift_right_logical3A_151 = vector.broadcast %shift_right_logical3A : i32 to vector<16xi32>
        %shift_right_logical3A_152 = arith.shrui %get3A_150, %shift_right_logical3A_151 : vector<16xi32>
        %swap3A = arith.constant 1 : i32
        %swap3A_153 = arith.index_cast %swap3A : i32 to index
        %swap3A_154 = arith.index_cast %mul3A_147 : i32 to index
        %swap3A_155 = tpu.vector_load %arg7[%swap3A_153, %swap3A_154] {strides = array<i32>} : memref<2x128xi32, #tpu.memory_space<vmem>>, vector<1x16xi32>,
        %swap3A_156 = vector.shape_cast %swap3A_155 : vector<1x16xi32> to vector<16xi32>
        %swap3A_157 = vector.shape_cast %shift_right_logical3A_152 : vector<16xi32> to vector<1x16xi32>
        tpu.vector_store %arg7[%swap3A_153, %swap3A_154], %swap3A_157 {strides = array<i32>} : memref<2x128xi32, #tpu.memory_space<vmem>>, vector<1x16xi32>,
        %and3A = arith.constant 65535 : i32
        %and3A_158 = vector.broadcast %and3A : i32 to vector<16xi32>
        %and3A_159 = arith.andi %get3A_150, %and3A_158 : vector<16xi32>
        %swap3A_160 = arith.constant 1 : i32
        %swap3A_161 = arith.index_cast %swap3A_160 : i32 to index
        %swap3A_162 = arith.index_cast %mul3A_147 : i32 to index
        %swap3A_163 = tpu.vector_load %arg8[%swap3A_161, %swap3A_162] {strides = array<i32>} : memref<2x128xi32, #tpu.memory_space<vmem>>, vector<1x16xi32>,
        %swap3A_164 = vector.shape_cast %swap3A_163 : vector<1x16xi32> to vector<16xi32>
        %swap3A_165 = vector.shape_cast %and3A_159 : vector<16xi32> to vector<1x16xi32>
        tpu.vector_store %arg8[%swap3A_161, %swap3A_162], %swap3A_165 {strides = array<i32>} : memref<2x128xi32, #tpu.memory_space<vmem>>, vector<1x16xi32>,
        %scan3A_166 = arith.constant 0 : i32
        scf.yield %scan3A_166 : i32
      }
      %scan3A_135 = arith.constant 8 : i32
      %dma_start3A_136 = arith.constant 1 : i32
      %dma_start3A_137 = arith.constant 0 : i32
      %dma_start3A_138 = tpu.memref_slice %arg7[%dma_start3A_136, %dma_start3A_137] : memref<2x128xi32, #tpu.memory_space<vmem>> -> memref<1x128xi32, #tpu.memory_space<vmem>>
      %dma_start3A_139 = tpu.memref_squeeze %dma_start3A_138 : memref<1x128xi32, #tpu.memory_space<vmem>> -> memref<128xi32, #tpu.memory_space<vmem>>
      %dma_start3A_140 = arith.constant 0 : i32
      %dma_start3A_141 = arith.constant 0 : i32
      %dma_start3A_142 = tpu.memref_slice %arg2[%dma_start3A_140, %dma_start3A_141] : memref<10240x128xf32, #tpu.memory_space<hbm>> -> memref<10240x128xf32, #tpu.memory_space<hbm>>
      tpu.enqueue_indirect_dma source(%dma_start3A_142 : memref<10240x128xf32, #tpu.memory_space<hbm>>) target(%arg10 : memref<128x128xf32, #tpu.memory_space<vmem>>) offsets(%dma_start3A_139 : memref<128xi32, #tpu.memory_space<vmem>>) semaphore(%arg13 : memref<!tpu.dma_semaphore, #tpu.memory_space<semaphore_mem>>)
      %scan3A_143 = arith.constant 0 : i32
      scf.yield %scan3A_143 : i32
    }
    %scan3A_53 = arith.constant 39 : i32
    %dma_wait3A = arith.constant 0 : i32
    %dma_wait3A_54 = arith.constant 0 : i32
    %dma_wait3A_55 = tpu.memref_slice %arg2[%dma_wait3A, %dma_wait3A_54] : memref<10240x128xf32, #tpu.memory_space<hbm>> -> memref<128x128xf32, #tpu.memory_space<hbm>>
    %dma_wait3A_56 = arith.constant 0 : i32
    %dma_wait3A_57 = arith.constant 0 : i32
    %dma_wait3A_58 = tpu.memref_slice %arg2[%dma_wait3A_56, %dma_wait3A_57] : memref<10240x128xf32, #tpu.memory_space<hbm>> -> memref<128x128xf32, #tpu.memory_space<hbm>>
    tpu.wait_dma2 semaphore(%arg12 : memref<!tpu.dma_semaphore, #tpu.memory_space<semaphore_mem>>) src(%dma_wait3A_58 : memref<128x128xf32, #tpu.memory_space<hbm>>) dst(%arg9 : memref<128x128xf32, #tpu.memory_space<vmem>>)
    %run_scoped3A = arith.constant 0 : i32
    "tpu.region"() ({
      %run_scoped3A_87 = tpu.sem_alloc : memref<!tpu.dma_semaphore, #tpu.memory_space<semaphore_mem>>
      %dma_start3A_88 = arith.constant 0 : i32
      %dma_start3A_89 = tpu.memref_slice %arg8[%run_scoped3A, %dma_start3A_88] : memref<2x128xi32, #tpu.memory_space<vmem>> -> memref<1x128xi32, #tpu.memory_space<vmem>>
      %dma_start3A_90 = tpu.memref_squeeze %dma_start3A_89 : memref<1x128xi32, #tpu.memory_space<vmem>> -> memref<128xi32, #tpu.memory_space<vmem>>
      %dma_start3A_91 = arith.constant 0 : i32
      %dma_start3A_92 = arith.constant 0 : i32
      %dma_start3A_93 = tpu.memref_slice %arg11[%dma_start3A_91, %dma_start3A_92] : memref<10240x128xf32, #tpu.memory_space<vmem_shared>> -> memref<10240x128xf32, #tpu.memory_space<vmem_shared>>
      tpu.enqueue_indirect_dma source(%arg9 : memref<128x128xf32, #tpu.memory_space<vmem>>) target(%dma_start3A_93 : memref<10240x128xf32, #tpu.memory_space<vmem_shared>>) offsets(%dma_start3A_90 : memref<128xi32, #tpu.memory_space<vmem>>) semaphore(%run_scoped3A_87 : memref<!tpu.dma_semaphore, #tpu.memory_space<semaphore_mem>>) {add = true}
      %dma_wait3A_94 = arith.constant 0 : i32
      %dma_wait3A_95 = tpu.memref_slice %arg8[%run_scoped3A, %dma_wait3A_94] : memref<2x128xi32, #tpu.memory_space<vmem>> -> memref<1x128xi32, #tpu.memory_space<vmem>>
      %dma_wait3A_96 = tpu.memref_squeeze %dma_wait3A_95 : memref<1x128xi32, #tpu.memory_space<vmem>> -> memref<128xi32, #tpu.memory_space<vmem>>
      %dma_wait3A_97 = arith.constant 0 : i32
      %dma_wait3A_98 = arith.constant 0 : i32
      %dma_wait3A_99 = tpu.memref_slice %arg11[%dma_wait3A_97, %dma_wait3A_98] : memref<10240x128xf32, #tpu.memory_space<vmem_shared>> -> memref<10240x128xf32, #tpu.memory_space<vmem_shared>>
      tpu.wait_indirect_dma semaphore(%run_scoped3A_87 : memref<!tpu.dma_semaphore, #tpu.memory_space<semaphore_mem>>) src(%arg9 : memref<128x128xf32, #tpu.memory_space<vmem>>) dst(%dma_wait3A_99 : memref<10240x128xf32, #tpu.memory_space<vmem_shared>>)
      tpu.yield
    }) : () -> ()
    %dma_wait3A_59 = arith.constant 0 : i32
    %dma_wait3A_60 = arith.constant 0 : i32
    %dma_wait3A_61 = tpu.memref_slice %arg2[%dma_wait3A_59, %dma_wait3A_60] : memref<10240x128xf32, #tpu.memory_space<hbm>> -> memref<128x128xf32, #tpu.memory_space<hbm>>
    %dma_wait3A_62 = arith.constant 0 : i32
    %dma_wait3A_63 = arith.constant 0 : i32
    %dma_wait3A_64 = tpu.memref_slice %arg2[%dma_wait3A_62, %dma_wait3A_63] : memref<10240x128xf32, #tpu.memory_space<hbm>> -> memref<128x128xf32, #tpu.memory_space<hbm>>
    tpu.wait_dma2 semaphore(%arg13 : memref<!tpu.dma_semaphore, #tpu.memory_space<semaphore_mem>>) src(%dma_wait3A_64 : memref<128x128xf32, #tpu.memory_space<hbm>>) dst(%arg10 : memref<128x128xf32, #tpu.memory_space<vmem>>)
    %run_scoped3A_65 = arith.constant 1 : i32
    "tpu.region"() ({
      %run_scoped3A_87 = tpu.sem_alloc : memref<!tpu.dma_semaphore, #tpu.memory_space<semaphore_mem>>
      %dma_start3A_88 = arith.constant 0 : i32
      %dma_start3A_89 = tpu.memref_slice %arg8[%run_scoped3A_65, %dma_start3A_88] : memref<2x128xi32, #tpu.memory_space<vmem>> -> memref<1x128xi32, #tpu.memory_space<vmem>>
      %dma_start3A_90 = tpu.memref_squeeze %dma_start3A_89 : memref<1x128xi32, #tpu.memory_space<vmem>> -> memref<128xi32, #tpu.memory_space<vmem>>
      %dma_start3A_91 = arith.constant 0 : i32
      %dma_start3A_92 = arith.constant 0 : i32
      %dma_start3A_93 = tpu.memref_slice %arg11[%dma_start3A_91, %dma_start3A_92] : memref<10240x128xf32, #tpu.memory_space<vmem_shared>> -> memref<10240x128xf32, #tpu.memory_space<vmem_shared>>
      tpu.enqueue_indirect_dma source(%arg10 : memref<128x128xf32, #tpu.memory_space<vmem>>) target(%dma_start3A_93 : memref<10240x128xf32, #tpu.memory_space<vmem_shared>>) offsets(%dma_start3A_90 : memref<128xi32, #tpu.memory_space<vmem>>) semaphore(%run_scoped3A_87 : memref<!tpu.dma_semaphore, #tpu.memory_space<semaphore_mem>>) {add = true}
      %dma_wait3A_94 = arith.constant 0 : i32
      %dma_wait3A_95 = tpu.memref_slice %arg8[%run_scoped3A_65, %dma_wait3A_94] : memref<2x128xi32, #tpu.memory_space<vmem>> -> memref<1x128xi32, #tpu.memory_space<vmem>>
      %dma_wait3A_96 = tpu.memref_squeeze %dma_wait3A_95 : memref<1x128xi32, #tpu.memory_space<vmem>> -> memref<128xi32, #tpu.memory_space<vmem>>
      %dma_wait3A_97 = arith.constant 0 : i32
      %dma_wait3A_98 = arith.constant 0 : i32
      %dma_wait3A_99 = tpu.memref_slice %arg11[%dma_wait3A_97, %dma_wait3A_98] : memref<10240x128xf32, #tpu.memory_space<vmem_shared>> -> memref<10240x128xf32, #tpu.memory_space<vmem_shared>>
      tpu.wait_indirect_dma semaphore(%run_scoped3A_87 : memref<!tpu.dma_semaphore, #tpu.memory_space<semaphore_mem>>) src(%arg10 : memref<128x128xf32, #tpu.memory_space<vmem>>) dst(%dma_wait3A_99 : memref<10240x128xf32, #tpu.memory_space<vmem_shared>>)
      tpu.yield
    }) : () -> ()
    %barrier3A_66 = arith.constant 0 : index
    tpu.barrier barrier_id(%barrier3A_66)
    %mul3A_67 = arith.constant 640 : i32
    %mul3A_68 = arith.muli %arg1, %mul3A_67 : i32
    %add3A_69 = arith.constant 0 : i32
    %add3A_70 = arith.addi %mul3A_68, %add3A_69 : i32
    "tpu.region"() ({
      %run_scoped3A_87 = tpu.sem_alloc : memref<!tpu.dma_semaphore, #tpu.memory_space<semaphore_mem>>
      %dma_start3A_88 = arith.constant 0 : i32
      %dma_start3A_89 = tpu.memref_slice %arg11[%add3A_70, %dma_start3A_88] : memref<10240x128xf32, #tpu.memory_space<vmem_shared>> -> memref<128x128xf32, #tpu.memory_space<vmem_shared>>
      %dma_start3A_90 = arith.constant 0 : i32
      %dma_start3A_91 = tpu.memref_slice %arg11[%add3A_70, %dma_start3A_90] : memref<10240x128xf32, #tpu.memory_space<vmem_shared>> -> memref<128x128xf32, #tpu.memory_space<vmem_shared>>
      tpu.enqueue_dma source(%dma_start3A_91 : memref<128x128xf32, #tpu.memory_space<vmem_shared>>) target(%arg9 : memref<128x128xf32, #tpu.memory_space<vmem>>) target_semaphore(%run_scoped3A_87 : memref<!tpu.dma_semaphore, #tpu.memory_space<semaphore_mem>>)
      %dma_wait3A_92 = arith.constant 0 : i32
      %dma_wait3A_93 = tpu.memref_slice %arg11[%add3A_70, %dma_wait3A_92] : memref<10240x128xf32, #tpu.memory_space<vmem_shared>> -> memref<128x128xf32, #tpu.memory_space<vmem_shared>>
      %dma_wait3A_94 = arith.constant 0 : i32
      %dma_wait3A_95 = tpu.memref_slice %arg11[%add3A_70, %dma_wait3A_94] : memref<10240x128xf32, #tpu.memory_space<vmem_shared>> -> memref<128x128xf32, #tpu.memory_space<vmem_shared>>
      tpu.wait_dma2 semaphore(%run_scoped3A_87 : memref<!tpu.dma_semaphore, #tpu.memory_space<semaphore_mem>>) src(%dma_wait3A_95 : memref<128x128xf32, #tpu.memory_space<vmem_shared>>) dst(%arg9 : memref<128x128xf32, #tpu.memory_space<vmem>>)
      tpu.yield
    }) : () -> ()
    "tpu.region"() ({
      %run_scoped3A_87 = tpu.sem_alloc : memref<!tpu.dma_semaphore, #tpu.memory_space<semaphore_mem>>
      %dma_start3A_88 = arith.constant 0 : i32
      %dma_start3A_89 = tpu.memref_slice %arg5[%arg0, %add3A_70, %dma_start3A_88] : memref<2x10240x128xf32, #tpu.memory_space<hbm>> -> memref<1x128x128xf32, #tpu.memory_space<hbm>>
      %dma_start3A_90 = tpu.memref_squeeze %dma_start3A_89 : memref<1x128x128xf32, #tpu.memory_space<hbm>> -> memref<128x128xf32, #tpu.memory_space<hbm>>
      %dma_start3A_91 = arith.constant 0 : i32
      %dma_start3A_92 = tpu.memref_slice %arg5[%arg0, %add3A_70, %dma_start3A_91] : memref<2x10240x128xf32, #tpu.memory_space<hbm>> -> memref<1x128x128xf32, #tpu.memory_space<hbm>>
      %dma_start3A_93 = tpu.memref_squeeze %dma_start3A_92 : memref<1x128x128xf32, #tpu.memory_space<hbm>> -> memref<128x128xf32, #tpu.memory_space<hbm>>
      tpu.enqueue_dma source(%arg9 : memref<128x128xf32, #tpu.memory_space<vmem>>) target(%dma_start3A_93 : memref<128x128xf32, #tpu.memory_space<hbm>>) target_semaphore(%run_scoped3A_87 : memref<!tpu.dma_semaphore, #tpu.memory_space<semaphore_mem>>)
      %dma_wait3A_94 = arith.constant 0 : i32
      %dma_wait3A_95 = tpu.memref_slice %arg5[%arg0, %add3A_70, %dma_wait3A_94] : memref<2x10240x128xf32, #tpu.memory_space<hbm>> -> memref<1x128x128xf32, #tpu.memory_space<hbm>>
      %dma_wait3A_96 = tpu.memref_squeeze %dma_wait3A_95 : memref<1x128x128xf32, #tpu.memory_space<hbm>> -> memref<128x128xf32, #tpu.memory_space<hbm>>
      %dma_wait3A_97 = arith.constant 0 : i32
      %dma_wait3A_98 = tpu.memref_slice %arg5[%arg0, %add3A_70, %dma_wait3A_97] : memref<2x10240x128xf32, #tpu.memory_space<hbm>> -> memref<1x128x128xf32, #tpu.memory_space<hbm>>
      %dma_wait3A_99 = tpu.memref_squeeze %dma_wait3A_98 : memref<1x128x128xf32, #tpu.memory_space<hbm>> -> memref<128x128xf32, #tpu.memory_space<hbm>>
      tpu.wait_dma2 semaphore(%run_scoped3A_87 : memref<!tpu.dma_semaphore, #tpu.memory_space<semaphore_mem>>) src(%arg9 : memref<128x128xf32, #tpu.memory_space<vmem>>) dst(%dma_wait3A_99 : memref<128x128xf32, #tpu.memory_space<hbm>>)
      tpu.yield
    }) : () -> ()
    %mul3A_71 = arith.constant 640 : i32
    %mul3A_72 = arith.muli %arg1, %mul3A_71 : i32
    %add3A_73 = arith.constant 128 : i32
    %add3A_74 = arith.addi %mul3A_72, %add3A_73 : i32
    "tpu.region"() ({
      %run_scoped3A_87 = tpu.sem_alloc : memref<!tpu.dma_semaphore, #tpu.memory_space<semaphore_mem>>
      %dma_start3A_88 = arith.constant 0 : i32
      %dma_start3A_89 = tpu.memref_slice %arg11[%add3A_74, %dma_start3A_88] : memref<10240x128xf32, #tpu.memory_space<vmem_shared>> -> memref<128x128xf32, #tpu.memory_space<vmem_shared>>
      %dma_start3A_90 = arith.constant 0 : i32
      %dma_start3A_91 = tpu.memref_slice %arg11[%add3A_74, %dma_start3A_90] : memref<10240x128xf32, #tpu.memory_space<vmem_shared>> -> memref<128x128xf32, #tpu.memory_space<vmem_shared>>
      tpu.enqueue_dma source(%dma_start3A_91 : memref<128x128xf32, #tpu.memory_space<vmem_shared>>) target(%arg9 : memref<128x128xf32, #tpu.memory_space<vmem>>) target_semaphore(%run_scoped3A_87 : memref<!tpu.dma_semaphore, #tpu.memory_space<semaphore_mem>>)
      %dma_wait3A_92 = arith.constant 0 : i32
      %dma_wait3A_93 = tpu.memref_slice %arg11[%add3A_74, %dma_wait3A_92] : memref<10240x128xf32, #tpu.memory_space<vmem_shared>> -> memref<128x128xf32, #tpu.memory_space<vmem_shared>>
      %dma_wait3A_94 = arith.constant 0 : i32
      %dma_wait3A_95 = tpu.memref_slice %arg11[%add3A_74, %dma_wait3A_94] : memref<10240x128xf32, #tpu.memory_space<vmem_shared>> -> memref<128x128xf32, #tpu.memory_space<vmem_shared>>
      tpu.wait_dma2 semaphore(%run_scoped3A_87 : memref<!tpu.dma_semaphore, #tpu.memory_space<semaphore_mem>>) src(%dma_wait3A_95 : memref<128x128xf32, #tpu.memory_space<vmem_shared>>) dst(%arg9 : memref<128x128xf32, #tpu.memory_space<vmem>>)
      tpu.yield
    }) : () -> ()
    "tpu.region"() ({
      %run_scoped3A_87 = tpu.sem_alloc : memref<!tpu.dma_semaphore, #tpu.memory_space<semaphore_mem>>
      %dma_start3A_88 = arith.constant 0 : i32
      %dma_start3A_89 = tpu.memref_slice %arg5[%arg0, %add3A_74, %dma_start3A_88] : memref<2x10240x128xf32, #tpu.memory_space<hbm>> -> memref<1x128x128xf32, #tpu.memory_space<hbm>>
      %dma_start3A_90 = tpu.memref_squeeze %dma_start3A_89 : memref<1x128x128xf32, #tpu.memory_space<hbm>> -> memref<128x128xf32, #tpu.memory_space<hbm>>
      %dma_start3A_91 = arith.constant 0 : i32
      %dma_start3A_92 = tpu.memref_slice %arg5[%arg0, %add3A_74, %dma_start3A_91] : memref<2x10240x128xf32, #tpu.memory_space<hbm>> -> memref<1x128x128xf32, #tpu.memory_space<hbm>>
      %dma_start3A_93 = tpu.memref_squeeze %dma_start3A_92 : memref<1x128x128xf32, #tpu.memory_space<hbm>> -> memref<128x128xf32, #tpu.memory_space<hbm>>
      tpu.enqueue_dma source(%arg9 : memref<128x128xf32, #tpu.memory_space<vmem>>) target(%dma_start3A_93 : memref<128x128xf32, #tpu.memory_space<hbm>>) target_semaphore(%run_scoped3A_87 : memref<!tpu.dma_semaphore, #tpu.memory_space<semaphore_mem>>)
      %dma_wait3A_94 = arith.constant 0 : i32
      %dma_wait3A_95 = tpu.memref_slice %arg5[%arg0, %add3A_74, %dma_wait3A_94] : memref<2x10240x128xf32, #tpu.memory_space<hbm>> -> memref<1x128x128xf32, #tpu.memory_space<hbm>>
      %dma_wait3A_96 = tpu.memref_squeeze %dma_wait3A_95 : memref<1x128x128xf32, #tpu.memory_space<hbm>> -> memref<128x128xf32, #tpu.memory_space<hbm>>
      %dma_wait3A_97 = arith.constant 0 : i32
      %dma_wait3A_98 = tpu.memref_slice %arg5[%arg0, %add3A_74, %dma_wait3A_97] : memref<2x10240x128xf32, #tpu.memory_space<hbm>> -> memref<1x128x128xf32, #tpu.memory_space<hbm>>
      %dma_wait3A_99 = tpu.memref_squeeze %dma_wait3A_98 : memref<1x128x128xf32, #tpu.memory_space<hbm>> -> memref<128x128xf32, #tpu.memory_space<hbm>>
      tpu.wait_dma2 semaphore(%run_scoped3A_87 : memref<!tpu.dma_semaphore, #tpu.memory_space<semaphore_mem>>) src(%arg9 : memref<128x128xf32, #tpu.memory_space<vmem>>) dst(%dma_wait3A_99 : memref<128x128xf32, #tpu.memory_space<hbm>>)
      tpu.yield
    }) : () -> ()
    %mul3A_75 = arith.constant 640 : i32
    %mul3A_76 = arith.muli %arg1, %mul3A_75 : i32
    %add3A_77 = arith.constant 256 : i32
    %add3A_78 = arith.addi %mul3A_76, %add3A_77 : i32
    "tpu.region"() ({
      %run_scoped3A_87 = tpu.sem_alloc : memref<!tpu.dma_semaphore, #tpu.memory_space<semaphore_mem>>
      %dma_start3A_88 = arith.constant 0 : i32
      %dma_start3A_89 = tpu.memref_slice %arg11[%add3A_78, %dma_start3A_88] : memref<10240x128xf32, #tpu.memory_space<vmem_shared>> -> memref<128x128xf32, #tpu.memory_space<vmem_shared>>
      %dma_start3A_90 = arith.constant 0 : i32
      %dma_start3A_91 = tpu.memref_slice %arg11[%add3A_78, %dma_start3A_90] : memref<10240x128xf32, #tpu.memory_space<vmem_shared>> -> memref<128x128xf32, #tpu.memory_space<vmem_shared>>
      tpu.enqueue_dma source(%dma_start3A_91 : memref<128x128xf32, #tpu.memory_space<vmem_shared>>) target(%arg9 : memref<128x128xf32, #tpu.memory_space<vmem>>) target_semaphore(%run_scoped3A_87 : memref<!tpu.dma_semaphore, #tpu.memory_space<semaphore_mem>>)
      %dma_wait3A_92 = arith.constant 0 : i32
      %dma_wait3A_93 = tpu.memref_slice %arg11[%add3A_78, %dma_wait3A_92] : memref<10240x128xf32, #tpu.memory_space<vmem_shared>> -> memref<128x128xf32, #tpu.memory_space<vmem_shared>>
      %dma_wait3A_94 = arith.constant 0 : i32
      %dma_wait3A_95 = tpu.memref_slice %arg11[%add3A_78, %dma_wait3A_94] : memref<10240x128xf32, #tpu.memory_space<vmem_shared>> -> memref<128x128xf32, #tpu.memory_space<vmem_shared>>
      tpu.wait_dma2 semaphore(%run_scoped3A_87 : memref<!tpu.dma_semaphore, #tpu.memory_space<semaphore_mem>>) src(%dma_wait3A_95 : memref<128x128xf32, #tpu.memory_space<vmem_shared>>) dst(%arg9 : memref<128x128xf32, #tpu.memory_space<vmem>>)
      tpu.yield
    }) : () -> ()
    "tpu.region"() ({
      %run_scoped3A_87 = tpu.sem_alloc : memref<!tpu.dma_semaphore, #tpu.memory_space<semaphore_mem>>
      %dma_start3A_88 = arith.constant 0 : i32
      %dma_start3A_89 = tpu.memref_slice %arg5[%arg0, %add3A_78, %dma_start3A_88] : memref<2x10240x128xf32, #tpu.memory_space<hbm>> -> memref<1x128x128xf32, #tpu.memory_space<hbm>>
      %dma_start3A_90 = tpu.memref_squeeze %dma_start3A_89 : memref<1x128x128xf32, #tpu.memory_space<hbm>> -> memref<128x128xf32, #tpu.memory_space<hbm>>
      %dma_start3A_91 = arith.constant 0 : i32
      %dma_start3A_92 = tpu.memref_slice %arg5[%arg0, %add3A_78, %dma_start3A_91] : memref<2x10240x128xf32, #tpu.memory_space<hbm>> -> memref<1x128x128xf32, #tpu.memory_space<hbm>>
      %dma_start3A_93 = tpu.memref_squeeze %dma_start3A_92 : memref<1x128x128xf32, #tpu.memory_space<hbm>> -> memref<128x128xf32, #tpu.memory_space<hbm>>
      tpu.enqueue_dma source(%arg9 : memref<128x128xf32, #tpu.memory_space<vmem>>) target(%dma_start3A_93 : memref<128x128xf32, #tpu.memory_space<hbm>>) target_semaphore(%run_scoped3A_87 : memref<!tpu.dma_semaphore, #tpu.memory_space<semaphore_mem>>)
      %dma_wait3A_94 = arith.constant 0 : i32
      %dma_wait3A_95 = tpu.memref_slice %arg5[%arg0, %add3A_78, %dma_wait3A_94] : memref<2x10240x128xf32, #tpu.memory_space<hbm>> -> memref<1x128x128xf32, #tpu.memory_space<hbm>>
      %dma_wait3A_96 = tpu.memref_squeeze %dma_wait3A_95 : memref<1x128x128xf32, #tpu.memory_space<hbm>> -> memref<128x128xf32, #tpu.memory_space<hbm>>
      %dma_wait3A_97 = arith.constant 0 : i32
      %dma_wait3A_98 = tpu.memref_slice %arg5[%arg0, %add3A_78, %dma_wait3A_97] : memref<2x10240x128xf32, #tpu.memory_space<hbm>> -> memref<1x128x128xf32, #tpu.memory_space<hbm>>
      %dma_wait3A_99 = tpu.memref_squeeze %dma_wait3A_98 : memref<1x128x128xf32, #tpu.memory_space<hbm>> -> memref<128x128xf32, #tpu.memory_space<hbm>>
      tpu.wait_dma2 semaphore(%run_scoped3A_87 : memref<!tpu.dma_semaphore, #tpu.memory_space<semaphore_mem>>) src(%arg9 : memref<128x128xf32, #tpu.memory_space<vmem>>) dst(%dma_wait3A_99 : memref<128x128xf32, #tpu.memory_space<hbm>>)
      tpu.yield
    }) : () -> ()
    %mul3A_79 = arith.constant 640 : i32
    %mul3A_80 = arith.muli %arg1, %mul3A_79 : i32
    %add3A_81 = arith.constant 384 : i32
    %add3A_82 = arith.addi %mul3A_80, %add3A_81 : i32
    "tpu.region"() ({
      %run_scoped3A_87 = tpu.sem_alloc : memref<!tpu.dma_semaphore, #tpu.memory_space<semaphore_mem>>
      %dma_start3A_88 = arith.constant 0 : i32
      %dma_start3A_89 = tpu.memref_slice %arg11[%add3A_82, %dma_start3A_88] : memref<10240x128xf32, #tpu.memory_space<vmem_shared>> -> memref<128x128xf32, #tpu.memory_space<vmem_shared>>
      %dma_start3A_90 = arith.constant 0 : i32
      %dma_start3A_91 = tpu.memref_slice %arg11[%add3A_82, %dma_start3A_90] : memref<10240x128xf32, #tpu.memory_space<vmem_shared>> -> memref<128x128xf32, #tpu.memory_space<vmem_shared>>
      tpu.enqueue_dma source(%dma_start3A_91 : memref<128x128xf32, #tpu.memory_space<vmem_shared>>) target(%arg9 : memref<128x128xf32, #tpu.memory_space<vmem>>) target_semaphore(%run_scoped3A_87 : memref<!tpu.dma_semaphore, #tpu.memory_space<semaphore_mem>>)
      %dma_wait3A_92 = arith.constant 0 : i32
      %dma_wait3A_93 = tpu.memref_slice %arg11[%add3A_82, %dma_wait3A_92] : memref<10240x128xf32, #tpu.memory_space<vmem_shared>> -> memref<128x128xf32, #tpu.memory_space<vmem_shared>>
      %dma_wait3A_94 = arith.constant 0 : i32
      %dma_wait3A_95 = tpu.memref_slice %arg11[%add3A_82, %dma_wait3A_94] : memref<10240x128xf32, #tpu.memory_space<vmem_shared>> -> memref<128x128xf32, #tpu.memory_space<vmem_shared>>
      tpu.wait_dma2 semaphore(%run_scoped3A_87 : memref<!tpu.dma_semaphore, #tpu.memory_space<semaphore_mem>>) src(%dma_wait3A_95 : memref<128x128xf32, #tpu.memory_space<vmem_shared>>) dst(%arg9 : memref<128x128xf32, #tpu.memory_space<vmem>>)
      tpu.yield
    }) : () -> ()
    "tpu.region"() ({
      %run_scoped3A_87 = tpu.sem_alloc : memref<!tpu.dma_semaphore, #tpu.memory_space<semaphore_mem>>
      %dma_start3A_88 = arith.constant 0 : i32
      %dma_start3A_89 = tpu.memref_slice %arg5[%arg0, %add3A_82, %dma_start3A_88] : memref<2x10240x128xf32, #tpu.memory_space<hbm>> -> memref<1x128x128xf32, #tpu.memory_space<hbm>>
      %dma_start3A_90 = tpu.memref_squeeze %dma_start3A_89 : memref<1x128x128xf32, #tpu.memory_space<hbm>> -> memref<128x128xf32, #tpu.memory_space<hbm>>
      %dma_start3A_91 = arith.constant 0 : i32
      %dma_start3A_92 = tpu.memref_slice %arg5[%arg0, %add3A_82, %dma_start3A_91] : memref<2x10240x128xf32, #tpu.memory_space<hbm>> -> memref<1x128x128xf32, #tpu.memory_space<hbm>>
      %dma_start3A_93 = tpu.memref_squeeze %dma_start3A_92 : memref<1x128x128xf32, #tpu.memory_space<hbm>> -> memref<128x128xf32, #tpu.memory_space<hbm>>
      tpu.enqueue_dma source(%arg9 : memref<128x128xf32, #tpu.memory_space<vmem>>) target(%dma_start3A_93 : memref<128x128xf32, #tpu.memory_space<hbm>>) target_semaphore(%run_scoped3A_87 : memref<!tpu.dma_semaphore, #tpu.memory_space<semaphore_mem>>)
      %dma_wait3A_94 = arith.constant 0 : i32
      %dma_wait3A_95 = tpu.memref_slice %arg5[%arg0, %add3A_82, %dma_wait3A_94] : memref<2x10240x128xf32, #tpu.memory_space<hbm>> -> memref<1x128x128xf32, #tpu.memory_space<hbm>>
      %dma_wait3A_96 = tpu.memref_squeeze %dma_wait3A_95 : memref<1x128x128xf32, #tpu.memory_space<hbm>> -> memref<128x128xf32, #tpu.memory_space<hbm>>
      %dma_wait3A_97 = arith.constant 0 : i32
      %dma_wait3A_98 = tpu.memref_slice %arg5[%arg0, %add3A_82, %dma_wait3A_97] : memref<2x10240x128xf32, #tpu.memory_space<hbm>> -> memref<1x128x128xf32, #tpu.memory_space<hbm>>
      %dma_wait3A_99 = tpu.memref_squeeze %dma_wait3A_98 : memref<1x128x128xf32, #tpu.memory_space<hbm>> -> memref<128x128xf32, #tpu.memory_space<hbm>>
      tpu.wait_dma2 semaphore(%run_scoped3A_87 : memref<!tpu.dma_semaphore, #tpu.memory_space<semaphore_mem>>) src(%arg9 : memref<128x128xf32, #tpu.memory_space<vmem>>) dst(%dma_wait3A_99 : memref<128x128xf32, #tpu.memory_space<hbm>>)
      tpu.yield
    }) : () -> ()
    %mul3A_83 = arith.constant 640 : i32
    %mul3A_84 = arith.muli %arg1, %mul3A_83 : i32
    %add3A_85 = arith.constant 512 : i32
    %add3A_86 = arith.addi %mul3A_84, %add3A_85 : i32
    "tpu.region"() ({
      %run_scoped3A_87 = tpu.sem_alloc : memref<!tpu.dma_semaphore, #tpu.memory_space<semaphore_mem>>
      %dma_start3A_88 = arith.constant 0 : i32
      %dma_start3A_89 = tpu.memref_slice %arg11[%add3A_86, %dma_start3A_88] : memref<10240x128xf32, #tpu.memory_space<vmem_shared>> -> memref<128x128xf32, #tpu.memory_space<vmem_shared>>
      %dma_start3A_90 = arith.constant 0 : i32
      %dma_start3A_91 = tpu.memref_slice %arg11[%add3A_86, %dma_start3A_90] : memref<10240x128xf32, #tpu.memory_space<vmem_shared>> -> memref<128x128xf32, #tpu.memory_space<vmem_shared>>
      tpu.enqueue_dma source(%dma_start3A_91 : memref<128x128xf32, #tpu.memory_space<vmem_shared>>) target(%arg9 : memref<128x128xf32, #tpu.memory_space<vmem>>) target_semaphore(%run_scoped3A_87 : memref<!tpu.dma_semaphore, #tpu.memory_space<semaphore_mem>>)
      %dma_wait3A_92 = arith.constant 0 : i32
      %dma_wait3A_93 = tpu.memref_slice %arg11[%add3A_86, %dma_wait3A_92] : memref<10240x128xf32, #tpu.memory_space<vmem_shared>> -> memref<128x128xf32, #tpu.memory_space<vmem_shared>>
      %dma_wait3A_94 = arith.constant 0 : i32
      %dma_wait3A_95 = tpu.memref_slice %arg11[%add3A_86, %dma_wait3A_94] : memref<10240x128xf32, #tpu.memory_space<vmem_shared>> -> memref<128x128xf32, #tpu.memory_space<vmem_shared>>
      tpu.wait_dma2 semaphore(%run_scoped3A_87 : memref<!tpu.dma_semaphore, #tpu.memory_space<semaphore_mem>>) src(%dma_wait3A_95 : memref<128x128xf32, #tpu.memory_space<vmem_shared>>) dst(%arg9 : memref<128x128xf32, #tpu.memory_space<vmem>>)
      tpu.yield
    }) : () -> ()
    "tpu.region"() ({
      %run_scoped3A_87 = tpu.sem_alloc : memref<!tpu.dma_semaphore, #tpu.memory_space<semaphore_mem>>
      %dma_start3A_88 = arith.constant 0 : i32
      %dma_start3A_89 = tpu.memref_slice %arg5[%arg0, %add3A_86, %dma_start3A_88] : memref<2x10240x128xf32, #tpu.memory_space<hbm>> -> memref<1x128x128xf32, #tpu.memory_space<hbm>>
      %dma_start3A_90 = tpu.memref_squeeze %dma_start3A_89 : memref<1x128x128xf32, #tpu.memory_space<hbm>> -> memref<128x128xf32, #tpu.memory_space<hbm>>
      %dma_start3A_91 = arith.constant 0 : i32
      %dma_start3A_92 = tpu.memref_slice %arg5[%arg0, %add3A_86, %dma_start3A_91] : memref<2x10240x128xf32, #tpu.memory_space<hbm>> -> memref<1x128x128xf32, #tpu.memory_space<hbm>>
      %dma_start3A_93 = tpu.memref_squeeze %dma_start3A_92 : memref<1x128x128xf32, #tpu.memory_space<hbm>> -> memref<128x128xf32, #tpu.memory_space<hbm>>
      tpu.enqueue_dma source(%arg9 : memref<128x128xf32, #tpu.memory_space<vmem>>) target(%dma_start3A_93 : memref<128x128xf32, #tpu.memory_space<hbm>>) target_semaphore(%run_scoped3A_87 : memref<!tpu.dma_semaphore, #tpu.memory_space<semaphore_mem>>)
      %dma_wait3A_94 = arith.constant 0 : i32
      %dma_wait3A_95 = tpu.memref_slice %arg5[%arg0, %add3A_86, %dma_wait3A_94] : memref<2x10240x128xf32, #tpu.memory_space<hbm>> -> memref<1x128x128xf32, #tpu.memory_space<hbm>>
      %dma_wait3A_96 = tpu.memref_squeeze %dma_wait3A_95 : memref<1x128x128xf32, #tpu.memory_space<hbm>> -> memref<128x128xf32, #tpu.memory_space<hbm>>
      %dma_wait3A_97 = arith.constant 0 : i32
      %dma_wait3A_98 = tpu.memref_slice %arg5[%arg0, %add3A_86, %dma_wait3A_97] : memref<2x10240x128xf32, #tpu.memory_space<hbm>> -> memref<1x128x128xf32, #tpu.memory_space<hbm>>
      %dma_wait3A_99 = tpu.memref_squeeze %dma_wait3A_98 : memref<1x128x128xf32, #tpu.memory_space<hbm>> -> memref<128x128xf32, #tpu.memory_space<hbm>>
      tpu.wait_dma2 semaphore(%run_scoped3A_87 : memref<!tpu.dma_semaphore, #tpu.memory_space<semaphore_mem>>) src(%arg9 : memref<128x128xf32, #tpu.memory_space<vmem>>) dst(%dma_wait3A_99 : memref<128x128xf32, #tpu.memory_space<hbm>>)
      tpu.yield
    }) : () -> ()
    return
  }
}

#map = affine_map<(d0, d1) -> (0, 0)>
#map1 = affine_map<(d0, d1) -> (0, 0, 0)>
module attributes {stable_mosaic.version = 14 : i64} {
  func.func @_agg_body(%arg0: i32, %arg1: i32, %arg2: memref<10240x128xf32, #tpu.memory_space<hbm>>, %arg3: memref<32x80x128xi32, #tpu.memory_space<hbm>>, %arg4: memref<128x128xf32, #tpu.memory_space<hbm>>, %arg5: memref<2x10240x128xf32, #tpu.memory_space<hbm>>, %arg6: memref<80x128xi32, #tpu.memory_space<vmem>>, %arg7: memref<2x128xi32, #tpu.memory_space<vmem>>, %arg8: memref<2x128xi32, #tpu.memory_space<vmem>>, %arg9: memref<128x128xf32, #tpu.memory_space<vmem>>, %arg10: memref<128x128xf32, #tpu.memory_space<vmem>>, %arg11: memref<10240x128xf32, #tpu.memory_space<vmem_shared>>, %arg12: memref<!tpu.dma_semaphore, #tpu.memory_space<semaphore_mem>>, %arg13: memref<!tpu.dma_semaphore, #tpu.memory_space<semaphore_mem>>) attributes {dimension_semantics = [#tpu.dimension_semantics<core_parallel>, #tpu.dimension_semantics<subcore_parallel>], iteration_bounds = array<i64: 2, 16>, scalar_prefetch = 0 : i64, scratch_operands = 8 : i64, tpu.core_type = #tpu.core_type<sc_vector_subcore>, window_params = [{transform_indices = #map}, {transform_indices = #map1}, {transform_indices = #map}, {transform_indices = #map1}]} {
    %mul3A = arith.constant 16 : i32
    %mul3A_0 = arith.muli %arg0, %mul3A : i32
    %add3A = arith.addi %mul3A_0, %arg1 : i32
    "tpu.region"() ({
      %run_scoped3A_87 = tpu.sem_alloc : memref<!tpu.dma_semaphore, #tpu.memory_space<semaphore_mem>>
      %dma_start3A_88 = arith.constant 0 : i32
      %dma_start3A_89 = arith.constant 0 : i32
      %dma_start3A_90 = tpu.memref_slice %arg3[%add3A, %dma_start3A_88, %dma_start3A_89] : memref<32x80x128xi32, #tpu.memory_space<hbm>> -> memref<1x80x128xi32, #tpu.memory_space<hbm>>
      %dma_start3A_91 = tpu.memref_squeeze %dma_start3A_90 : memref<1x80x128xi32, #tpu.memory_space<hbm>> -> memref<80x128xi32, #tpu.memory_space<hbm>>
      %dma_start3A_92 = arith.constant 0 : i32
      %dma_start3A_93 = arith.constant 0 : i32
      %dma_start3A_94 = tpu.memref_slice %arg3[%add3A, %dma_start3A_92, %dma_start3A_93] : memref<32x80x128xi32, #tpu.memory_space<hbm>> -> memref<1x80x128xi32, #tpu.memory_space<hbm>>
      %dma_start3A_95 = tpu.memref_squeeze %dma_start3A_94 : memref<1x80x128xi32, #tpu.memory_space<hbm>> -> memref<80x128xi32, #tpu.memory_space<hbm>>
      tpu.enqueue_dma source(%dma_start3A_95 : memref<80x128xi32, #tpu.memory_space<hbm>>) target(%arg6 : memref<80x128xi32, #tpu.memory_space<vmem>>) target_semaphore(%run_scoped3A_87 : memref<!tpu.dma_semaphore, #tpu.memory_space<semaphore_mem>>)
      %dma_wait3A_96 = arith.constant 0 : i32
      %dma_wait3A_97 = arith.constant 0 : i32
      %dma_wait3A_98 = tpu.memref_slice %arg3[%add3A, %dma_wait3A_96, %dma_wait3A_97] : memref<32x80x128xi32, #tpu.memory_space<hbm>> -> memref<1x80x128xi32, #tpu.memory_space<hbm>>
      %dma_wait3A_99 = tpu.memref_squeeze %dma_wait3A_98 : memref<1x80x128xi32, #tpu.memory_space<hbm>> -> memref<80x128xi32, #tpu.memory_space<hbm>>
      %dma_wait3A_100 = arith.constant 0 : i32
      %dma_wait3A_101 = arith.constant 0 : i32
      %dma_wait3A_102 = tpu.memref_slice %arg3[%add3A, %dma_wait3A_100, %dma_wait3A_101] : memref<32x80x128xi32, #tpu.memory_space<hbm>> -> memref<1x80x128xi32, #tpu.memory_space<hbm>>
      %dma_wait3A_103 = tpu.memref_squeeze %dma_wait3A_102 : memref<1x80x128xi32, #tpu.memory_space<hbm>> -> memref<80x128xi32, #tpu.memory_space<hbm>>
      tpu.wait_dma2 semaphore(%run_scoped3A_87 : memref<!tpu.dma_semaphore, #tpu.memory_space<semaphore_mem>>) src(%dma_wait3A_103 : memref<80x128xi32, #tpu.memory_space<hbm>>) dst(%arg6 : memref<80x128xi32, #tpu.memory_space<vmem>>)
      tpu.yield
    }) : () -> ()
    "tpu.region"() ({
      %run_scoped3A_87 = tpu.sem_alloc : memref<!tpu.dma_semaphore, #tpu.memory_space<semaphore_mem>>
      tpu.enqueue_dma source(%arg4 : memref<128x128xf32, #tpu.memory_space<hbm>>) target(%arg9 : memref<128x128xf32, #tpu.memory_space<vmem>>) target_semaphore(%run_scoped3A_87 : memref<!tpu.dma_semaphore, #tpu.memory_space<semaphore_mem>>)
      tpu.wait_dma2 semaphore(%run_scoped3A_87 : memref<!tpu.dma_semaphore, #tpu.memory_space<semaphore_mem>>) src(%arg4 : memref<128x128xf32, #tpu.memory_space<hbm>>) dst(%arg9 : memref<128x128xf32, #tpu.memory_space<vmem>>)
      tpu.yield
    }) : () -> ()
    %mul3A_1 = arith.constant 640 : i32
    %mul3A_2 = arith.muli %arg1, %mul3A_1 : i32
    %add3A_3 = arith.constant 0 : i32
    %add3A_4 = arith.addi %mul3A_2, %add3A_3 : i32
    "tpu.region"() ({
      %run_scoped3A_87 = tpu.sem_alloc : memref<!tpu.dma_semaphore, #tpu.memory_space<semaphore_mem>>
      %dma_start3A_88 = arith.constant 0 : i32
      %dma_start3A_89 = tpu.memref_slice %arg11[%add3A_4, %dma_start3A_88] : memref<10240x128xf32, #tpu.memory_space<vmem_shared>> -> memref<128x128xf32, #tpu.memory_space<vmem_shared>>
      %dma_start3A_90 = arith.constant 0 : i32
      %dma_start3A_91 = tpu.memref_slice %arg11[%add3A_4, %dma_start3A_90] : memref<10240x128xf32, #tpu.memory_space<vmem_shared>> -> memref<128x128xf32, #tpu.memory_space<vmem_shared>>
      tpu.enqueue_dma source(%arg9 : memref<128x128xf32, #tpu.memory_space<vmem>>) target(%dma_start3A_91 : memref<128x128xf32, #tpu.memory_space<vmem_shared>>) target_semaphore(%run_scoped3A_87 : memref<!tpu.dma_semaphore, #tpu.memory_space<semaphore_mem>>)
      %dma_wait3A_92 = arith.constant 0 : i32
      %dma_wait3A_93 = tpu.memref_slice %arg11[%add3A_4, %dma_wait3A_92] : memref<10240x128xf32, #tpu.memory_space<vmem_shared>> -> memref<128x128xf32, #tpu.memory_space<vmem_shared>>
      %dma_wait3A_94 = arith.constant 0 : i32
      %dma_wait3A_95 = tpu.memref_slice %arg11[%add3A_4, %dma_wait3A_94] : memref<10240x128xf32, #tpu.memory_space<vmem_shared>> -> memref<128x128xf32, #tpu.memory_space<vmem_shared>>
      tpu.wait_dma2 semaphore(%run_scoped3A_87 : memref<!tpu.dma_semaphore, #tpu.memory_space<semaphore_mem>>) src(%arg9 : memref<128x128xf32, #tpu.memory_space<vmem>>) dst(%dma_wait3A_95 : memref<128x128xf32, #tpu.memory_space<vmem_shared>>)
      tpu.yield
    }) : () -> ()
    %mul3A_5 = arith.constant 640 : i32
    %mul3A_6 = arith.muli %arg1, %mul3A_5 : i32
    %add3A_7 = arith.constant 128 : i32
    %add3A_8 = arith.addi %mul3A_6, %add3A_7 : i32
    "tpu.region"() ({
      %run_scoped3A_87 = tpu.sem_alloc : memref<!tpu.dma_semaphore, #tpu.memory_space<semaphore_mem>>
      %dma_start3A_88 = arith.constant 0 : i32
      %dma_start3A_89 = tpu.memref_slice %arg11[%add3A_8, %dma_start3A_88] : memref<10240x128xf32, #tpu.memory_space<vmem_shared>> -> memref<128x128xf32, #tpu.memory_space<vmem_shared>>
      %dma_start3A_90 = arith.constant 0 : i32
      %dma_start3A_91 = tpu.memref_slice %arg11[%add3A_8, %dma_start3A_90] : memref<10240x128xf32, #tpu.memory_space<vmem_shared>> -> memref<128x128xf32, #tpu.memory_space<vmem_shared>>
      tpu.enqueue_dma source(%arg9 : memref<128x128xf32, #tpu.memory_space<vmem>>) target(%dma_start3A_91 : memref<128x128xf32, #tpu.memory_space<vmem_shared>>) target_semaphore(%run_scoped3A_87 : memref<!tpu.dma_semaphore, #tpu.memory_space<semaphore_mem>>)
      %dma_wait3A_92 = arith.constant 0 : i32
      %dma_wait3A_93 = tpu.memref_slice %arg11[%add3A_8, %dma_wait3A_92] : memref<10240x128xf32, #tpu.memory_space<vmem_shared>> -> memref<128x128xf32, #tpu.memory_space<vmem_shared>>
      %dma_wait3A_94 = arith.constant 0 : i32
      %dma_wait3A_95 = tpu.memref_slice %arg11[%add3A_8, %dma_wait3A_94] : memref<10240x128xf32, #tpu.memory_space<vmem_shared>> -> memref<128x128xf32, #tpu.memory_space<vmem_shared>>
      tpu.wait_dma2 semaphore(%run_scoped3A_87 : memref<!tpu.dma_semaphore, #tpu.memory_space<semaphore_mem>>) src(%arg9 : memref<128x128xf32, #tpu.memory_space<vmem>>) dst(%dma_wait3A_95 : memref<128x128xf32, #tpu.memory_space<vmem_shared>>)
      tpu.yield
    }) : () -> ()
    %mul3A_9 = arith.constant 640 : i32
    %mul3A_10 = arith.muli %arg1, %mul3A_9 : i32
    %add3A_11 = arith.constant 256 : i32
    %add3A_12 = arith.addi %mul3A_10, %add3A_11 : i32
    "tpu.region"() ({
      %run_scoped3A_87 = tpu.sem_alloc : memref<!tpu.dma_semaphore, #tpu.memory_space<semaphore_mem>>
      %dma_start3A_88 = arith.constant 0 : i32
      %dma_start3A_89 = tpu.memref_slice %arg11[%add3A_12, %dma_start3A_88] : memref<10240x128xf32, #tpu.memory_space<vmem_shared>> -> memref<128x128xf32, #tpu.memory_space<vmem_shared>>
      %dma_start3A_90 = arith.constant 0 : i32
      %dma_start3A_91 = tpu.memref_slice %arg11[%add3A_12, %dma_start3A_90] : memref<10240x128xf32, #tpu.memory_space<vmem_shared>> -> memref<128x128xf32, #tpu.memory_space<vmem_shared>>
      tpu.enqueue_dma source(%arg9 : memref<128x128xf32, #tpu.memory_space<vmem>>) target(%dma_start3A_91 : memref<128x128xf32, #tpu.memory_space<vmem_shared>>) target_semaphore(%run_scoped3A_87 : memref<!tpu.dma_semaphore, #tpu.memory_space<semaphore_mem>>)
      %dma_wait3A_92 = arith.constant 0 : i32
      %dma_wait3A_93 = tpu.memref_slice %arg11[%add3A_12, %dma_wait3A_92] : memref<10240x128xf32, #tpu.memory_space<vmem_shared>> -> memref<128x128xf32, #tpu.memory_space<vmem_shared>>
      %dma_wait3A_94 = arith.constant 0 : i32
      %dma_wait3A_95 = tpu.memref_slice %arg11[%add3A_12, %dma_wait3A_94] : memref<10240x128xf32, #tpu.memory_space<vmem_shared>> -> memref<128x128xf32, #tpu.memory_space<vmem_shared>>
      tpu.wait_dma2 semaphore(%run_scoped3A_87 : memref<!tpu.dma_semaphore, #tpu.memory_space<semaphore_mem>>) src(%arg9 : memref<128x128xf32, #tpu.memory_space<vmem>>) dst(%dma_wait3A_95 : memref<128x128xf32, #tpu.memory_space<vmem_shared>>)
      tpu.yield
    }) : () -> ()
    %mul3A_13 = arith.constant 640 : i32
    %mul3A_14 = arith.muli %arg1, %mul3A_13 : i32
    %add3A_15 = arith.constant 384 : i32
    %add3A_16 = arith.addi %mul3A_14, %add3A_15 : i32
    "tpu.region"() ({
      %run_scoped3A_87 = tpu.sem_alloc : memref<!tpu.dma_semaphore, #tpu.memory_space<semaphore_mem>>
      %dma_start3A_88 = arith.constant 0 : i32
      %dma_start3A_89 = tpu.memref_slice %arg11[%add3A_16, %dma_start3A_88] : memref<10240x128xf32, #tpu.memory_space<vmem_shared>> -> memref<128x128xf32, #tpu.memory_space<vmem_shared>>
      %dma_start3A_90 = arith.constant 0 : i32
      %dma_start3A_91 = tpu.memref_slice %arg11[%add3A_16, %dma_start3A_90] : memref<10240x128xf32, #tpu.memory_space<vmem_shared>> -> memref<128x128xf32, #tpu.memory_space<vmem_shared>>
      tpu.enqueue_dma source(%arg9 : memref<128x128xf32, #tpu.memory_space<vmem>>) target(%dma_start3A_91 : memref<128x128xf32, #tpu.memory_space<vmem_shared>>) target_semaphore(%run_scoped3A_87 : memref<!tpu.dma_semaphore, #tpu.memory_space<semaphore_mem>>)
      %dma_wait3A_92 = arith.constant 0 : i32
      %dma_wait3A_93 = tpu.memref_slice %arg11[%add3A_16, %dma_wait3A_92] : memref<10240x128xf32, #tpu.memory_space<vmem_shared>> -> memref<128x128xf32, #tpu.memory_space<vmem_shared>>
      %dma_wait3A_94 = arith.constant 0 : i32
      %dma_wait3A_95 = tpu.memref_slice %arg11[%add3A_16, %dma_wait3A_94] : memref<10240x128xf32, #tpu.memory_space<vmem_shared>> -> memref<128x128xf32, #tpu.memory_space<vmem_shared>>
      tpu.wait_dma2 semaphore(%run_scoped3A_87 : memref<!tpu.dma_semaphore, #tpu.memory_space<semaphore_mem>>) src(%arg9 : memref<128x128xf32, #tpu.memory_space<vmem>>) dst(%dma_wait3A_95 : memref<128x128xf32, #tpu.memory_space<vmem_shared>>)
      tpu.yield
    }) : () -> ()
    %mul3A_17 = arith.constant 640 : i32
    %mul3A_18 = arith.muli %arg1, %mul3A_17 : i32
    %add3A_19 = arith.constant 512 : i32
    %add3A_20 = arith.addi %mul3A_18, %add3A_19 : i32
    "tpu.region"() ({
      %run_scoped3A_87 = tpu.sem_alloc : memref<!tpu.dma_semaphore, #tpu.memory_space<semaphore_mem>>
      %dma_start3A_88 = arith.constant 0 : i32
      %dma_start3A_89 = tpu.memref_slice %arg11[%add3A_20, %dma_start3A_88] : memref<10240x128xf32, #tpu.memory_space<vmem_shared>> -> memref<128x128xf32, #tpu.memory_space<vmem_shared>>
      %dma_start3A_90 = arith.constant 0 : i32
      %dma_start3A_91 = tpu.memref_slice %arg11[%add3A_20, %dma_start3A_90] : memref<10240x128xf32, #tpu.memory_space<vmem_shared>> -> memref<128x128xf32, #tpu.memory_space<vmem_shared>>
      tpu.enqueue_dma source(%arg9 : memref<128x128xf32, #tpu.memory_space<vmem>>) target(%dma_start3A_91 : memref<128x128xf32, #tpu.memory_space<vmem_shared>>) target_semaphore(%run_scoped3A_87 : memref<!tpu.dma_semaphore, #tpu.memory_space<semaphore_mem>>)
      %dma_wait3A_92 = arith.constant 0 : i32
      %dma_wait3A_93 = tpu.memref_slice %arg11[%add3A_20, %dma_wait3A_92] : memref<10240x128xf32, #tpu.memory_space<vmem_shared>> -> memref<128x128xf32, #tpu.memory_space<vmem_shared>>
      %dma_wait3A_94 = arith.constant 0 : i32
      %dma_wait3A_95 = tpu.memref_slice %arg11[%add3A_20, %dma_wait3A_94] : memref<10240x128xf32, #tpu.memory_space<vmem_shared>> -> memref<128x128xf32, #tpu.memory_space<vmem_shared>>
      tpu.wait_dma2 semaphore(%run_scoped3A_87 : memref<!tpu.dma_semaphore, #tpu.memory_space<semaphore_mem>>) src(%arg9 : memref<128x128xf32, #tpu.memory_space<vmem>>) dst(%dma_wait3A_95 : memref<128x128xf32, #tpu.memory_space<vmem_shared>>)
      tpu.yield
    }) : () -> ()
    %barrier3A = arith.constant 0 : index
    tpu.barrier barrier_id(%barrier3A)
    %scan3A = arith.constant 0 : i32
    %scan3A_21 = arith.constant 0 : i32
    %scan3A_22 = arith.constant 8 : i32
    %scan3A_23 = arith.addi %scan3A_21, %scan3A_22 : i32
    %scan3A_24 = arith.constant 1 : i32
    %scan3A_25 = scf.for %scan3A_87 = %scan3A_21 to %scan3A_23 step %scan3A_24 iter_args(%scan3A_88 = %scan3A) -> (i32)  : i32 {
      %mul3A_89 = arith.constant 16 : i32
      %mul3A_90 = arith.muli %scan3A_87, %mul3A_89 : i32
      %get3A = arith.constant 0 : i32
      %get3A_91 = arith.index_cast %get3A : i32 to index
      %get3A_92 = arith.index_cast %mul3A_90 : i32 to index
      %get3A_93 = tpu.vector_load %arg6[%get3A_91, %get3A_92] {strides = array<i32>} : memref<80x128xi32, #tpu.memory_space<vmem>>, vector<1x16xi32>,
      %get3A_94 = vector.shape_cast %get3A_93 : vector<1x16xi32> to vector<16xi32>
      %shift_right_logical3A = arith.constant 16 : i32
      %shift_right_logical3A_95 = vector.broadcast %shift_right_logical3A : i32 to vector<16xi32>
      %shift_right_logical3A_96 = arith.shrui %get3A_94, %shift_right_logical3A_95 : vector<16xi32>
      %swap3A = arith.constant 0 : i32
      %swap3A_97 = arith.index_cast %swap3A : i32 to index
      %swap3A_98 = arith.index_cast %mul3A_90 : i32 to index
      %swap3A_99 = tpu.vector_load %arg7[%swap3A_97, %swap3A_98] {strides = array<i32>} : memref<2x128xi32, #tpu.memory_space<vmem>>, vector<1x16xi32>,
      %swap3A_100 = vector.shape_cast %swap3A_99 : vector<1x16xi32> to vector<16xi32>
      %swap3A_101 = vector.shape_cast %shift_right_logical3A_96 : vector<16xi32> to vector<1x16xi32>
      tpu.vector_store %arg7[%swap3A_97, %swap3A_98], %swap3A_101 {strides = array<i32>} : memref<2x128xi32, #tpu.memory_space<vmem>>, vector<1x16xi32>,
      %and3A = arith.constant 65535 : i32
      %and3A_102 = vector.broadcast %and3A : i32 to vector<16xi32>
      %and3A_103 = arith.andi %get3A_94, %and3A_102 : vector<16xi32>
      %swap3A_104 = arith.constant 0 : i32
      %swap3A_105 = arith.index_cast %swap3A_104 : i32 to index
      %swap3A_106 = arith.index_cast %mul3A_90 : i32 to index
      %swap3A_107 = tpu.vector_load %arg8[%swap3A_105, %swap3A_106] {strides = array<i32>} : memref<2x128xi32, #tpu.memory_space<vmem>>, vector<1x16xi32>,
      %swap3A_108 = vector.shape_cast %swap3A_107 : vector<1x16xi32> to vector<16xi32>
      %swap3A_109 = vector.shape_cast %and3A_103 : vector<16xi32> to vector<1x16xi32>
      tpu.vector_store %arg8[%swap3A_105, %swap3A_106], %swap3A_109 {strides = array<i32>} : memref<2x128xi32, #tpu.memory_space<vmem>>, vector<1x16xi32>,
      %scan3A_110 = arith.constant 0 : i32
      scf.yield %scan3A_110 : i32
    }
    %scan3A_26 = arith.constant 8 : i32
    %dma_start3A = arith.constant 0 : i32
    %dma_start3A_27 = arith.constant 0 : i32
    %dma_start3A_28 = tpu.memref_slice %arg7[%dma_start3A, %dma_start3A_27] : memref<2x128xi32, #tpu.memory_space<vmem>> -> memref<1x128xi32, #tpu.memory_space<vmem>>
    %dma_start3A_29 = tpu.memref_squeeze %dma_start3A_28 : memref<1x128xi32, #tpu.memory_space<vmem>> -> memref<128xi32, #tpu.memory_space<vmem>>
    %dma_start3A_30 = arith.constant 0 : i32
    %dma_start3A_31 = arith.constant 0 : i32
    %dma_start3A_32 = tpu.memref_slice %arg2[%dma_start3A_30, %dma_start3A_31] : memref<10240x128xf32, #tpu.memory_space<hbm>> -> memref<10240x128xf32, #tpu.memory_space<hbm>>
    tpu.enqueue_indirect_dma source(%dma_start3A_32 : memref<10240x128xf32, #tpu.memory_space<hbm>>) target(%arg9 : memref<128x128xf32, #tpu.memory_space<vmem>>) offsets(%dma_start3A_29 : memref<128xi32, #tpu.memory_space<vmem>>) semaphore(%arg12 : memref<!tpu.dma_semaphore, #tpu.memory_space<semaphore_mem>>)
    %scan3A_33 = arith.constant 0 : i32
    %scan3A_34 = arith.constant 0 : i32
    %scan3A_35 = arith.constant 8 : i32
    %scan3A_36 = arith.addi %scan3A_34, %scan3A_35 : i32
    %scan3A_37 = arith.constant 1 : i32
    %scan3A_38 = scf.for %scan3A_87 = %scan3A_34 to %scan3A_36 step %scan3A_37 iter_args(%scan3A_88 = %scan3A_33) -> (i32)  : i32 {
      %mul3A_89 = arith.constant 16 : i32
      %mul3A_90 = arith.muli %scan3A_87, %mul3A_89 : i32
      %get3A = arith.constant 1 : i32
      %get3A_91 = arith.index_cast %get3A : i32 to index
      %get3A_92 = arith.index_cast %mul3A_90 : i32 to index
      %get3A_93 = tpu.vector_load %arg6[%get3A_91, %get3A_92] {strides = array<i32>} : memref<80x128xi32, #tpu.memory_space<vmem>>, vector<1x16xi32>,
      %get3A_94 = vector.shape_cast %get3A_93 : vector<1x16xi32> to vector<16xi32>
      %shift_right_logical3A = arith.constant 16 : i32
      %shift_right_logical3A_95 = vector.broadcast %shift_right_logical3A : i32 to vector<16xi32>
      %shift_right_logical3A_96 = arith.shrui %get3A_94, %shift_right_logical3A_95 : vector<16xi32>
      %swap3A = arith.constant 1 : i32
      %swap3A_97 = arith.index_cast %swap3A : i32 to index
      %swap3A_98 = arith.index_cast %mul3A_90 : i32 to index
      %swap3A_99 = tpu.vector_load %arg7[%swap3A_97, %swap3A_98] {strides = array<i32>} : memref<2x128xi32, #tpu.memory_space<vmem>>, vector<1x16xi32>,
      %swap3A_100 = vector.shape_cast %swap3A_99 : vector<1x16xi32> to vector<16xi32>
      %swap3A_101 = vector.shape_cast %shift_right_logical3A_96 : vector<16xi32> to vector<1x16xi32>
      tpu.vector_store %arg7[%swap3A_97, %swap3A_98], %swap3A_101 {strides = array<i32>} : memref<2x128xi32, #tpu.memory_space<vmem>>, vector<1x16xi32>,
      %and3A = arith.constant 65535 : i32
      %and3A_102 = vector.broadcast %and3A : i32 to vector<16xi32>
      %and3A_103 = arith.andi %get3A_94, %and3A_102 : vector<16xi32>
      %swap3A_104 = arith.constant 1 : i32
      %swap3A_105 = arith.index_cast %swap3A_104 : i32 to index
      %swap3A_106 = arith.index_cast %mul3A_90 : i32 to index
      %swap3A_107 = tpu.vector_load %arg8[%swap3A_105, %swap3A_106] {strides = array<i32>} : memref<2x128xi32, #tpu.memory_space<vmem>>, vector<1x16xi32>,
      %swap3A_108 = vector.shape_cast %swap3A_107 : vector<1x16xi32> to vector<16xi32>
      %swap3A_109 = vector.shape_cast %and3A_103 : vector<16xi32> to vector<1x16xi32>
      tpu.vector_store %arg8[%swap3A_105, %swap3A_106], %swap3A_109 {strides = array<i32>} : memref<2x128xi32, #tpu.memory_space<vmem>>, vector<1x16xi32>,
      %scan3A_110 = arith.constant 0 : i32
      scf.yield %scan3A_110 : i32
    }
    %scan3A_39 = arith.constant 8 : i32
    %dma_start3A_40 = arith.constant 1 : i32
    %dma_start3A_41 = arith.constant 0 : i32
    %dma_start3A_42 = tpu.memref_slice %arg7[%dma_start3A_40, %dma_start3A_41] : memref<2x128xi32, #tpu.memory_space<vmem>> -> memref<1x128xi32, #tpu.memory_space<vmem>>
    %dma_start3A_43 = tpu.memref_squeeze %dma_start3A_42 : memref<1x128xi32, #tpu.memory_space<vmem>> -> memref<128xi32, #tpu.memory_space<vmem>>
    %dma_start3A_44 = arith.constant 0 : i32
    %dma_start3A_45 = arith.constant 0 : i32
    %dma_start3A_46 = tpu.memref_slice %arg2[%dma_start3A_44, %dma_start3A_45] : memref<10240x128xf32, #tpu.memory_space<hbm>> -> memref<10240x128xf32, #tpu.memory_space<hbm>>
    tpu.enqueue_indirect_dma source(%dma_start3A_46 : memref<10240x128xf32, #tpu.memory_space<hbm>>) target(%arg10 : memref<128x128xf32, #tpu.memory_space<vmem>>) offsets(%dma_start3A_43 : memref<128xi32, #tpu.memory_space<vmem>>) semaphore(%arg13 : memref<!tpu.dma_semaphore, #tpu.memory_space<semaphore_mem>>)
    %scan3A_47 = arith.constant 0 : i32
    %scan3A_48 = arith.constant 0 : i32
    %scan3A_49 = arith.constant 39 : i32
    %scan3A_50 = arith.addi %scan3A_48, %scan3A_49 : i32
    %scan3A_51 = arith.constant 1 : i32
    %scan3A_52 = scf.for %scan3A_87 = %scan3A_48 to %scan3A_50 step %scan3A_51 iter_args(%scan3A_88 = %scan3A_47) -> (i32)  : i32 {
      %mul3A_89 = arith.constant 2 : i32
      %mul3A_90 = arith.muli %mul3A_89, %scan3A_87 : i32
      %add3A_91 = arith.constant 0 : i32
      %add3A_92 = arith.addi %mul3A_90, %add3A_91 : i32
      %dma_wait3A_93 = arith.constant 0 : i32
      %dma_wait3A_94 = arith.constant 0 : i32
      %dma_wait3A_95 = tpu.memref_slice %arg2[%dma_wait3A_93, %dma_wait3A_94] : memref<10240x128xf32, #tpu.memory_space<hbm>> -> memref<128x128xf32, #tpu.memory_space<hbm>>
      %dma_wait3A_96 = arith.constant 0 : i32
      %dma_wait3A_97 = arith.constant 0 : i32
      %dma_wait3A_98 = tpu.memref_slice %arg2[%dma_wait3A_96, %dma_wait3A_97] : memref<10240x128xf32, #tpu.memory_space<hbm>> -> memref<128x128xf32, #tpu.memory_space<hbm>>
      tpu.wait_dma2 semaphore(%arg12 : memref<!tpu.dma_semaphore, #tpu.memory_space<semaphore_mem>>) src(%dma_wait3A_98 : memref<128x128xf32, #tpu.memory_space<hbm>>) dst(%arg9 : memref<128x128xf32, #tpu.memory_space<vmem>>)
      %run_scoped3A_99 = arith.constant 0 : i32
      "tpu.region"() ({
        %run_scoped3A_144 = tpu.sem_alloc : memref<!tpu.dma_semaphore, #tpu.memory_space<semaphore_mem>>
        %dma_start3A_145 = arith.constant 0 : i32
        %dma_start3A_146 = tpu.memref_slice %arg8[%run_scoped3A_99, %dma_start3A_145] : memref<2x128xi32, #tpu.memory_space<vmem>> -> memref<1x128xi32, #tpu.memory_space<vmem>>
        %dma_start3A_147 = tpu.memref_squeeze %dma_start3A_146 : memref<1x128xi32, #tpu.memory_space<vmem>> -> memref<128xi32, #tpu.memory_space<vmem>>
        %dma_start3A_148 = arith.constant 0 : i32
        %dma_start3A_149 = arith.constant 0 : i32
        %dma_start3A_150 = tpu.memref_slice %arg11[%dma_start3A_148, %dma_start3A_149] : memref<10240x128xf32, #tpu.memory_space<vmem_shared>> -> memref<10240x128xf32, #tpu.memory_space<vmem_shared>>
        tpu.enqueue_indirect_dma source(%arg9 : memref<128x128xf32, #tpu.memory_space<vmem>>) target(%dma_start3A_150 : memref<10240x128xf32, #tpu.memory_space<vmem_shared>>) offsets(%dma_start3A_147 : memref<128xi32, #tpu.memory_space<vmem>>) semaphore(%run_scoped3A_144 : memref<!tpu.dma_semaphore, #tpu.memory_space<semaphore_mem>>) {add = true}
        %dma_wait3A_151 = arith.constant 0 : i32
        %dma_wait3A_152 = tpu.memref_slice %arg8[%run_scoped3A_99, %dma_wait3A_151] : memref<2x128xi32, #tpu.memory_space<vmem>> -> memref<1x128xi32, #tpu.memory_space<vmem>>
        %dma_wait3A_153 = tpu.memref_squeeze %dma_wait3A_152 : memref<1x128xi32, #tpu.memory_space<vmem>> -> memref<128xi32, #tpu.memory_space<vmem>>
        %dma_wait3A_154 = arith.constant 0 : i32
        %dma_wait3A_155 = arith.constant 0 : i32
        %dma_wait3A_156 = tpu.memref_slice %arg11[%dma_wait3A_154, %dma_wait3A_155] : memref<10240x128xf32, #tpu.memory_space<vmem_shared>> -> memref<10240x128xf32, #tpu.memory_space<vmem_shared>>
        tpu.wait_indirect_dma semaphore(%run_scoped3A_144 : memref<!tpu.dma_semaphore, #tpu.memory_space<semaphore_mem>>) src(%arg9 : memref<128x128xf32, #tpu.memory_space<vmem>>) dst(%dma_wait3A_156 : memref<10240x128xf32, #tpu.memory_space<vmem_shared>>)
        tpu.yield
      }) : () -> ()
      %add3A_100 = arith.constant 2 : i32
      %add3A_101 = arith.addi %add3A_92, %add3A_100 : i32
      %scan3A_102 = arith.constant 0 : i32
      %scan3A_103 = arith.constant 0 : i32
      %scan3A_104 = arith.constant 8 : i32
      %scan3A_105 = arith.addi %scan3A_103, %scan3A_104 : i32
      %scan3A_106 = arith.constant 1 : i32
      %scan3A_107 = scf.for %scan3A_144 = %scan3A_103 to %scan3A_105 step %scan3A_106 iter_args(%scan3A_145 = %scan3A_102) -> (i32)  : i32 {
        %mul3A_146 = arith.constant 16 : i32
        %mul3A_147 = arith.muli %scan3A_144, %mul3A_146 : i32
        %get3A = arith.index_cast %add3A_101 : i32 to index
        %get3A_148 = arith.index_cast %mul3A_147 : i32 to index
        %get3A_149 = tpu.vector_load %arg6[%get3A, %get3A_148] {strides = array<i32>} : memref<80x128xi32, #tpu.memory_space<vmem>>, vector<1x16xi32>,
        %get3A_150 = vector.shape_cast %get3A_149 : vector<1x16xi32> to vector<16xi32>
        %shift_right_logical3A = arith.constant 16 : i32
        %shift_right_logical3A_151 = vector.broadcast %shift_right_logical3A : i32 to vector<16xi32>
        %shift_right_logical3A_152 = arith.shrui %get3A_150, %shift_right_logical3A_151 : vector<16xi32>
        %swap3A = arith.constant 0 : i32
        %swap3A_153 = arith.index_cast %swap3A : i32 to index
        %swap3A_154 = arith.index_cast %mul3A_147 : i32 to index
        %swap3A_155 = tpu.vector_load %arg7[%swap3A_153, %swap3A_154] {strides = array<i32>} : memref<2x128xi32, #tpu.memory_space<vmem>>, vector<1x16xi32>,
        %swap3A_156 = vector.shape_cast %swap3A_155 : vector<1x16xi32> to vector<16xi32>
        %swap3A_157 = vector.shape_cast %shift_right_logical3A_152 : vector<16xi32> to vector<1x16xi32>
        tpu.vector_store %arg7[%swap3A_153, %swap3A_154], %swap3A_157 {strides = array<i32>} : memref<2x128xi32, #tpu.memory_space<vmem>>, vector<1x16xi32>,
        %and3A = arith.constant 65535 : i32
        %and3A_158 = vector.broadcast %and3A : i32 to vector<16xi32>
        %and3A_159 = arith.andi %get3A_150, %and3A_158 : vector<16xi32>
        %swap3A_160 = arith.constant 0 : i32
        %swap3A_161 = arith.index_cast %swap3A_160 : i32 to index
        %swap3A_162 = arith.index_cast %mul3A_147 : i32 to index
        %swap3A_163 = tpu.vector_load %arg8[%swap3A_161, %swap3A_162] {strides = array<i32>} : memref<2x128xi32, #tpu.memory_space<vmem>>, vector<1x16xi32>,
        %swap3A_164 = vector.shape_cast %swap3A_163 : vector<1x16xi32> to vector<16xi32>
        %swap3A_165 = vector.shape_cast %and3A_159 : vector<16xi32> to vector<1x16xi32>
        tpu.vector_store %arg8[%swap3A_161, %swap3A_162], %swap3A_165 {strides = array<i32>} : memref<2x128xi32, #tpu.memory_space<vmem>>, vector<1x16xi32>,
        %scan3A_166 = arith.constant 0 : i32
        scf.yield %scan3A_166 : i32
      }
      %scan3A_108 = arith.constant 8 : i32
      %dma_start3A_109 = arith.constant 0 : i32
      %dma_start3A_110 = arith.constant 0 : i32
      %dma_start3A_111 = tpu.memref_slice %arg7[%dma_start3A_109, %dma_start3A_110] : memref<2x128xi32, #tpu.memory_space<vmem>> -> memref<1x128xi32, #tpu.memory_space<vmem>>
      %dma_start3A_112 = tpu.memref_squeeze %dma_start3A_111 : memref<1x128xi32, #tpu.memory_space<vmem>> -> memref<128xi32, #tpu.memory_space<vmem>>
      %dma_start3A_113 = arith.constant 0 : i32
      %dma_start3A_114 = arith.constant 0 : i32
      %dma_start3A_115 = tpu.memref_slice %arg2[%dma_start3A_113, %dma_start3A_114] : memref<10240x128xf32, #tpu.memory_space<hbm>> -> memref<10240x128xf32, #tpu.memory_space<hbm>>
      tpu.enqueue_indirect_dma source(%dma_start3A_115 : memref<10240x128xf32, #tpu.memory_space<hbm>>) target(%arg9 : memref<128x128xf32, #tpu.memory_space<vmem>>) offsets(%dma_start3A_112 : memref<128xi32, #tpu.memory_space<vmem>>) semaphore(%arg12 : memref<!tpu.dma_semaphore, #tpu.memory_space<semaphore_mem>>)
      %mul3A_116 = arith.constant 2 : i32
      %mul3A_117 = arith.muli %mul3A_116, %scan3A_87 : i32
      %add3A_118 = arith.constant 1 : i32
      %add3A_119 = arith.addi %mul3A_117, %add3A_118 : i32
      %dma_wait3A_120 = arith.constant 0 : i32
      %dma_wait3A_121 = arith.constant 0 : i32
      %dma_wait3A_122 = tpu.memref_slice %arg2[%dma_wait3A_120, %dma_wait3A_121] : memref<10240x128xf32, #tpu.memory_space<hbm>> -> memref<128x128xf32, #tpu.memory_space<hbm>>
      %dma_wait3A_123 = arith.constant 0 : i32
      %dma_wait3A_124 = arith.constant 0 : i32
      %dma_wait3A_125 = tpu.memref_slice %arg2[%dma_wait3A_123, %dma_wait3A_124] : memref<10240x128xf32, #tpu.memory_space<hbm>> -> memref<128x128xf32, #tpu.memory_space<hbm>>
      tpu.wait_dma2 semaphore(%arg13 : memref<!tpu.dma_semaphore, #tpu.memory_space<semaphore_mem>>) src(%dma_wait3A_125 : memref<128x128xf32, #tpu.memory_space<hbm>>) dst(%arg10 : memref<128x128xf32, #tpu.memory_space<vmem>>)
      %run_scoped3A_126 = arith.constant 1 : i32
      "tpu.region"() ({
        %run_scoped3A_144 = tpu.sem_alloc : memref<!tpu.dma_semaphore, #tpu.memory_space<semaphore_mem>>
        %dma_start3A_145 = arith.constant 0 : i32
        %dma_start3A_146 = tpu.memref_slice %arg8[%run_scoped3A_126, %dma_start3A_145] : memref<2x128xi32, #tpu.memory_space<vmem>> -> memref<1x128xi32, #tpu.memory_space<vmem>>
        %dma_start3A_147 = tpu.memref_squeeze %dma_start3A_146 : memref<1x128xi32, #tpu.memory_space<vmem>> -> memref<128xi32, #tpu.memory_space<vmem>>
        %dma_start3A_148 = arith.constant 0 : i32
        %dma_start3A_149 = arith.constant 0 : i32
        %dma_start3A_150 = tpu.memref_slice %arg11[%dma_start3A_148, %dma_start3A_149] : memref<10240x128xf32, #tpu.memory_space<vmem_shared>> -> memref<10240x128xf32, #tpu.memory_space<vmem_shared>>
        tpu.enqueue_indirect_dma source(%arg10 : memref<128x128xf32, #tpu.memory_space<vmem>>) target(%dma_start3A_150 : memref<10240x128xf32, #tpu.memory_space<vmem_shared>>) offsets(%dma_start3A_147 : memref<128xi32, #tpu.memory_space<vmem>>) semaphore(%run_scoped3A_144 : memref<!tpu.dma_semaphore, #tpu.memory_space<semaphore_mem>>) {add = true}
        %dma_wait3A_151 = arith.constant 0 : i32
        %dma_wait3A_152 = tpu.memref_slice %arg8[%run_scoped3A_126, %dma_wait3A_151] : memref<2x128xi32, #tpu.memory_space<vmem>> -> memref<1x128xi32, #tpu.memory_space<vmem>>
        %dma_wait3A_153 = tpu.memref_squeeze %dma_wait3A_152 : memref<1x128xi32, #tpu.memory_space<vmem>> -> memref<128xi32, #tpu.memory_space<vmem>>
        %dma_wait3A_154 = arith.constant 0 : i32
        %dma_wait3A_155 = arith.constant 0 : i32
        %dma_wait3A_156 = tpu.memref_slice %arg11[%dma_wait3A_154, %dma_wait3A_155] : memref<10240x128xf32, #tpu.memory_space<vmem_shared>> -> memref<10240x128xf32, #tpu.memory_space<vmem_shared>>
        tpu.wait_indirect_dma semaphore(%run_scoped3A_144 : memref<!tpu.dma_semaphore, #tpu.memory_space<semaphore_mem>>) src(%arg10 : memref<128x128xf32, #tpu.memory_space<vmem>>) dst(%dma_wait3A_156 : memref<10240x128xf32, #tpu.memory_space<vmem_shared>>)
        tpu.yield
      }) : () -> ()
      %add3A_127 = arith.constant 2 : i32
      %add3A_128 = arith.addi %add3A_119, %add3A_127 : i32
      %scan3A_129 = arith.constant 0 : i32
      %scan3A_130 = arith.constant 0 : i32
      %scan3A_131 = arith.constant 8 : i32
      %scan3A_132 = arith.addi %scan3A_130, %scan3A_131 : i32
      %scan3A_133 = arith.constant 1 : i32
      %scan3A_134 = scf.for %scan3A_144 = %scan3A_130 to %scan3A_132 step %scan3A_133 iter_args(%scan3A_145 = %scan3A_129) -> (i32)  : i32 {
        %mul3A_146 = arith.constant 16 : i32
        %mul3A_147 = arith.muli %scan3A_144, %mul3A_146 : i32
        %get3A = arith.index_cast %add3A_128 : i32 to index
        %get3A_148 = arith.index_cast %mul3A_147 : i32 to index
        %get3A_149 = tpu.vector_load %arg6[%get3A, %get3A_148] {strides = array<i32>} : memref<80x128xi32, #tpu.memory_space<vmem>>, vector<1x16xi32>,
        %get3A_150 = vector.shape_cast %get3A_149 : vector<1x16xi32> to vector<16xi32>
        %shift_right_logical3A = arith.constant 16 : i32
        %shift_right_logical3A_151 = vector.broadcast %shift_right_logical3A : i32 to vector<16xi32>
        %shift_right_logical3A_152 = arith.shrui %get3A_150, %shift_right_logical3A_151 : vector<16xi32>
        %swap3A = arith.constant 1 : i32
        %swap3A_153 = arith.index_cast %swap3A : i32 to index
        %swap3A_154 = arith.index_cast %mul3A_147 : i32 to index
        %swap3A_155 = tpu.vector_load %arg7[%swap3A_153, %swap3A_154] {strides = array<i32>} : memref<2x128xi32, #tpu.memory_space<vmem>>, vector<1x16xi32>,
        %swap3A_156 = vector.shape_cast %swap3A_155 : vector<1x16xi32> to vector<16xi32>
        %swap3A_157 = vector.shape_cast %shift_right_logical3A_152 : vector<16xi32> to vector<1x16xi32>
        tpu.vector_store %arg7[%swap3A_153, %swap3A_154], %swap3A_157 {strides = array<i32>} : memref<2x128xi32, #tpu.memory_space<vmem>>, vector<1x16xi32>,
        %and3A = arith.constant 65535 : i32
        %and3A_158 = vector.broadcast %and3A : i32 to vector<16xi32>
        %and3A_159 = arith.andi %get3A_150, %and3A_158 : vector<16xi32>
        %swap3A_160 = arith.constant 1 : i32
        %swap3A_161 = arith.index_cast %swap3A_160 : i32 to index
        %swap3A_162 = arith.index_cast %mul3A_147 : i32 to index
        %swap3A_163 = tpu.vector_load %arg8[%swap3A_161, %swap3A_162] {strides = array<i32>} : memref<2x128xi32, #tpu.memory_space<vmem>>, vector<1x16xi32>,
        %swap3A_164 = vector.shape_cast %swap3A_163 : vector<1x16xi32> to vector<16xi32>
        %swap3A_165 = vector.shape_cast %and3A_159 : vector<16xi32> to vector<1x16xi32>
        tpu.vector_store %arg8[%swap3A_161, %swap3A_162], %swap3A_165 {strides = array<i32>} : memref<2x128xi32, #tpu.memory_space<vmem>>, vector<1x16xi32>,
        %scan3A_166 = arith.constant 0 : i32
        scf.yield %scan3A_166 : i32
      }
      %scan3A_135 = arith.constant 8 : i32
      %dma_start3A_136 = arith.constant 1 : i32
      %dma_start3A_137 = arith.constant 0 : i32
      %dma_start3A_138 = tpu.memref_slice %arg7[%dma_start3A_136, %dma_start3A_137] : memref<2x128xi32, #tpu.memory_space<vmem>> -> memref<1x128xi32, #tpu.memory_space<vmem>>
      %dma_start3A_139 = tpu.memref_squeeze %dma_start3A_138 : memref<1x128xi32, #tpu.memory_space<vmem>> -> memref<128xi32, #tpu.memory_space<vmem>>
      %dma_start3A_140 = arith.constant 0 : i32
      %dma_start3A_141 = arith.constant 0 : i32
      %dma_start3A_142 = tpu.memref_slice %arg2[%dma_start3A_140, %dma_start3A_141] : memref<10240x128xf32, #tpu.memory_space<hbm>> -> memref<10240x128xf32, #tpu.memory_space<hbm>>
      tpu.enqueue_indirect_dma source(%dma_start3A_142 : memref<10240x128xf32, #tpu.memory_space<hbm>>) target(%arg10 : memref<128x128xf32, #tpu.memory_space<vmem>>) offsets(%dma_start3A_139 : memref<128xi32, #tpu.memory_space<vmem>>) semaphore(%arg13 : memref<!tpu.dma_semaphore, #tpu.memory_space<semaphore_mem>>)
      %scan3A_143 = arith.constant 0 : i32
      scf.yield %scan3A_143 : i32
    }
    %scan3A_53 = arith.constant 39 : i32
    %dma_wait3A = arith.constant 0 : i32
    %dma_wait3A_54 = arith.constant 0 : i32
    %dma_wait3A_55 = tpu.memref_slice %arg2[%dma_wait3A, %dma_wait3A_54] : memref<10240x128xf32, #tpu.memory_space<hbm>> -> memref<128x128xf32, #tpu.memory_space<hbm>>
    %dma_wait3A_56 = arith.constant 0 : i32
    %dma_wait3A_57 = arith.constant 0 : i32
    %dma_wait3A_58 = tpu.memref_slice %arg2[%dma_wait3A_56, %dma_wait3A_57] : memref<10240x128xf32, #tpu.memory_space<hbm>> -> memref<128x128xf32, #tpu.memory_space<hbm>>
    tpu.wait_dma2 semaphore(%arg12 : memref<!tpu.dma_semaphore, #tpu.memory_space<semaphore_mem>>) src(%dma_wait3A_58 : memref<128x128xf32, #tpu.memory_space<hbm>>) dst(%arg9 : memref<128x128xf32, #tpu.memory_space<vmem>>)
    %run_scoped3A = arith.constant 0 : i32
    "tpu.region"() ({
      %run_scoped3A_87 = tpu.sem_alloc : memref<!tpu.dma_semaphore, #tpu.memory_space<semaphore_mem>>
      %dma_start3A_88 = arith.constant 0 : i32
      %dma_start3A_89 = tpu.memref_slice %arg8[%run_scoped3A, %dma_start3A_88] : memref<2x128xi32, #tpu.memory_space<vmem>> -> memref<1x128xi32, #tpu.memory_space<vmem>>
      %dma_start3A_90 = tpu.memref_squeeze %dma_start3A_89 : memref<1x128xi32, #tpu.memory_space<vmem>> -> memref<128xi32, #tpu.memory_space<vmem>>
      %dma_start3A_91 = arith.constant 0 : i32
      %dma_start3A_92 = arith.constant 0 : i32
      %dma_start3A_93 = tpu.memref_slice %arg11[%dma_start3A_91, %dma_start3A_92] : memref<10240x128xf32, #tpu.memory_space<vmem_shared>> -> memref<10240x128xf32, #tpu.memory_space<vmem_shared>>
      tpu.enqueue_indirect_dma source(%arg9 : memref<128x128xf32, #tpu.memory_space<vmem>>) target(%dma_start3A_93 : memref<10240x128xf32, #tpu.memory_space<vmem_shared>>) offsets(%dma_start3A_90 : memref<128xi32, #tpu.memory_space<vmem>>) semaphore(%run_scoped3A_87 : memref<!tpu.dma_semaphore, #tpu.memory_space<semaphore_mem>>) {add = true}
      %dma_wait3A_94 = arith.constant 0 : i32
      %dma_wait3A_95 = tpu.memref_slice %arg8[%run_scoped3A, %dma_wait3A_94] : memref<2x128xi32, #tpu.memory_space<vmem>> -> memref<1x128xi32, #tpu.memory_space<vmem>>
      %dma_wait3A_96 = tpu.memref_squeeze %dma_wait3A_95 : memref<1x128xi32, #tpu.memory_space<vmem>> -> memref<128xi32, #tpu.memory_space<vmem>>
      %dma_wait3A_97 = arith.constant 0 : i32
      %dma_wait3A_98 = arith.constant 0 : i32
      %dma_wait3A_99 = tpu.memref_slice %arg11[%dma_wait3A_97, %dma_wait3A_98] : memref<10240x128xf32, #tpu.memory_space<vmem_shared>> -> memref<10240x128xf32, #tpu.memory_space<vmem_shared>>
      tpu.wait_indirect_dma semaphore(%run_scoped3A_87 : memref<!tpu.dma_semaphore, #tpu.memory_space<semaphore_mem>>) src(%arg9 : memref<128x128xf32, #tpu.memory_space<vmem>>) dst(%dma_wait3A_99 : memref<10240x128xf32, #tpu.memory_space<vmem_shared>>)
      tpu.yield
    }) : () -> ()
    %dma_wait3A_59 = arith.constant 0 : i32
    %dma_wait3A_60 = arith.constant 0 : i32
    %dma_wait3A_61 = tpu.memref_slice %arg2[%dma_wait3A_59, %dma_wait3A_60] : memref<10240x128xf32, #tpu.memory_space<hbm>> -> memref<128x128xf32, #tpu.memory_space<hbm>>
    %dma_wait3A_62 = arith.constant 0 : i32
    %dma_wait3A_63 = arith.constant 0 : i32
    %dma_wait3A_64 = tpu.memref_slice %arg2[%dma_wait3A_62, %dma_wait3A_63] : memref<10240x128xf32, #tpu.memory_space<hbm>> -> memref<128x128xf32, #tpu.memory_space<hbm>>
    tpu.wait_dma2 semaphore(%arg13 : memref<!tpu.dma_semaphore, #tpu.memory_space<semaphore_mem>>) src(%dma_wait3A_64 : memref<128x128xf32, #tpu.memory_space<hbm>>) dst(%arg10 : memref<128x128xf32, #tpu.memory_space<vmem>>)
    %run_scoped3A_65 = arith.constant 1 : i32
    "tpu.region"() ({
      %run_scoped3A_87 = tpu.sem_alloc : memref<!tpu.dma_semaphore, #tpu.memory_space<semaphore_mem>>
      %dma_start3A_88 = arith.constant 0 : i32
      %dma_start3A_89 = tpu.memref_slice %arg8[%run_scoped3A_65, %dma_start3A_88] : memref<2x128xi32, #tpu.memory_space<vmem>> -> memref<1x128xi32, #tpu.memory_space<vmem>>
      %dma_start3A_90 = tpu.memref_squeeze %dma_start3A_89 : memref<1x128xi32, #tpu.memory_space<vmem>> -> memref<128xi32, #tpu.memory_space<vmem>>
      %dma_start3A_91 = arith.constant 0 : i32
      %dma_start3A_92 = arith.constant 0 : i32
      %dma_start3A_93 = tpu.memref_slice %arg11[%dma_start3A_91, %dma_start3A_92] : memref<10240x128xf32, #tpu.memory_space<vmem_shared>> -> memref<10240x128xf32, #tpu.memory_space<vmem_shared>>
      tpu.enqueue_indirect_dma source(%arg10 : memref<128x128xf32, #tpu.memory_space<vmem>>) target(%dma_start3A_93 : memref<10240x128xf32, #tpu.memory_space<vmem_shared>>) offsets(%dma_start3A_90 : memref<128xi32, #tpu.memory_space<vmem>>) semaphore(%run_scoped3A_87 : memref<!tpu.dma_semaphore, #tpu.memory_space<semaphore_mem>>) {add = true}
      %dma_wait3A_94 = arith.constant 0 : i32
      %dma_wait3A_95 = tpu.memref_slice %arg8[%run_scoped3A_65, %dma_wait3A_94] : memref<2x128xi32, #tpu.memory_space<vmem>> -> memref<1x128xi32, #tpu.memory_space<vmem>>
      %dma_wait3A_96 = tpu.memref_squeeze %dma_wait3A_95 : memref<1x128xi32, #tpu.memory_space<vmem>> -> memref<128xi32, #tpu.memory_space<vmem>>
      %dma_wait3A_97 = arith.constant 0 : i32
      %dma_wait3A_98 = arith.constant 0 : i32
      %dma_wait3A_99 = tpu.memref_slice %arg11[%dma_wait3A_97, %dma_wait3A_98] : memref<10240x128xf32, #tpu.memory_space<vmem_shared>> -> memref<10240x128xf32, #tpu.memory_space<vmem_shared>>
      tpu.wait_indirect_dma semaphore(%run_scoped3A_87 : memref<!tpu.dma_semaphore, #tpu.memory_space<semaphore_mem>>) src(%arg10 : memref<128x128xf32, #tpu.memory_space<vmem>>) dst(%dma_wait3A_99 : memref<10240x128xf32, #tpu.memory_space<vmem_shared>>)
      tpu.yield
    }) : () -> ()
    %barrier3A_66 = arith.constant 0 : index
    tpu.barrier barrier_id(%barrier3A_66)
    %mul3A_67 = arith.constant 640 : i32
    %mul3A_68 = arith.muli %arg1, %mul3A_67 : i32
    %add3A_69 = arith.constant 0 : i32
    %add3A_70 = arith.addi %mul3A_68, %add3A_69 : i32
    "tpu.region"() ({
      %run_scoped3A_87 = tpu.sem_alloc : memref<!tpu.dma_semaphore, #tpu.memory_space<semaphore_mem>>
      %dma_start3A_88 = arith.constant 0 : i32
      %dma_start3A_89 = tpu.memref_slice %arg11[%add3A_70, %dma_start3A_88] : memref<10240x128xf32, #tpu.memory_space<vmem_shared>> -> memref<128x128xf32, #tpu.memory_space<vmem_shared>>
      %dma_start3A_90 = arith.constant 0 : i32
      %dma_start3A_91 = tpu.memref_slice %arg11[%add3A_70, %dma_start3A_90] : memref<10240x128xf32, #tpu.memory_space<vmem_shared>> -> memref<128x128xf32, #tpu.memory_space<vmem_shared>>
      tpu.enqueue_dma source(%dma_start3A_91 : memref<128x128xf32, #tpu.memory_space<vmem_shared>>) target(%arg9 : memref<128x128xf32, #tpu.memory_space<vmem>>) target_semaphore(%run_scoped3A_87 : memref<!tpu.dma_semaphore, #tpu.memory_space<semaphore_mem>>)
      %dma_wait3A_92 = arith.constant 0 : i32
      %dma_wait3A_93 = tpu.memref_slice %arg11[%add3A_70, %dma_wait3A_92] : memref<10240x128xf32, #tpu.memory_space<vmem_shared>> -> memref<128x128xf32, #tpu.memory_space<vmem_shared>>
      %dma_wait3A_94 = arith.constant 0 : i32
      %dma_wait3A_95 = tpu.memref_slice %arg11[%add3A_70, %dma_wait3A_94] : memref<10240x128xf32, #tpu.memory_space<vmem_shared>> -> memref<128x128xf32, #tpu.memory_space<vmem_shared>>
      tpu.wait_dma2 semaphore(%run_scoped3A_87 : memref<!tpu.dma_semaphore, #tpu.memory_space<semaphore_mem>>) src(%dma_wait3A_95 : memref<128x128xf32, #tpu.memory_space<vmem_shared>>) dst(%arg9 : memref<128x128xf32, #tpu.memory_space<vmem>>)
      tpu.yield
    }) : () -> ()
    "tpu.region"() ({
      %run_scoped3A_87 = tpu.sem_alloc : memref<!tpu.dma_semaphore, #tpu.memory_space<semaphore_mem>>
      %dma_start3A_88 = arith.constant 0 : i32
      %dma_start3A_89 = tpu.memref_slice %arg5[%arg0, %add3A_70, %dma_start3A_88] : memref<2x10240x128xf32, #tpu.memory_space<hbm>> -> memref<1x128x128xf32, #tpu.memory_space<hbm>>
      %dma_start3A_90 = tpu.memref_squeeze %dma_start3A_89 : memref<1x128x128xf32, #tpu.memory_space<hbm>> -> memref<128x128xf32, #tpu.memory_space<hbm>>
      %dma_start3A_91 = arith.constant 0 : i32
      %dma_start3A_92 = tpu.memref_slice %arg5[%arg0, %add3A_70, %dma_start3A_91] : memref<2x10240x128xf32, #tpu.memory_space<hbm>> -> memref<1x128x128xf32, #tpu.memory_space<hbm>>
      %dma_start3A_93 = tpu.memref_squeeze %dma_start3A_92 : memref<1x128x128xf32, #tpu.memory_space<hbm>> -> memref<128x128xf32, #tpu.memory_space<hbm>>
      tpu.enqueue_dma source(%arg9 : memref<128x128xf32, #tpu.memory_space<vmem>>) target(%dma_start3A_93 : memref<128x128xf32, #tpu.memory_space<hbm>>) target_semaphore(%run_scoped3A_87 : memref<!tpu.dma_semaphore, #tpu.memory_space<semaphore_mem>>)
      %dma_wait3A_94 = arith.constant 0 : i32
      %dma_wait3A_95 = tpu.memref_slice %arg5[%arg0, %add3A_70, %dma_wait3A_94] : memref<2x10240x128xf32, #tpu.memory_space<hbm>> -> memref<1x128x128xf32, #tpu.memory_space<hbm>>
      %dma_wait3A_96 = tpu.memref_squeeze %dma_wait3A_95 : memref<1x128x128xf32, #tpu.memory_space<hbm>> -> memref<128x128xf32, #tpu.memory_space<hbm>>
      %dma_wait3A_97 = arith.constant 0 : i32
      %dma_wait3A_98 = tpu.memref_slice %arg5[%arg0, %add3A_70, %dma_wait3A_97] : memref<2x10240x128xf32, #tpu.memory_space<hbm>> -> memref<1x128x128xf32, #tpu.memory_space<hbm>>
      %dma_wait3A_99 = tpu.memref_squeeze %dma_wait3A_98 : memref<1x128x128xf32, #tpu.memory_space<hbm>> -> memref<128x128xf32, #tpu.memory_space<hbm>>
      tpu.wait_dma2 semaphore(%run_scoped3A_87 : memref<!tpu.dma_semaphore, #tpu.memory_space<semaphore_mem>>) src(%arg9 : memref<128x128xf32, #tpu.memory_space<vmem>>) dst(%dma_wait3A_99 : memref<128x128xf32, #tpu.memory_space<hbm>>)
      tpu.yield
    }) : () -> ()
    %mul3A_71 = arith.constant 640 : i32
    %mul3A_72 = arith.muli %arg1, %mul3A_71 : i32
    %add3A_73 = arith.constant 128 : i32
    %add3A_74 = arith.addi %mul3A_72, %add3A_73 : i32
    "tpu.region"() ({
      %run_scoped3A_87 = tpu.sem_alloc : memref<!tpu.dma_semaphore, #tpu.memory_space<semaphore_mem>>
      %dma_start3A_88 = arith.constant 0 : i32
      %dma_start3A_89 = tpu.memref_slice %arg11[%add3A_74, %dma_start3A_88] : memref<10240x128xf32, #tpu.memory_space<vmem_shared>> -> memref<128x128xf32, #tpu.memory_space<vmem_shared>>
      %dma_start3A_90 = arith.constant 0 : i32
      %dma_start3A_91 = tpu.memref_slice %arg11[%add3A_74, %dma_start3A_90] : memref<10240x128xf32, #tpu.memory_space<vmem_shared>> -> memref<128x128xf32, #tpu.memory_space<vmem_shared>>
      tpu.enqueue_dma source(%dma_start3A_91 : memref<128x128xf32, #tpu.memory_space<vmem_shared>>) target(%arg9 : memref<128x128xf32, #tpu.memory_space<vmem>>) target_semaphore(%run_scoped3A_87 : memref<!tpu.dma_semaphore, #tpu.memory_space<semaphore_mem>>)
      %dma_wait3A_92 = arith.constant 0 : i32
      %dma_wait3A_93 = tpu.memref_slice %arg11[%add3A_74, %dma_wait3A_92] : memref<10240x128xf32, #tpu.memory_space<vmem_shared>> -> memref<128x128xf32, #tpu.memory_space<vmem_shared>>
      %dma_wait3A_94 = arith.constant 0 : i32
      %dma_wait3A_95 = tpu.memref_slice %arg11[%add3A_74, %dma_wait3A_94] : memref<10240x128xf32, #tpu.memory_space<vmem_shared>> -> memref<128x128xf32, #tpu.memory_space<vmem_shared>>
      tpu.wait_dma2 semaphore(%run_scoped3A_87 : memref<!tpu.dma_semaphore, #tpu.memory_space<semaphore_mem>>) src(%dma_wait3A_95 : memref<128x128xf32, #tpu.memory_space<vmem_shared>>) dst(%arg9 : memref<128x128xf32, #tpu.memory_space<vmem>>)
      tpu.yield
    }) : () -> ()
    "tpu.region"() ({
      %run_scoped3A_87 = tpu.sem_alloc : memref<!tpu.dma_semaphore, #tpu.memory_space<semaphore_mem>>
      %dma_start3A_88 = arith.constant 0 : i32
      %dma_start3A_89 = tpu.memref_slice %arg5[%arg0, %add3A_74, %dma_start3A_88] : memref<2x10240x128xf32, #tpu.memory_space<hbm>> -> memref<1x128x128xf32, #tpu.memory_space<hbm>>
      %dma_start3A_90 = tpu.memref_squeeze %dma_start3A_89 : memref<1x128x128xf32, #tpu.memory_space<hbm>> -> memref<128x128xf32, #tpu.memory_space<hbm>>
      %dma_start3A_91 = arith.constant 0 : i32
      %dma_start3A_92 = tpu.memref_slice %arg5[%arg0, %add3A_74, %dma_start3A_91] : memref<2x10240x128xf32, #tpu.memory_space<hbm>> -> memref<1x128x128xf32, #tpu.memory_space<hbm>>
      %dma_start3A_93 = tpu.memref_squeeze %dma_start3A_92 : memref<1x128x128xf32, #tpu.memory_space<hbm>> -> memref<128x128xf32, #tpu.memory_space<hbm>>
      tpu.enqueue_dma source(%arg9 : memref<128x128xf32, #tpu.memory_space<vmem>>) target(%dma_start3A_93 : memref<128x128xf32, #tpu.memory_space<hbm>>) target_semaphore(%run_scoped3A_87 : memref<!tpu.dma_semaphore, #tpu.memory_space<semaphore_mem>>)
      %dma_wait3A_94 = arith.constant 0 : i32
      %dma_wait3A_95 = tpu.memref_slice %arg5[%arg0, %add3A_74, %dma_wait3A_94] : memref<2x10240x128xf32, #tpu.memory_space<hbm>> -> memref<1x128x128xf32, #tpu.memory_space<hbm>>
      %dma_wait3A_96 = tpu.memref_squeeze %dma_wait3A_95 : memref<1x128x128xf32, #tpu.memory_space<hbm>> -> memref<128x128xf32, #tpu.memory_space<hbm>>
      %dma_wait3A_97 = arith.constant 0 : i32
      %dma_wait3A_98 = tpu.memref_slice %arg5[%arg0, %add3A_74, %dma_wait3A_97] : memref<2x10240x128xf32, #tpu.memory_space<hbm>> -> memref<1x128x128xf32, #tpu.memory_space<hbm>>
      %dma_wait3A_99 = tpu.memref_squeeze %dma_wait3A_98 : memref<1x128x128xf32, #tpu.memory_space<hbm>> -> memref<128x128xf32, #tpu.memory_space<hbm>>
      tpu.wait_dma2 semaphore(%run_scoped3A_87 : memref<!tpu.dma_semaphore, #tpu.memory_space<semaphore_mem>>) src(%arg9 : memref<128x128xf32, #tpu.memory_space<vmem>>) dst(%dma_wait3A_99 : memref<128x128xf32, #tpu.memory_space<hbm>>)
      tpu.yield
    }) : () -> ()
    %mul3A_75 = arith.constant 640 : i32
    %mul3A_76 = arith.muli %arg1, %mul3A_75 : i32
    %add3A_77 = arith.constant 256 : i32
    %add3A_78 = arith.addi %mul3A_76, %add3A_77 : i32
    "tpu.region"() ({
      %run_scoped3A_87 = tpu.sem_alloc : memref<!tpu.dma_semaphore, #tpu.memory_space<semaphore_mem>>
      %dma_start3A_88 = arith.constant 0 : i32
      %dma_start3A_89 = tpu.memref_slice %arg11[%add3A_78, %dma_start3A_88] : memref<10240x128xf32, #tpu.memory_space<vmem_shared>> -> memref<128x128xf32, #tpu.memory_space<vmem_shared>>
      %dma_start3A_90 = arith.constant 0 : i32
      %dma_start3A_91 = tpu.memref_slice %arg11[%add3A_78, %dma_start3A_90] : memref<10240x128xf32, #tpu.memory_space<vmem_shared>> -> memref<128x128xf32, #tpu.memory_space<vmem_shared>>
      tpu.enqueue_dma source(%dma_start3A_91 : memref<128x128xf32, #tpu.memory_space<vmem_shared>>) target(%arg9 : memref<128x128xf32, #tpu.memory_space<vmem>>) target_semaphore(%run_scoped3A_87 : memref<!tpu.dma_semaphore, #tpu.memory_space<semaphore_mem>>)
      %dma_wait3A_92 = arith.constant 0 : i32
      %dma_wait3A_93 = tpu.memref_slice %arg11[%add3A_78, %dma_wait3A_92] : memref<10240x128xf32, #tpu.memory_space<vmem_shared>> -> memref<128x128xf32, #tpu.memory_space<vmem_shared>>
      %dma_wait3A_94 = arith.constant 0 : i32
      %dma_wait3A_95 = tpu.memref_slice %arg11[%add3A_78, %dma_wait3A_94] : memref<10240x128xf32, #tpu.memory_space<vmem_shared>> -> memref<128x128xf32, #tpu.memory_space<vmem_shared>>
      tpu.wait_dma2 semaphore(%run_scoped3A_87 : memref<!tpu.dma_semaphore, #tpu.memory_space<semaphore_mem>>) src(%dma_wait3A_95 : memref<128x128xf32, #tpu.memory_space<vmem_shared>>) dst(%arg9 : memref<128x128xf32, #tpu.memory_space<vmem>>)
      tpu.yield
    }) : () -> ()
    "tpu.region"() ({
      %run_scoped3A_87 = tpu.sem_alloc : memref<!tpu.dma_semaphore, #tpu.memory_space<semaphore_mem>>
      %dma_start3A_88 = arith.constant 0 : i32
      %dma_start3A_89 = tpu.memref_slice %arg5[%arg0, %add3A_78, %dma_start3A_88] : memref<2x10240x128xf32, #tpu.memory_space<hbm>> -> memref<1x128x128xf32, #tpu.memory_space<hbm>>
      %dma_start3A_90 = tpu.memref_squeeze %dma_start3A_89 : memref<1x128x128xf32, #tpu.memory_space<hbm>> -> memref<128x128xf32, #tpu.memory_space<hbm>>
      %dma_start3A_91 = arith.constant 0 : i32
      %dma_start3A_92 = tpu.memref_slice %arg5[%arg0, %add3A_78, %dma_start3A_91] : memref<2x10240x128xf32, #tpu.memory_space<hbm>> -> memref<1x128x128xf32, #tpu.memory_space<hbm>>
      %dma_start3A_93 = tpu.memref_squeeze %dma_start3A_92 : memref<1x128x128xf32, #tpu.memory_space<hbm>> -> memref<128x128xf32, #tpu.memory_space<hbm>>
      tpu.enqueue_dma source(%arg9 : memref<128x128xf32, #tpu.memory_space<vmem>>) target(%dma_start3A_93 : memref<128x128xf32, #tpu.memory_space<hbm>>) target_semaphore(%run_scoped3A_87 : memref<!tpu.dma_semaphore, #tpu.memory_space<semaphore_mem>>)
      %dma_wait3A_94 = arith.constant 0 : i32
      %dma_wait3A_95 = tpu.memref_slice %arg5[%arg0, %add3A_78, %dma_wait3A_94] : memref<2x10240x128xf32, #tpu.memory_space<hbm>> -> memref<1x128x128xf32, #tpu.memory_space<hbm>>
      %dma_wait3A_96 = tpu.memref_squeeze %dma_wait3A_95 : memref<1x128x128xf32, #tpu.memory_space<hbm>> -> memref<128x128xf32, #tpu.memory_space<hbm>>
      %dma_wait3A_97 = arith.constant 0 : i32
      %dma_wait3A_98 = tpu.memref_slice %arg5[%arg0, %add3A_78, %dma_wait3A_97] : memref<2x10240x128xf32, #tpu.memory_space<hbm>> -> memref<1x128x128xf32, #tpu.memory_space<hbm>>
      %dma_wait3A_99 = tpu.memref_squeeze %dma_wait3A_98 : memref<1x128x128xf32, #tpu.memory_space<hbm>> -> memref<128x128xf32, #tpu.memory_space<hbm>>
      tpu.wait_dma2 semaphore(%run_scoped3A_87 : memref<!tpu.dma_semaphore, #tpu.memory_space<semaphore_mem>>) src(%arg9 : memref<128x128xf32, #tpu.memory_space<vmem>>) dst(%dma_wait3A_99 : memref<128x128xf32, #tpu.memory_space<hbm>>)
      tpu.yield
    }) : () -> ()
    %mul3A_79 = arith.constant 640 : i32
    %mul3A_80 = arith.muli %arg1, %mul3A_79 : i32
    %add3A_81 = arith.constant 384 : i32
    %add3A_82 = arith.addi %mul3A_80, %add3A_81 : i32
    "tpu.region"() ({
      %run_scoped3A_87 = tpu.sem_alloc : memref<!tpu.dma_semaphore, #tpu.memory_space<semaphore_mem>>
      %dma_start3A_88 = arith.constant 0 : i32
      %dma_start3A_89 = tpu.memref_slice %arg11[%add3A_82, %dma_start3A_88] : memref<10240x128xf32, #tpu.memory_space<vmem_shared>> -> memref<128x128xf32, #tpu.memory_space<vmem_shared>>
      %dma_start3A_90 = arith.constant 0 : i32
      %dma_start3A_91 = tpu.memref_slice %arg11[%add3A_82, %dma_start3A_90] : memref<10240x128xf32, #tpu.memory_space<vmem_shared>> -> memref<128x128xf32, #tpu.memory_space<vmem_shared>>
      tpu.enqueue_dma source(%dma_start3A_91 : memref<128x128xf32, #tpu.memory_space<vmem_shared>>) target(%arg9 : memref<128x128xf32, #tpu.memory_space<vmem>>) target_semaphore(%run_scoped3A_87 : memref<!tpu.dma_semaphore, #tpu.memory_space<semaphore_mem>>)
      %dma_wait3A_92 = arith.constant 0 : i32
      %dma_wait3A_93 = tpu.memref_slice %arg11[%add3A_82, %dma_wait3A_92] : memref<10240x128xf32, #tpu.memory_space<vmem_shared>> -> memref<128x128xf32, #tpu.memory_space<vmem_shared>>
      %dma_wait3A_94 = arith.constant 0 : i32
      %dma_wait3A_95 = tpu.memref_slice %arg11[%add3A_82, %dma_wait3A_94] : memref<10240x128xf32, #tpu.memory_space<vmem_shared>> -> memref<128x128xf32, #tpu.memory_space<vmem_shared>>
      tpu.wait_dma2 semaphore(%run_scoped3A_87 : memref<!tpu.dma_semaphore, #tpu.memory_space<semaphore_mem>>) src(%dma_wait3A_95 : memref<128x128xf32, #tpu.memory_space<vmem_shared>>) dst(%arg9 : memref<128x128xf32, #tpu.memory_space<vmem>>)
      tpu.yield
    }) : () -> ()
    "tpu.region"() ({
      %run_scoped3A_87 = tpu.sem_alloc : memref<!tpu.dma_semaphore, #tpu.memory_space<semaphore_mem>>
      %dma_start3A_88 = arith.constant 0 : i32
      %dma_start3A_89 = tpu.memref_slice %arg5[%arg0, %add3A_82, %dma_start3A_88] : memref<2x10240x128xf32, #tpu.memory_space<hbm>> -> memref<1x128x128xf32, #tpu.memory_space<hbm>>
      %dma_start3A_90 = tpu.memref_squeeze %dma_start3A_89 : memref<1x128x128xf32, #tpu.memory_space<hbm>> -> memref<128x128xf32, #tpu.memory_space<hbm>>
      %dma_start3A_91 = arith.constant 0 : i32
      %dma_start3A_92 = tpu.memref_slice %arg5[%arg0, %add3A_82, %dma_start3A_91] : memref<2x10240x128xf32, #tpu.memory_space<hbm>> -> memref<1x128x128xf32, #tpu.memory_space<hbm>>
      %dma_start3A_93 = tpu.memref_squeeze %dma_start3A_92 : memref<1x128x128xf32, #tpu.memory_space<hbm>> -> memref<128x128xf32, #tpu.memory_space<hbm>>
      tpu.enqueue_dma source(%arg9 : memref<128x128xf32, #tpu.memory_space<vmem>>) target(%dma_start3A_93 : memref<128x128xf32, #tpu.memory_space<hbm>>) target_semaphore(%run_scoped3A_87 : memref<!tpu.dma_semaphore, #tpu.memory_space<semaphore_mem>>)
      %dma_wait3A_94 = arith.constant 0 : i32
      %dma_wait3A_95 = tpu.memref_slice %arg5[%arg0, %add3A_82, %dma_wait3A_94] : memref<2x10240x128xf32, #tpu.memory_space<hbm>> -> memref<1x128x128xf32, #tpu.memory_space<hbm>>
      %dma_wait3A_96 = tpu.memref_squeeze %dma_wait3A_95 : memref<1x128x128xf32, #tpu.memory_space<hbm>> -> memref<128x128xf32, #tpu.memory_space<hbm>>
      %dma_wait3A_97 = arith.constant 0 : i32
      %dma_wait3A_98 = tpu.memref_slice %arg5[%arg0, %add3A_82, %dma_wait3A_97] : memref<2x10240x128xf32, #tpu.memory_space<hbm>> -> memref<1x128x128xf32, #tpu.memory_space<hbm>>
      %dma_wait3A_99 = tpu.memref_squeeze %dma_wait3A_98 : memref<1x128x128xf32, #tpu.memory_space<hbm>> -> memref<128x128xf32, #tpu.memory_space<hbm>>
      tpu.wait_dma2 semaphore(%run_scoped3A_87 : memref<!tpu.dma_semaphore, #tpu.memory_space<semaphore_mem>>) src(%arg9 : memref<128x128xf32, #tpu.memory_space<vmem>>) dst(%dma_wait3A_99 : memref<128x128xf32, #tpu.memory_space<hbm>>)
      tpu.yield
    }) : () -> ()
    %mul3A_83 = arith.constant 640 : i32
    %mul3A_84 = arith.muli %arg1, %mul3A_83 : i32
    %add3A_85 = arith.constant 512 : i32
    %add3A_86 = arith.addi %mul3A_84, %add3A_85 : i32
    "tpu.region"() ({
      %run_scoped3A_87 = tpu.sem_alloc : memref<!tpu.dma_semaphore, #tpu.memory_space<semaphore_mem>>
      %dma_start3A_88 = arith.constant 0 : i32
      %dma_start3A_89 = tpu.memref_slice %arg11[%add3A_86, %dma_start3A_88] : memref<10240x128xf32, #tpu.memory_space<vmem_shared>> -> memref<128x128xf32, #tpu.memory_space<vmem_shared>>
      %dma_start3A_90 = arith.constant 0 : i32
      %dma_start3A_91 = tpu.memref_slice %arg11[%add3A_86, %dma_start3A_90] : memref<10240x128xf32, #tpu.memory_space<vmem_shared>> -> memref<128x128xf32, #tpu.memory_space<vmem_shared>>
      tpu.enqueue_dma source(%dma_start3A_91 : memref<128x128xf32, #tpu.memory_space<vmem_shared>>) target(%arg9 : memref<128x128xf32, #tpu.memory_space<vmem>>) target_semaphore(%run_scoped3A_87 : memref<!tpu.dma_semaphore, #tpu.memory_space<semaphore_mem>>)
      %dma_wait3A_92 = arith.constant 0 : i32
      %dma_wait3A_93 = tpu.memref_slice %arg11[%add3A_86, %dma_wait3A_92] : memref<10240x128xf32, #tpu.memory_space<vmem_shared>> -> memref<128x128xf32, #tpu.memory_space<vmem_shared>>
      %dma_wait3A_94 = arith.constant 0 : i32
      %dma_wait3A_95 = tpu.memref_slice %arg11[%add3A_86, %dma_wait3A_94] : memref<10240x128xf32, #tpu.memory_space<vmem_shared>> -> memref<128x128xf32, #tpu.memory_space<vmem_shared>>
      tpu.wait_dma2 semaphore(%run_scoped3A_87 : memref<!tpu.dma_semaphore, #tpu.memory_space<semaphore_mem>>) src(%dma_wait3A_95 : memref<128x128xf32, #tpu.memory_space<vmem_shared>>) dst(%arg9 : memref<128x128xf32, #tpu.memory_space<vmem>>)
      tpu.yield
    }) : () -> ()
    "tpu.region"() ({
      %run_scoped3A_87 = tpu.sem_alloc : memref<!tpu.dma_semaphore, #tpu.memory_space<semaphore_mem>>
      %dma_start3A_88 = arith.constant 0 : i32
      %dma_start3A_89 = tpu.memref_slice %arg5[%arg0, %add3A_86, %dma_start3A_88] : memref<2x10240x128xf32, #tpu.memory_space<hbm>> -> memref<1x128x128xf32, #tpu.memory_space<hbm>>
      %dma_start3A_90 = tpu.memref_squeeze %dma_start3A_89 : memref<1x128x128xf32, #tpu.memory_space<hbm>> -> memref<128x128xf32, #tpu.memory_space<hbm>>
      %dma_start3A_91 = arith.constant 0 : i32
      %dma_start3A_92 = tpu.memref_slice %arg5[%arg0, %add3A_86, %dma_start3A_91] : memref<2x10240x128xf32, #tpu.memory_space<hbm>> -> memref<1x128x128xf32, #tpu.memory_space<hbm>>
      %dma_start3A_93 = tpu.memref_squeeze %dma_start3A_92 : memref<1x128x128xf32, #tpu.memory_space<hbm>> -> memref<128x128xf32, #tpu.memory_space<hbm>>
      tpu.enqueue_dma source(%arg9 : memref<128x128xf32, #tpu.memory_space<vmem>>) target(%dma_start3A_93 : memref<128x128xf32, #tpu.memory_space<hbm>>) target_semaphore(%run_scoped3A_87 : memref<!tpu.dma_semaphore, #tpu.memory_space<semaphore_mem>>)
      %dma_wait3A_94 = arith.constant 0 : i32
      %dma_wait3A_95 = tpu.memref_slice %arg5[%arg0, %add3A_86, %dma_wait3A_94] : memref<2x10240x128xf32, #tpu.memory_space<hbm>> -> memref<1x128x128xf32, #tpu.memory_space<hbm>>
      %dma_wait3A_96 = tpu.memref_squeeze %dma_wait3A_95 : memref<1x128x128xf32, #tpu.memory_space<hbm>> -> memref<128x128xf32, #tpu.memory_space<hbm>>
      %dma_wait3A_97 = arith.constant 0 : i32
      %dma_wait3A_98 = tpu.memref_slice %arg5[%arg0, %add3A_86, %dma_wait3A_97] : memref<2x10240x128xf32, #tpu.memory_space<hbm>> -> memref<1x128x128xf32, #tpu.memory_space<hbm>>
      %dma_wait3A_99 = tpu.memref_squeeze %dma_wait3A_98 : memref<1x128x128xf32, #tpu.memory_space<hbm>> -> memref<128x128xf32, #tpu.memory_space<hbm>>
      tpu.wait_dma2 semaphore(%run_scoped3A_87 : memref<!tpu.dma_semaphore, #tpu.memory_space<semaphore_mem>>) src(%arg9 : memref<128x128xf32, #tpu.memory_space<vmem>>) dst(%dma_wait3A_99 : memref<128x128xf32, #tpu.memory_space<hbm>>)
      tpu.yield
    }) : () -> ()
    return
  }
}

module attributes {stable_mosaic.version = 14 : i64} {
  func.func @_k1_body(%arg0: i32, %arg1: memref<80x128xi32, #tpu.memory_space<vmem>>, %arg2: memref<2048x1xi32, #tpu.memory_space<vmem>>, %arg3: memref<2048x128xf32, #tpu.memory_space<vmem>>, %arg4: memref<2048x128xf32, #tpu.memory_space<vmem>>, %arg5: memref<128x128xf32, #tpu.memory_space<vmem>>, %arg6: memref<2048x1xf32, #tpu.memory_space<vmem>>, %arg7: memref<2048x1xf32, #tpu.memory_space<vmem>>, %arg8: memref<2048x128xf32, #tpu.memory_space<vmem>>, %arg9: memref<2048x128xf32, #tpu.memory_space<vmem>>, %arg10: memref<2048x1xf32, #tpu.memory_space<vmem>>) attributes {dimension_semantics = [#tpu.dimension_semantics<arbitrary>], iteration_bounds = array<i64: 5>, scalar_prefetch = 0 : i64, scratch_operands = 0 : i64, tpu.core_type = #tpu.core_type<tc>, window_params = [{pipeline_mode = #tpu.pipeline_mode<synchronous>, transform_indices = @transform_0, window_bounds = array<i64: 80, 128>}, {transform_indices = @transform_1, window_bounds = array<i64: 2048, 1>}, {transform_indices = @transform_2, window_bounds = array<i64: 2048, 128>}, {transform_indices = @transform_3, window_bounds = array<i64: 2048, 128>}, {pipeline_mode = #tpu.pipeline_mode<synchronous>, transform_indices = @transform_4, window_bounds = array<i64: 128, 128>}, {transform_indices = @transform_5, window_bounds = array<i64: 2048, 1>}, {transform_indices = @transform_6, window_bounds = array<i64: 2048, 1>}, {transform_indices = @transform_7, window_bounds = array<i64: 2048, 128>}, {transform_indices = @transform_8, window_bounds = array<i64: 2048, 128>}, {transform_indices = @transform_9, window_bounds = array<i64: 2048, 1>}]} {
    %get3A = arith.constant 0 : index
    %get3A_0 = arith.constant 0 : index
    %get3A_1 = vector.load %arg1[%get3A, %get3A_0] : memref<80x128xi32, #tpu.memory_space<vmem>>, vector<80x128xi32>
    %reduce_max3A = vector.shape_cast %get3A_1 : vector<80x128xi32> to vector<1x80x128xi32>
    %reduce_max3A_2 = arith.constant dense<-2147483648> : vector<1xi32>
    %reduce_max3A_3 = vector.multi_reduction <maxsi>, %reduce_max3A, %reduce_max3A_2 [1, 2] : vector<1x80x128xi32> to vector<1xi32>
    %reduce_max3A_4 = vector.shape_cast %reduce_max3A_3 : vector<1xi32> to vector<1x1x1xi32>
    %reduce_max3A_5 = vector.extract %reduce_max3A_4[0, 0, 0] : i32 from vector<1x1x1xi32>
    %get3A_6 = arith.constant 0 : index
    %get3A_7 = arith.constant 0 : index
    %get3A_8 = vector.load %arg2[%get3A_6, %get3A_7] : memref<2048x1xi32, #tpu.memory_space<vmem>>, vector<2048x1xi32>
    %gt3A = arith.constant 0 : i32
    %gt3A_9 = arith.cmpi sgt, %reduce_max3A_5, %gt3A : i32
    %eq3A = vector.broadcast %reduce_max3A_5 : i32 to vector<2048x1xi32>
    %eq3A_10 = arith.cmpi eq, %get3A_8, %eq3A : vector<2048x1xi32>
    %and3A = vector.broadcast %gt3A_9 : i1 to vector<2048x1xi1>
    %and3A_11 = arith.andi %and3A, %eq3A_10 : vector<2048x1xi1>
    %get3A_12 = arith.constant 0 : index
    %get3A_13 = arith.constant 0 : index
    %get3A_14 = vector.load %arg3[%get3A_12, %get3A_13] : memref<2048x128xf32, #tpu.memory_space<vmem>>, vector<2048x128xf32>
    %jit3A = arith.constant 0.000000e+00 : f32
    %broadcast_in_dim3A = vector.shape_cast %and3A_11 : vector<2048x1xi1> to vector<2048x1xi1>
    %broadcast_in_dim3A_15 = vector.broadcast %broadcast_in_dim3A : vector<2048x1xi1> to vector<2048x128xi1>
    %broadcast_in_dim3A_16 = vector.broadcast %jit3A : f32 to vector<2048x128xf32>
    %select_n3A = arith.select %broadcast_in_dim3A_15, %broadcast_in_dim3A_16, %get3A_14 : vector<2048x128xi1>, vector<2048x128xf32>
    %get3A_17 = arith.constant 0 : index
    %get3A_18 = arith.constant 0 : index
    %get3A_19 = vector.load %arg6[%get3A_17, %get3A_18] : memref<2048x1xf32, #tpu.memory_space<vmem>>, vector<2048x1xf32>
    %get3A_20 = arith.constant 0 : index
    %get3A_21 = arith.constant 0 : index
    %get3A_22 = vector.load %arg7[%get3A_20, %get3A_21] : memref<2048x1xf32, #tpu.memory_space<vmem>>, vector<2048x1xf32>
    %add3A = arith.addf %get3A_19, %get3A_22 : vector<2048x1xf32>
    %add3A_23 = arith.constant 1.000000e+00 : f32
    %add3A_24 = vector.broadcast %add3A_23 : f32 to vector<2048x1xf32>
    %add3A_25 = arith.addf %add3A, %add3A_24 : vector<2048x1xf32>
    %rsqrt3A = math.rsqrt %add3A_25 : vector<2048x1xf32>
    %get3A_26 = arith.constant 0 : index
    %get3A_27 = arith.constant 0 : index
    %get3A_28 = vector.load %arg5[%get3A_26, %get3A_27] : memref<128x128xf32, #tpu.memory_space<vmem>>, vector<128x128xf32>
    %dot_general3A = arith.constant dense<0.000000e+00> : vector<2048x128xf32>
    %dot_general3A_29 = tpu.matmul %select_n3A, %get3A_28, %dot_general3A {dimension_numbers = #tpu.dot_dimension_numbers<[1], [0], [0], [1], [0, 0, 1, 1], [], []>, transpose_lhs_hint = false} : vector<2048x128xf32>, vector<128x128xf32>, vector<2048x128xf32> -> vector<2048x128xf32>
    %mul3A = vector.broadcast %rsqrt3A : vector<2048x1xf32> to vector<2048x128xf32>
    %mul3A_30 = arith.mulf %dot_general3A_29, %mul3A : vector<2048x128xf32>
    %swap3A = arith.constant 0 : index
    %swap3A_31 = arith.constant 0 : index
    %swap3A_32 = vector.load %arg8[%swap3A, %swap3A_31] : memref<2048x128xf32, #tpu.memory_space<vmem>>, vector<2048x128xf32>
    tpu.vector_store %arg8[%swap3A, %swap3A_31], %mul3A_30 {strides = array<i32>} : memref<2048x128xf32, #tpu.memory_space<vmem>>, vector<2048x128xf32>,
    %get3A_33 = arith.constant 0 : index
    %get3A_34 = arith.constant 0 : index
    %get3A_35 = vector.load %arg4[%get3A_33, %get3A_34] : memref<2048x128xf32, #tpu.memory_space<vmem>>, vector<2048x128xf32>
    %get3A_36 = arith.constant 0 : index
    %get3A_37 = arith.constant 0 : index
    %get3A_38 = vector.load %arg5[%get3A_36, %get3A_37] : memref<128x128xf32, #tpu.memory_space<vmem>>, vector<128x128xf32>
    %dot_general3A_39 = arith.constant dense<0.000000e+00> : vector<2048x128xf32>
    %dot_general3A_40 = tpu.matmul %get3A_35, %get3A_38, %dot_general3A_39 {dimension_numbers = #tpu.dot_dimension_numbers<[1], [0], [0], [1], [0, 0, 1, 1], [], []>, transpose_lhs_hint = false} : vector<2048x128xf32>, vector<128x128xf32>, vector<2048x128xf32> -> vector<2048x128xf32>
    %swap3A_41 = arith.constant 0 : index
    %swap3A_42 = arith.constant 0 : index
    %swap3A_43 = vector.load %arg9[%swap3A_41, %swap3A_42] : memref<2048x128xf32, #tpu.memory_space<vmem>>, vector<2048x128xf32>
    tpu.vector_store %arg9[%swap3A_41, %swap3A_42], %dot_general3A_40 {strides = array<i32>} : memref<2048x128xf32, #tpu.memory_space<vmem>>, vector<2048x128xf32>,
    %swap3A_44 = arith.constant 0 : index
    %swap3A_45 = arith.constant 0 : index
    %swap3A_46 = vector.load %arg10[%swap3A_44, %swap3A_45] : memref<2048x1xf32, #tpu.memory_space<vmem>>, vector<2048x1xf32>
    tpu.vector_store %arg10[%swap3A_44, %swap3A_45], %rsqrt3A {strides = array<i32>} : memref<2048x1xf32, #tpu.memory_space<vmem>>, vector<2048x1xf32>,
    return
  }
  func.func @transform_0(%arg0: i32) -> (i32, i32) {
    %c0_i32 = arith.constant 0 : i32
    %c0_i32_0 = arith.constant 0 : i32
    %c0_i32_1 = arith.constant 0 : i32
    return %c0_i32, %c0_i32_0 : i32, i32
  }
  func.func @transform_1(%arg0: i32) -> (i32, i32) {
    %c0_i32 = arith.constant 0 : i32
    %c0_i32_0 = arith.constant 0 : i32
    return %arg0, %c0_i32 : i32, i32
  }
  func.func @transform_2(%arg0: i32) -> (i32, i32) {
    %c0_i32 = arith.constant 0 : i32
    %c0_i32_0 = arith.constant 0 : i32
    return %arg0, %c0_i32 : i32, i32
  }
  func.func @transform_3(%arg0: i32) -> (i32, i32) {
    %c0_i32 = arith.constant 0 : i32
    %c0_i32_0 = arith.constant 0 : i32
    return %arg0, %c0_i32 : i32, i32
  }
  func.func @transform_4(%arg0: i32) -> (i32, i32) {
    %c0_i32 = arith.constant 0 : i32
    %c0_i32_0 = arith.constant 0 : i32
    %c0_i32_1 = arith.constant 0 : i32
    return %c0_i32, %c0_i32_0 : i32, i32
  }
  func.func @transform_5(%arg0: i32) -> (i32, i32) {
    %c0_i32 = arith.constant 0 : i32
    %c0_i32_0 = arith.constant 0 : i32
    return %arg0, %c0_i32 : i32, i32
  }
  func.func @transform_6(%arg0: i32) -> (i32, i32) {
    %c0_i32 = arith.constant 0 : i32
    %c0_i32_0 = arith.constant 0 : i32
    return %arg0, %c0_i32 : i32, i32
  }
  func.func @transform_7(%arg0: i32) -> (i32, i32) {
    %c0_i32 = arith.constant 0 : i32
    %c0_i32_0 = arith.constant 0 : i32
    return %arg0, %c0_i32 : i32, i32
  }
  func.func @transform_8(%arg0: i32) -> (i32, i32) {
    %c0_i32 = arith.constant 0 : i32
    %c0_i32_0 = arith.constant 0 : i32
    return %arg0, %c0_i32 : i32, i32
  }
  func.func @transform_9(%arg0: i32) -> (i32, i32) {
    %c0_i32 = arith.constant 0 : i32
    %c0_i32_0 = arith.constant 0 : i32
    return %arg0, %c0_i32 : i32, i32
  }
}

module attributes {stable_mosaic.version = 14 : i64} {
  func.func @_k3_body(%arg0: i32, %arg1: memref<80x128xi32, #tpu.memory_space<vmem>>, %arg2: memref<2048x1xi32, #tpu.memory_space<vmem>>, %arg3: memref<2048x128xf32, #tpu.memory_space<vmem>>, %arg4: memref<2048x128xf32, #tpu.memory_space<vmem>>, %arg5: memref<2048x128xf32, #tpu.memory_space<vmem>>, %arg6: memref<2048x128xf32, #tpu.memory_space<vmem>>, %arg7: memref<2048x1xf32, #tpu.memory_space<vmem>>, %arg8: memref<128x128xf32, #tpu.memory_space<vmem>>, %arg9: memref<1x128xf32, #tpu.memory_space<vmem>>, %arg10: memref<2048x128xf32, #tpu.memory_space<vmem>>) attributes {dimension_semantics = [#tpu.dimension_semantics<arbitrary>], iteration_bounds = array<i64: 5>, scalar_prefetch = 0 : i64, scratch_operands = 0 : i64, tpu.core_type = #tpu.core_type<tc>, window_params = [{pipeline_mode = #tpu.pipeline_mode<synchronous>, transform_indices = @transform_0, window_bounds = array<i64: 80, 128>}, {transform_indices = @transform_1, window_bounds = array<i64: 2048, 1>}, {transform_indices = @transform_2, window_bounds = array<i64: 2048, 128>}, {transform_indices = @transform_3, window_bounds = array<i64: 2048, 128>}, {transform_indices = @transform_4, window_bounds = array<i64: 2048, 128>}, {transform_indices = @transform_5, window_bounds = array<i64: 2048, 128>}, {transform_indices = @transform_6, window_bounds = array<i64: 2048, 1>}, {pipeline_mode = #tpu.pipeline_mode<synchronous>, transform_indices = @transform_7, window_bounds = array<i64: 128, 128>}, {pipeline_mode = #tpu.pipeline_mode<synchronous>, transform_indices = @transform_8, window_bounds = array<i64: 1, 128>}, {transform_indices = @transform_9, window_bounds = array<i64: 2048, 128>}]} {
    %get3A = arith.constant 0 : index
    %get3A_0 = arith.constant 0 : index
    %get3A_1 = vector.load %arg1[%get3A, %get3A_0] : memref<80x128xi32, #tpu.memory_space<vmem>>, vector<80x128xi32>
    %reduce_max3A = vector.shape_cast %get3A_1 : vector<80x128xi32> to vector<1x80x128xi32>
    %reduce_max3A_2 = arith.constant dense<-2147483648> : vector<1xi32>
    %reduce_max3A_3 = vector.multi_reduction <maxsi>, %reduce_max3A, %reduce_max3A_2 [1, 2] : vector<1x80x128xi32> to vector<1xi32>
    %reduce_max3A_4 = vector.shape_cast %reduce_max3A_3 : vector<1xi32> to vector<1x1x1xi32>
    %reduce_max3A_5 = vector.extract %reduce_max3A_4[0, 0, 0] : i32 from vector<1x1x1xi32>
    %gt3A = arith.constant 0 : i32
    %gt3A_6 = arith.cmpi sgt, %reduce_max3A_5, %gt3A : i32
    %get3A_7 = arith.constant 0 : index
    %get3A_8 = arith.constant 0 : index
    %get3A_9 = vector.load %arg2[%get3A_7, %get3A_8] : memref<2048x1xi32, #tpu.memory_space<vmem>>, vector<2048x1xi32>
    %sub3A = arith.constant 1 : i32
    %sub3A_10 = arith.subi %reduce_max3A_5, %sub3A : i32
    %eq3A = vector.broadcast %sub3A_10 : i32 to vector<2048x1xi32>
    %eq3A_11 = arith.cmpi eq, %get3A_9, %eq3A : vector<2048x1xi32>
    %and3A = vector.broadcast %gt3A_6 : i1 to vector<2048x1xi1>
    %and3A_12 = arith.andi %and3A, %eq3A_11 : vector<2048x1xi1>
    %get3A_13 = arith.constant 0 : index
    %get3A_14 = arith.constant 0 : index
    %get3A_15 = vector.load %arg7[%get3A_13, %get3A_14] : memref<2048x1xf32, #tpu.memory_space<vmem>>, vector<2048x1xf32>
    %get3A_16 = arith.constant 0 : index
    %get3A_17 = arith.constant 0 : index
    %get3A_18 = vector.load %arg3[%get3A_16, %get3A_17] : memref<2048x128xf32, #tpu.memory_space<vmem>>, vector<2048x128xf32>
    %get3A_19 = arith.constant 0 : index
    %get3A_20 = arith.constant 0 : index
    %get3A_21 = vector.load %arg4[%get3A_19, %get3A_20] : memref<2048x128xf32, #tpu.memory_space<vmem>>, vector<2048x128xf32>
    %add3A = arith.addf %get3A_18, %get3A_21 : vector<2048x128xf32>
    %get3A_22 = arith.constant 0 : index
    %get3A_23 = arith.constant 0 : index
    %get3A_24 = vector.load %arg5[%get3A_22, %get3A_23] : memref<2048x128xf32, #tpu.memory_space<vmem>>, vector<2048x128xf32>
    %add3A_25 = arith.addf %add3A, %get3A_24 : vector<2048x128xf32>
    %get3A_26 = arith.constant 0 : index
    %get3A_27 = arith.constant 0 : index
    %get3A_28 = vector.load %arg6[%get3A_26, %get3A_27] : memref<2048x128xf32, #tpu.memory_space<vmem>>, vector<2048x128xf32>
    %mul3A = vector.broadcast %get3A_15 : vector<2048x1xf32> to vector<2048x128xf32>
    %mul3A_29 = arith.mulf %mul3A, %add3A_25 : vector<2048x128xf32>
    %broadcast_in_dim3A = vector.shape_cast %and3A_12 : vector<2048x1xi1> to vector<2048x1xi1>
    %broadcast_in_dim3A_30 = vector.broadcast %broadcast_in_dim3A : vector<2048x1xi1> to vector<2048x128xi1>
    %select_n3A = arith.select %broadcast_in_dim3A_30, %get3A_28, %mul3A_29 : vector<2048x128xi1>, vector<2048x128xf32>
    %get3A_31 = arith.constant 0 : index
    %get3A_32 = arith.constant 0 : index
    %get3A_33 = vector.load %arg9[%get3A_31, %get3A_32] : memref<1x128xf32, #tpu.memory_space<vmem>>, vector<1x128xf32>
    %add3A_34 = vector.broadcast %get3A_33 : vector<1x128xf32> to vector<2048x128xf32>
    %add3A_35 = arith.addf %select_n3A, %add3A_34 : vector<2048x128xf32>
    %max3A = arith.constant 0.000000e+00 : f32
    %max3A_36 = vector.broadcast %max3A : f32 to vector<2048x128xf32>
    %max3A_37 = arith.maximumf %add3A_35, %max3A_36 : vector<2048x128xf32>
    %get3A_38 = arith.constant 0 : index
    %get3A_39 = arith.constant 0 : index
    %get3A_40 = vector.load %arg8[%get3A_38, %get3A_39] : memref<128x128xf32, #tpu.memory_space<vmem>>, vector<128x128xf32>
    %dot_general3A = arith.constant dense<0.000000e+00> : vector<2048x128xf32>
    %dot_general3A_41 = tpu.matmul %max3A_37, %get3A_40, %dot_general3A {dimension_numbers = #tpu.dot_dimension_numbers<[1], [0], [0], [1], [0, 0, 1, 1], [], []>, transpose_lhs_hint = false} : vector<2048x128xf32>, vector<128x128xf32>, vector<2048x128xf32> -> vector<2048x128xf32>
    %mul3A_42 = vector.broadcast %get3A_15 : vector<2048x1xf32> to vector<2048x128xf32>
    %mul3A_43 = arith.mulf %dot_general3A_41, %mul3A_42 : vector<2048x128xf32>
    %swap3A = arith.constant 0 : index
    %swap3A_44 = arith.constant 0 : index
    %swap3A_45 = vector.load %arg10[%swap3A, %swap3A_44] : memref<2048x128xf32, #tpu.memory_space<vmem>>, vector<2048x128xf32>
    tpu.vector_store %arg10[%swap3A, %swap3A_44], %mul3A_43 {strides = array<i32>} : memref<2048x128xf32, #tpu.memory_space<vmem>>, vector<2048x128xf32>,
    return
  }
  func.func @transform_0(%arg0: i32) -> (i32, i32) {
    %c0_i32 = arith.constant 0 : i32
    %c0_i32_0 = arith.constant 0 : i32
    %c0_i32_1 = arith.constant 0 : i32
    return %c0_i32, %c0_i32_0 : i32, i32
  }
  func.func @transform_1(%arg0: i32) -> (i32, i32) {
    %c0_i32 = arith.constant 0 : i32
    %c0_i32_0 = arith.constant 0 : i32
    return %arg0, %c0_i32 : i32, i32
  }
  func.func @transform_2(%arg0: i32) -> (i32, i32) {
    %c0_i32 = arith.constant 0 : i32
    %c0_i32_0 = arith.constant 0 : i32
    return %arg0, %c0_i32 : i32, i32
  }
  func.func @transform_3(%arg0: i32) -> (i32, i32) {
    %c0_i32 = arith.constant 0 : i32
    %c0_i32_0 = arith.constant 0 : i32
    return %arg0, %c0_i32 : i32, i32
  }
  func.func @transform_4(%arg0: i32) -> (i32, i32) {
    %c0_i32 = arith.constant 0 : i32
    %c0_i32_0 = arith.constant 0 : i32
    return %arg0, %c0_i32 : i32, i32
  }
  func.func @transform_5(%arg0: i32) -> (i32, i32) {
    %c0_i32 = arith.constant 0 : i32
    %c0_i32_0 = arith.constant 0 : i32
    return %arg0, %c0_i32 : i32, i32
  }
  func.func @transform_6(%arg0: i32) -> (i32, i32) {
    %c0_i32 = arith.constant 0 : i32
    %c0_i32_0 = arith.constant 0 : i32
    return %arg0, %c0_i32 : i32, i32
  }
  func.func @transform_7(%arg0: i32) -> (i32, i32) {
    %c0_i32 = arith.constant 0 : i32
    %c0_i32_0 = arith.constant 0 : i32
    %c0_i32_1 = arith.constant 0 : i32
    return %c0_i32, %c0_i32_0 : i32, i32
  }
  func.func @transform_8(%arg0: i32) -> (i32, i32) {
    %c0_i32 = arith.constant 0 : i32
    %c0_i32_0 = arith.constant 0 : i32
    %c0_i32_1 = arith.constant 0 : i32
    return %c0_i32, %c0_i32_0 : i32, i32
  }
  func.func @transform_9(%arg0: i32) -> (i32, i32) {
    %c0_i32 = arith.constant 0 : i32
    %c0_i32_0 = arith.constant 0 : i32
    return %arg0, %c0_i32 : i32, i32
  }
}

module attributes {stable_mosaic.version = 14 : i64} {
  func.func @_k5_body(%arg0: i32, %arg1: memref<2048x128xf32, #tpu.memory_space<vmem>>, %arg2: memref<2048x128xf32, #tpu.memory_space<vmem>>, %arg3: memref<2048x128xf32, #tpu.memory_space<vmem>>, %arg4: memref<2048x1xf32, #tpu.memory_space<vmem>>, %arg5: memref<1x128xf32, #tpu.memory_space<vmem>>, %arg6: memref<128x64xf32, #tpu.memory_space<vmem>>, %arg7: memref<1x64xf32, #tpu.memory_space<vmem>>, %arg8: memref<2048x64xf32, #tpu.memory_space<vmem>>) attributes {dimension_semantics = [#tpu.dimension_semantics<arbitrary>], iteration_bounds = array<i64: 5>, scalar_prefetch = 0 : i64, scratch_operands = 0 : i64, tpu.core_type = #tpu.core_type<tc>, window_params = [{transform_indices = @transform_0, window_bounds = array<i64: 2048, 128>}, {transform_indices = @transform_1, window_bounds = array<i64: 2048, 128>}, {transform_indices = @transform_2, window_bounds = array<i64: 2048, 128>}, {transform_indices = @transform_3, window_bounds = array<i64: 2048, 1>}, {pipeline_mode = #tpu.pipeline_mode<synchronous>, transform_indices = @transform_4, window_bounds = array<i64: 1, 128>}, {pipeline_mode = #tpu.pipeline_mode<synchronous>, transform_indices = @transform_5, window_bounds = array<i64: 128, 64>}, {pipeline_mode = #tpu.pipeline_mode<synchronous>, transform_indices = @transform_6, window_bounds = array<i64: 1, 64>}, {transform_indices = @transform_7, window_bounds = array<i64: 2048, 64>}]} {
    %get3A = arith.constant 0 : index
    %get3A_0 = arith.constant 0 : index
    %get3A_1 = vector.load %arg1[%get3A, %get3A_0] : memref<2048x128xf32, #tpu.memory_space<vmem>>, vector<2048x128xf32>
    %get3A_2 = arith.constant 0 : index
    %get3A_3 = arith.constant 0 : index
    %get3A_4 = vector.load %arg2[%get3A_2, %get3A_3] : memref<2048x128xf32, #tpu.memory_space<vmem>>, vector<2048x128xf32>
    %add3A = arith.addf %get3A_1, %get3A_4 : vector<2048x128xf32>
    %get3A_5 = arith.constant 0 : index
    %get3A_6 = arith.constant 0 : index
    %get3A_7 = vector.load %arg3[%get3A_5, %get3A_6] : memref<2048x128xf32, #tpu.memory_space<vmem>>, vector<2048x128xf32>
    %add3A_8 = arith.addf %add3A, %get3A_7 : vector<2048x128xf32>
    %get3A_9 = arith.constant 0 : index
    %get3A_10 = arith.constant 0 : index
    %get3A_11 = vector.load %arg4[%get3A_9, %get3A_10] : memref<2048x1xf32, #tpu.memory_space<vmem>>, vector<2048x1xf32>
    %mul3A = vector.broadcast %get3A_11 : vector<2048x1xf32> to vector<2048x128xf32>
    %mul3A_12 = arith.mulf %mul3A, %add3A_8 : vector<2048x128xf32>
    %get3A_13 = arith.constant 0 : index
    %get3A_14 = arith.constant 0 : index
    %get3A_15 = vector.load %arg5[%get3A_13, %get3A_14] : memref<1x128xf32, #tpu.memory_space<vmem>>, vector<1x128xf32>
    %add3A_16 = vector.broadcast %get3A_15 : vector<1x128xf32> to vector<2048x128xf32>
    %add3A_17 = arith.addf %mul3A_12, %add3A_16 : vector<2048x128xf32>
    %max3A = arith.constant 0.000000e+00 : f32
    %max3A_18 = vector.broadcast %max3A : f32 to vector<2048x128xf32>
    %max3A_19 = arith.maximumf %add3A_17, %max3A_18 : vector<2048x128xf32>
    %get3A_20 = arith.constant 0 : index
    %get3A_21 = arith.constant 0 : index
    %get3A_22 = vector.load %arg6[%get3A_20, %get3A_21] : memref<128x64xf32, #tpu.memory_space<vmem>>, vector<128x64xf32>
    %dot_general3A = arith.constant dense<0.000000e+00> : vector<2048x64xf32>
    %dot_general3A_23 = tpu.matmul %max3A_19, %get3A_22, %dot_general3A {dimension_numbers = #tpu.dot_dimension_numbers<[1], [0], [0], [1], [0, 0, 1, 1], [], []>, transpose_lhs_hint = false} : vector<2048x128xf32>, vector<128x64xf32>, vector<2048x64xf32> -> vector<2048x64xf32>
    %get3A_24 = arith.constant 0 : index
    %get3A_25 = arith.constant 0 : index
    %get3A_26 = vector.load %arg7[%get3A_24, %get3A_25] : memref<1x64xf32, #tpu.memory_space<vmem>>, vector<1x64xf32>
    %add3A_27 = vector.broadcast %get3A_26 : vector<1x64xf32> to vector<2048x64xf32>
    %add3A_28 = arith.addf %dot_general3A_23, %add3A_27 : vector<2048x64xf32>
    %swap3A = arith.constant 0 : index
    %swap3A_29 = arith.constant 0 : index
    %swap3A_30 = vector.load %arg8[%swap3A, %swap3A_29] : memref<2048x64xf32, #tpu.memory_space<vmem>>, vector<2048x64xf32>
    tpu.vector_store %arg8[%swap3A, %swap3A_29], %add3A_28 {strides = array<i32>} : memref<2048x64xf32, #tpu.memory_space<vmem>>, vector<2048x64xf32>,
    return
  }
  func.func @transform_0(%arg0: i32) -> (i32, i32) {
    %c0_i32 = arith.constant 0 : i32
    %c0_i32_0 = arith.constant 0 : i32
    return %arg0, %c0_i32 : i32, i32
  }
  func.func @transform_1(%arg0: i32) -> (i32, i32) {
    %c0_i32 = arith.constant 0 : i32
    %c0_i32_0 = arith.constant 0 : i32
    return %arg0, %c0_i32 : i32, i32
  }
  func.func @transform_2(%arg0: i32) -> (i32, i32) {
    %c0_i32 = arith.constant 0 : i32
    %c0_i32_0 = arith.constant 0 : i32
    return %arg0, %c0_i32 : i32, i32
  }
  func.func @transform_3(%arg0: i32) -> (i32, i32) {
    %c0_i32 = arith.constant 0 : i32
    %c0_i32_0 = arith.constant 0 : i32
    return %arg0, %c0_i32 : i32, i32
  }
  func.func @transform_4(%arg0: i32) -> (i32, i32) {
    %c0_i32 = arith.constant 0 : i32
    %c0_i32_0 = arith.constant 0 : i32
    %c0_i32_1 = arith.constant 0 : i32
    return %c0_i32, %c0_i32_0 : i32, i32
  }
  func.func @transform_5(%arg0: i32) -> (i32, i32) {
    %c0_i32 = arith.constant 0 : i32
    %c0_i32_0 = arith.constant 0 : i32
    %c0_i32_1 = arith.constant 0 : i32
    return %c0_i32, %c0_i32_0 : i32, i32
  }
  func.func @transform_6(%arg0: i32) -> (i32, i32) {
    %c0_i32 = arith.constant 0 : i32
    %c0_i32_0 = arith.constant 0 : i32
    %c0_i32_1 = arith.constant 0 : i32
    return %c0_i32, %c0_i32_0 : i32, i32
  }
  func.func @transform_7(%arg0: i32) -> (i32, i32) {
    %c0_i32 = arith.constant 0 : i32
    %c0_i32_0 = arith.constant 0 : i32
    return %arg0, %c0_i32 : i32, i32
  }
}

</mosaic_0001>

<sc_bundles>
// kernel: kernel.11.cloned.1.call-start
scs
__scs_entry_jumppad:
0x0: {  	(pc) =	sbr.rel $0x88, $3  }
0x1: {  	(tag) =	ssettag $0x0;
	lr =	simm.s32 $0x1  }
0x2: {  	[smem:$0x3F97] =	sst lr;
	_ =	strace $0xD0000000  }
0x3: {  	_ = 	snop  }
0x4: {  	_ = 	snop  }
0x5: {  	_ = 	snop  }
0x6: {  	_ = 	snop  }
0x7: {  	_ = 	snop  }
__scs_overlays_trampoline_lowered:
0x8: {  	[smem:$0x3FA6] =	sst s0  }
0x9: {  	[smem:$0x3FA7] =	sst s1  }
0xa: {  	[smem:$0x3FA8] =	sst s2  }
0xb: {  	[smem:$0x3FA9] =	sst s3  }
0xc: {  	[smem:$0x3FAA] =	sst s4  }
0xd: {  	[smem:$0x3FAB] =	sst s5  }
0xe: {  	[smem:$0x3FAC] =	sst s6  }
0xf: {  	[smem:$0x3FAD] =	sst s7  }
0x10: {  	[smem:$0x3FAE] =	sst s8  }
0x11: {  	[smem:$0x3FAF] =	sst s9;
	s0 =	simm.s32 @!p0 $0x0  }
0x12: {  	s1 =	sld [smem:$0x3F95];
	s0 =	simm.s32 @p0 $0x1  }
0x13: {  	[smem:$0x3FB0] =	sst s0;
	s0 =	simm.s32 @!p1 $0x0  }
0x14: {  	s2 =	sld [smem:$0x3F94];
	s0 =	simm.s32 @p1 $0x1  }
0x15: {  	[smem:$0x3FB1] =	sst s0;
	s0 =	simm.s32 @!p2 $0x0  }
0x16: {  	s3 =	sld [smem:$0x3FDB];
	s0 =	simm.s32 @p2 $0x1  }
0x17: {  	s4 =	simm.s32 $0x1BF5;
	[smem:$0x3FB3] =	sst s0  }
0x18: {  	s0 =	sld [smem:$0x3F96];
	_ =	swait.ge [sflag:s4], $0x0  }
0x19: {  	s7 =	sld [smem:$0x3F97]  }
0x1a: {  	s8 =	sadd.s32 $0xFFFFE003, lr  }
0x1b: {  	s9 =	sadd.s32 $0xFFFFFEF7, lr;
	s5 =	simm.s32 $0xFFFFFFFF;
	p2 =	slt.u32 s8, $0xFFFFF086  }
0x1c: {  	p1 =	slt.u32 s9, $0xF7A;
	s5 =	simm.s32 @!p2 $0x0  }
0x1d: {  	s5 =	simm.s32 @p1 $0x1;
	p0 =	seq.s32 s7, s2  }
0x1e: {  	s7 =	smul.u32 @!p0 $0xF7A, s2;
	p2 =	seq.s32 @!p0 s5, $0x0  }
0x1f: {  	s9 =	smul.u32 $0xF7A, s1;
	s8 =	simm.s32 @!p0 $0x1BF5;
	p2 =	por !p2, p0  }
0x20: {  	[sflag:s8] =	ssyncset.s32 @!p0 $0xFFFFF086;
	s6 =	sadd.s32 @!p0 s3, s7;
	s7 =	simm.s32 @!p0 $0x108  }
0x21: {  	s3 =	sadd.s32 s3, s9;
	s6 =	sadd.s32 @!p0 $0x88, s6;
	s7 =	simm.s32 @p2 $0x1082  }
0x22: {  	[simem:s7], [sflag:s8] =	dma.local @!p0 [hbm:s6], $0xF7A  }
0x23: {  	s9 =	sor.u32 $0xD0000000, s2;
	s6 =	simm.s32 $0x108;
	_ =	swait.ge @!p0 [sflag:s8], $0x0  }
0x24: {  	s3 =	sadd.s32 $0x88, s3;
	s6 =	simm.s32 @!p1 $0x1082;
	[sflag:s4] =	ssyncset.s32 $0xFFFFF086  }
0x25: {  	[simem:s6], [sflag:s4] =	dma.local [hbm:s3], $0xF7A  }
0x26: {  	[smem:$0x3F97] =	sst s1;
	(tag) =	ssettag s2;
	_ =	strace s9  }
0x27: {  	s1 =	sld [smem:$0x3FA7]  }
0x28: {  	s2 =	sld [smem:$0x3FA8]  }
0x29: {  	s4 =	sld [smem:$0x3FAA]  }
0x2a: {  	p0 =	seq.s32 s5, $0x0;
	s5 =	sld [smem:$0x3FAB]  }
0x2b: {  	s6 =	sld [smem:$0x3FAC]  }
0x2c: {  	s7 =	sld [smem:$0x3FAD]  }
0x2d: {  	s3 =	simm.s32 $0x108;
	s8 =	sld [smem:$0x3FAE]  }
0x2e: {  	s3 =	simm.s32 @!p0 $0x1082;
	s9 =	sld [smem:$0x3FAF]  }
0x2f: {  	lr =	sadd.s32 s0, s3;
	s0 =	sld [smem:$0x3FA6]  }
0x30: {  	s3 =	sld [smem:$0x3FA9]  }
0x31: {  	[smem:$0x3FB2] =	sst s10  }
0x32: {  	s10 =	sld [smem:$0x3FB0];
	_ =	sdelay $0x3  }
0x33: {  	p0 =	seq.s32 s10, $0x1;
	s10 =	sld [smem:$0x3FB2];
	_ =	sdelay $0x3  }
0x34: {  	[smem:$0x3FB2] =	sst s10  }
0x35: {  	s10 =	sld [smem:$0x3FB1];
	_ =	sdelay $0x3  }
0x36: {  	p1 =	seq.s32 s10, $0x1;
	s10 =	sld [smem:$0x3FB2];
	_ =	sdelay $0x3  }
0x37: {  	[smem:$0x3FB2] =	sst s10  }
0x38: {  	s10 =	sld [smem:$0x3FB3]  }
0x39: {  	_ = 	snop;
	(pc) =	sbr.ind lr, $3  }
0x3a: {  	_ = 	snop  }
0x3b: {  	_ = 	snop  }
0x3c: {  	p2 =	seq.s32 s10, $0x1;
	s10 =	sld [smem:$0x3FB2]  }
0x3d: {  	_ =	shalt  }
0x3e: {  	_ =	shalt  }
0x3f: {  	_ =	shalt  }
0x40: {  	_ =	shalt  }
0x41: {  	_ =	shalt  }
0x42: {  	_ =	shalt  }
0x43: {  	_ =	shalt  }
0x44: {  	_ =	shalt  }
0x45: {  	_ =	shalt  }
0x46: {  	_ =	shalt  }
0x47: {  	_ =	shalt  }
0x48: {  	_ =	shalt  }
0x49: {  	_ =	shalt  }
0x4a: {  	_ =	shalt  }
0x4b: {  	_ =	shalt  }
0x4c: {  	_ =	shalt  }
0x4d: {  	_ =	shalt  }
0x4e: {  	_ =	shalt  }
0x4f: {  	_ =	shalt  }
0x50: {  	_ =	shalt  }
0x51: {  	_ =	shalt  }
0x52: {  	_ =	shalt  }
0x53: {  	_ =	shalt  }
0x54: {  	_ =	shalt  }
0x55: {  	_ =	shalt  }
0x56: {  	_ =	shalt  }
0x57: {  	_ =	shalt  }
0x58: {  	_ =	shalt  }
0x59: {  	_ =	shalt  }
0x5a: {  	_ =	shalt  }
0x5b: {  	_ =	shalt  }
0x5c: {  	_ =	shalt  }
0x5d: {  	_ =	shalt  }
0x5e: {  	_ =	shalt  }
0x5f: {  	_ =	shalt  }
0x60: {  	_ =	shalt  }
0x61: {  	_ =	shalt  }
0x62: {  	_ =	shalt  }
0x63: {  	_ =	shalt  }
0x64: {  	_ =	shalt  }
0x65: {  	_ =	shalt  }
0x66: {  	_ =	shalt  }
0x67: {  	_ =	shalt  }
0x68: {  	_ =	shalt  }
0x69: {  	_ =	shalt  }
0x6a: {  	_ =	shalt  }
0x6b: {  	_ =	shalt  }
0x6c: {  	_ =	shalt  }
0x6d: {  	_ =	shalt  }
0x6e: {  	_ =	shalt  }
0x6f: {  	_ =	shalt  }
0x70: {  	_ =	shalt  }
0x71: {  	_ =	shalt  }
0x72: {  	_ =	shalt  }
0x73: {  	_ =	shalt  }
0x74: {  	_ =	shalt  }
0x75: {  	_ =	shalt  }
0x76: {  	_ =	shalt  }
0x77: {  	_ =	shalt  }
0x78: {  	_ =	shalt  }
0x79: {  	_ =	shalt  }
0x7a: {  	_ =	shalt  }
0x7b: {  	_ =	shalt  }
0x7c: {  	_ =	shalt  }
0x7d: {  	_ =	shalt  }
0x7e: {  	_ =	shalt  }
0x7f: {  	_ =	shalt  }
0x80: {  	_ =	shalt  }
0x81: {  	_ =	shalt  }
0x82: {  	_ =	shalt  }
0x83: {  	_ =	shalt  }
0x84: {  	_ =	shalt  }
0x85: {  	_ =	shalt  }
0x86: {  	_ =	shalt  }
0x87: {  	_ =	shalt  }
.Lfunc_end0:
.L_simem_size_0:
called_computation.1_lowered:
.L_overlay_start_0:
0x88: {  	s2 =	sld [smem:$0x3FD9]  }
0x89: {  	s3 =	sld [smem:$0x3FFE];
	_ =	sdelay $0x1  }
0x8a: {  	s1 =	srdreg.scid  }
0x8b: {  	s0 =	sand.u32 $0x1, s1  }
0x8c: {  	s17 =	sshll.u32 s0, $0xA;
	s2 =	sadd.s32 s3, s2  }
0x8d: {  	s2 =	sadd.s32 s2, s17  }
0x8e: {  	[smem:$0x3FBE] =	sst s2  }
0x8f: {  	_ = 	snop  }
0x90: {  	s2 =	sld [smem:$0x3FD0];
	(tm) =	ssettm $0x1  }
0x91: {  	s18 =	sld [smem:$0x3FFB];
	_ =	sdelay $0x3  }
0x92: {  	_ =	strace s18  }
0x93: {  	s3 =	sld [smem:$0x3FFC];
	_ =	sdelay $0x3  }
0x94: {  	_ =	strace s3  }
0x95: {  	s3 =	sld [smem:$0x3FFD];
	_ =	sdelay $0x3  }
0x96: {  	_ =	strace s3  }
0x97: {  	_ =	strace $0x8FFFFFFF  }
0x98: {  	s19 =	sld [smem:$0x3FDB];
	_ =	sdelay $0x1  }
0x99: {  	s4 =	simm.s32 $_scs_section_size  }
0x9a: {  	s5 =	simm.s32 $_size__tile_overlayer_lowered;
	s6 =	simm.s32 $_tile_overlayer_lowered  }
0x9b: {  	s22 =	simm.s32 $0x1BFF;
	s21 =	sshll.u32 s6, $0x1;
	s3 =	sadd.s32 s4, s19  }
0x9c: {  	s7 =	simm.s32 $0x0;
	s20 =	sshll.u32 s5, $0x1;
	s5 =	sadd.s32 s21, s3  }
0x9d: {  	[timem:s7], [sflag:s22] =	dma.local [hbm:s5], s20  }
0x9e: {  	_ =	swait.ge [sflag:s22], s20  }
0x9f: {  	s4 =	ssub.s32 $0x0, s20;
	[sflag:s22] =	ssyncset.done $0x0  }
0xa0: {  	[sflag:s22] =	ssyncadd.s32 s4;
	_ =	sdelay $0x1  }
0xa1: {  	s23 =	simm.s32 $0x1B8B  }
0xa2: {  	_ =	swait.ge [sflag:s23], $0x1  }
0xa3: {  	[sflag:s23] =	ssyncset.done $0x0  }
0xa4: {  	s25 =	simm.s32 $0x1B8E;
	s24 =	sld [smem:$0x3FFE];
	[sflag:s23] =	ssyncadd.s32 $0xFFFFFFFF  }
0xa5: {  	s26 =	simm.s32 $execute0_lowered;
	[smem:$0x3FD2] =	sst s25  }
0xa6: {  	s5 =	sshll.u32 s26, $0x1;
	_ =	strace $0x80000049;
	[dreg:$0x1] =	wrdreg $0xFFFFFFFF  }
0xa7: {  	s28 =	simm.s32 $_size_execute0_lowered;
	s3 =	sadd.s32 s3, s5;
	[dreg:$0x0] =	wrdreg $0x0  }
0xa8: {  	s5 =	sshll.u32 s28, $0x1;
	[dreg:$0x2] =	wrdreg s3  }
0xa9: {  	[dreg:$0x3] =	wrdreg s5  }
0xaa: {  	[dreg:$0x4] =	wrdreg $0xC0  }
0xab: {  	_ =	task [dreg:s7], $0x5FFFF  }
0xac: {  	[dreg:$0x1] =	wrdreg $0xFFFFFFFF  }
0xad: {  	[dreg:$0x0] =	wrdreg $0x60  }
0xae: {  	[dreg:$0x2] =	wrdreg s24  }
0xaf: {  	[dreg:$0x3] =	wrdreg s2  }
0xb0: {  	[dreg:$0x4] =	wrdreg $0xAA000  }
0xb1: {  	[dreg:$0x5] =	wrdreg $0x9  }
0xb2: {  	_ =	task.clear_ibuf [dreg:s7], $0x6FFFF;
	_ =	strace $0x90000049  }
0xb3: {  	s29 =	simm.s32 $0x9;
	_ =	strace $0x8000004B  }
0xb4: {  	_ =	swait.ge [sflag:s29], $0x1  }
0xb5: {  	[sflag:s29] =	ssyncadd.s32 $0xFFFFFFFF  }
0xb6: {  	_ =	strace $0x9000004B  }
0xb7: {  	_ =	sfence  }
0xb8: {  	s30 =	sld [smem:$0x0];
	_ =	sdelay $0x2  }
0xb9: {  	s31 =	sshll.u32 s1, $0xD;
	s1 =	sshrl.u32 s1, $0x2  }
0xba: {  	s3 =	sand.u32 $0x4000, s31;
	s1 =	sadd.s32 s1, s30  }
0xbb: {  	s0 =	sor.u32 s3, s0;
	s1 =	sshll.u32 s1, $0x11  }
0xbc: {  	s0 =	sor.u32 s1, s0  }
0xbd: {  	s0 =	sadd.s32 $0x8F2B, s0  }
0xbe: {  	[sflag:s0] =	ssyncadd.remote.s32 $0x1  }
0xbf: {  	_ =	sfence.sel $0xFFFF  }
0xc0: {  	[dreg:$0x0] =	wrdreg $0xFFFFFFFF;
	(pc) =	sbr.abs _section_cstart, $3  }
0xc1: {  	[dreg:$0x1] =	wrdreg $0xFFFFFFFF  }
0xc2: {  	_ =	task.clear_ibuf [dreg:s7], $0x2FFFF;
	_ =	strace $0x9FFFFFFF  }
0xc3: {  	(tm) =	ssettm $0x7FFFFFFF  }
tec
execute0_lowered:
.L_overlay_start_1:
0x0: {  	(tag) =	ssettag $0x1  }
0x1: {  	s6 =	rddreg [dreg:$0x0]  }
0x2: {  	s7 =	rddreg [dreg:$0x1]  }
0x3: {  	s1 =	rddreg [dreg:$0x2];
	s2 =	simm.s32 $0x0;
	s3 =	srdreg.scid  }
0x4: {  	s20 =	simm.s32 $0x80;
	s21 =	simm.s32 $0x2800;
	s22 =	simm.s32 $0x2880  }
0x5: {  	s23 =	simm.s32 $0x6A00;
	s24 =	simm.s32 $0x1;
	s28 =	simm.s32 $0x2980  }
0x6: {  	s29 =	simm.s32 $0x0;
	[smem:$0x7FF] =	sst s2;
	s8 =	sand.u32 $0x1, s3  }
0x7: {  	s4 =	sadd.s32 $0x4000, s6;
	s3 =	stileid.u32;
	s5 =	sadd.s32 $0x7C000, s6  }
0x8: {  	s16 =	sadd.s32 $0x7C800, s6;
	_ =	strace $0x8000004A;
	s10 =	smul.u32 $0x50000, s3  }
0x9: {  	s9 =	sshll.u32 s8, $0x4;
	s25 =	ssub.s32 $0x2, s8;
	s12 =	smul.u32 $0x14000, s3  }
0xa: {  	s15 =	smul.u32 $0x140000, s8;
	s9 =	sor.u32 s3, s9;
	s11 =	sshrl.u32 s25, $0x1  }
0xb: {  	s9 =	smul.u32 $0x500, s9;
	s10 =	sshrl.u32 s10, $0x2;
	s17 =	ssub.s32 s25, s11  }
0xc: {  	s26 =	sadd.s32 $0x4000, s12;
	s14 =	sadd.s32 $0x8000, s12;
	s18 =	sadd.s32 $0xC000, s12  }
0xd: {  	s13 =	sadd.s32 s12, s15;
	s19 =	sadd.s32 $0x10000, s12;
	s25 =	simm.s32 $0x2900  }
0xe: {  	s8 =	sadd.s32 s26, s1;
	s11 =	sadd.s32 s15, s26;
	s30 =	sshrl.u32 s13, $0x3  }
0xf: {  	s17 =	smax.u32 s17, $0x1;
	s26 =	simm.s32 $0x2;
	s6 =	sadd.s32 s7, s9  }
0x10: {  	s7 =	sadd.s32 s10, s1;
	s9 =	sadd.s32 s14, s1;
	s10 =	sadd.s32 s18, s1  }
0x11: {  	s31 =	sshrl.u32 s11, $0x3;
	s11 =	sadd.s32 s19, s1;
	s12 =	sadd.s32 s16, s30  }
0x12: {  	s14 =	sadd.s32 s15, s14;
	s18 =	sadd.s32 s15, s18;
	s15 =	sadd.s32 s15, s19  }
0x13: {  	s13 =	sadd.s32 s16, s31;
	s14 =	sshrl.u32 s14, $0x3;
	s18 =	sshrl.u32 s18, $0x3  }
0x14: {  	s19 =	sshrl.u32 s15, $0x3;
	s14 =	sadd.s32 s16, s14;
	s15 =	sadd.s32 s16, s18  }
0x15: {  	s16 =	sadd.s32 s16, s19;
	s18 =	simm.s32 $0x3;
	s19 =	simm.s32 $0x2A00  }
.LBB2_1:
0x16: {  	[tilespmem:s2], [sflag:$0x3] =	stream.linear.gather [hbm4b:s6+s2], $0x2800, $0x38;
	[tilespmem:$0x1EA00] =	vst v63  }
0x17: {  	_ =	swait.ge [sflag:s18], $0x2800  }
0x18: {  	[sflag:s18] =	ssyncset.done $0x0  }
0x19: {  	[sflag:s18] =	ssyncadd.s32 $0xFFFFD800  }
0x1a: {  	[tilespmem:s19], [sflag:$0x3] =	stream.linear.gather [hbm4b:s5+s2], $0x4000, $0x38;
	[tilespmem:$0x1EA00] =	vst v63  }
0x1b: {  	_ =	swait.ge [sflag:s18], $0x4000  }
0x1c: {  	[sflag:s18] =	ssyncset.done $0x0  }
0x1d: {  	[sflag:s18] =	ssyncadd.s32 $0xFFFFC000  }
0x1e: {  	[spmem:s7] =	stream.linear.scatter [tilespmem:s19], [sflag:$0x3], $0x4000, $0x38;
	[tilespmem:$0x1EA00] =	vst v63  }
0x1f: {  	_ =	swait.ge [sflag:s18], $0x4000  }
0x20: {  	[sflag:s18] =	ssyncset.done $0x0  }
0x21: {  	[sflag:s18] =	ssyncadd.s32 $0xFFFFC000  }
0x22: {  	[spmem:s8] =	stream.linear.scatter [tilespmem:s19], [sflag:$0x3], $0x4000, $0x38;
	[tilespmem:$0x1EA00] =	vst v63  }
0x23: {  	_ =	swait.ge [sflag:s18], $0x4000  }
0x24: {  	[sflag:s18] =	ssyncset.done $0x0  }
0x25: {  	[sflag:s18] =	ssyncadd.s32 $0xFFFFC000  }
0x26: {  	[spmem:s9] =	stream.linear.scatter [tilespmem:s19], [sflag:$0x3], $0x4000, $0x38;
	[tilespmem:$0x1EA00] =	vst v63  }
0x27: {  	_ =	swait.ge [sflag:s18], $0x4000  }
0x28: {  	[sflag:s18] =	ssyncset.done $0x0  }
0x29: {  	[sflag:s18] =	ssyncadd.s32 $0xFFFFC000  }
0x2a: {  	[spmem:s10] =	stream.linear.scatter [tilespmem:s19], [sflag:$0x3], $0x4000, $0x38;
	[tilespmem:$0x1EA00] =	vst v63  }
0x2b: {  	_ =	swait.ge [sflag:s18], $0x4000  }
0x2c: {  	[sflag:s18] =	ssyncset.done $0x0  }
0x2d: {  	[sflag:s18] =	ssyncadd.s32 $0xFFFFC000  }
0x2e: {  	[spmem:s11] =	stream.linear.scatter [tilespmem:s19], [sflag:$0x3], $0x4000, $0x38;
	[tilespmem:$0x1EA00] =	vst v63  }
0x2f: {  	_ =	swait.ge [sflag:s18], $0x4000  }
0x30: {  	[sflag:s18] =	ssyncset.done $0x0  }
0x31: {  	[sflag:s18] =	ssyncadd.s32 $0xFFFFC000  }
0x32: {  	[bflag:$0x0] =	sbarrier.arrive $0xFFFF  }
0x33: {  	v0 =	vld [tilespmem:$0x0];
	_ =	sdelay $0x1  }
0x34: {  	v1 =	vld [tilespmem:$0x10];
	_ =	sdelay $0x1  }
0x35: {  	v2 =	vld [tilespmem:$0x20]  }
0x36: {  	v3 =	vshrl.u32 v0, $0x10  }
0x37: {  	v6 =	vld [tilespmem:$0x30];
	v0 =	vand.u32 $0xFFFF, v0;
	[tilespmem:$0x2800] =	vst v3  }
0x38: {  	v7 =	vshrl.u32 v1, $0x10;
	[tilespmem:$0x2900] =	vst v0  }
0x39: {  	v9 =	vld [tilespmem:$0x40];
	v8 =	vand.u32 $0xFFFF, v1;
	[tilespmem:$0x2810] =	vst v7  }
0x3a: {  	v10 =	vshrl.u32 v2, $0x10;
	[tilespmem:$0x2910] =	vst v8  }
0x3b: {  	v12 =	vld [tilespmem:$0x50];
	v11 =	vand.u32 $0xFFFF, v2;
	[tilespmem:$0x2820] =	vst v10  }
0x3c: {  	v13 =	vshrl.u32 v6, $0x10;
	[tilespmem:$0x2920] =	vst v11  }
0x3d: {  	v15 =	vld [tilespmem:$0x60];
	v14 =	vand.u32 $0xFFFF, v6;
	[tilespmem:$0x2830] =	vst v13  }
0x3e: {  	v16 =	vshrl.u32 v9, $0x10;
	[tilespmem:$0x2930] =	vst v14  }
0x3f: {  	v18 =	vld [tilespmem:$0x70];
	v17 =	vand.u32 $0xFFFF, v9;
	[tilespmem:$0x2840] =	vst v16  }
0x40: {  	v19 =	vshrl.u32 v12, $0x10;
	[tilespmem:$0x2940] =	vst v17  }
0x41: {  	v20 =	vand.u32 $0xFFFF, v12;
	[tilespmem:$0x2850] =	vst v19  }
0x42: {  	v21 =	vshrl.u32 v15, $0x10;
	[tilespmem:$0x2950] =	vst v20  }
0x43: {  	v22 =	vand.u32 $0xFFFF, v15;
	[tilespmem:$0x2860] =	vst v21  }
0x44: {  	v23 =	vshrl.u32 v18, $0x10;
	[tilespmem:$0x2960] =	vst v22  }
0x45: {  	v24 =	vand.u32 $0xFFFF, v18;
	[tilespmem:$0x2870] =	vst v23  }
0x46: {  	[tilespmem:$0x2970] =	vst v24  }
0x47: {  	[tilespmem:s19], [sflag:$0x1] =	stream.indirect.gather [hbm4b:s4+s20], $0x80, s21, s20, $0xb8;
	[tilespmem:$0x1EA00] =	vst v63  }
0x48: {  	v25 =	vld [tilespmem:$0x80];
	_ =	sdelay $0x1  }
0x49: {  	v26 =	vld [tilespmem:$0x90];
	_ =	sdelay $0x1  }
0x4a: {  	v27 =	vld [tilespmem:$0xA0]  }
0x4b: {  	v28 =	vshrl.u32 v25, $0x10  }
0x4c: {  	v29 =	vld [tilespmem:$0xB0];
	v0 =	vand.u32 $0xFFFF, v25;
	[tilespmem:$0x2880] =	vst v28  }
0x4d: {  	v30 =	vshrl.u32 v26, $0x10;
	[tilespmem:$0x2980] =	vst v0  }
0x4e: {  	v32 =	vld [tilespmem:$0xC0];
	v31 =	vand.u32 $0xFFFF, v26;
	[tilespmem:$0x2890] =	vst v30  }
0x4f: {  	v33 =	vshrl.u32 v27, $0x10;
	[tilespmem:$0x2990] =	vst v31  }
0x50: {  	v35 =	vld [tilespmem:$0xD0];
	v34 =	vand.u32 $0xFFFF, v27;
	[tilespmem:$0x28A0] =	vst v33  }
0x51: {  	v36 =	vshrl.u32 v29, $0x10;
	[tilespmem:$0x29A0] =	vst v34  }
0x52: {  	v38 =	vld [tilespmem:$0xE0];
	v37 =	vand.u32 $0xFFFF, v29;
	[tilespmem:$0x28B0] =	vst v36  }
0x53: {  	v39 =	vshrl.u32 v32, $0x10;
	[tilespmem:$0x29B0] =	vst v37  }
0x54: {  	v41 =	vld [tilespmem:$0xF0];
	v40 =	vand.u32 $0xFFFF, v32;
	[tilespmem:$0x28C0] =	vst v39  }
0x55: {  	v42 =	vshrl.u32 v35, $0x10;
	[tilespmem:$0x29C0] =	vst v40  }
0x56: {  	v43 =	vand.u32 $0xFFFF, v35;
	[tilespmem:$0x28D0] =	vst v42  }
0x57: {  	v44 =	vshrl.u32 v38, $0x10;
	[tilespmem:$0x29D0] =	vst v43  }
0x58: {  	v45 =	vand.u32 $0xFFFF, v38;
	[tilespmem:$0x28E0] =	vst v44  }
0x59: {  	v46 =	vshrl.u32 v41, $0x10;
	[tilespmem:$0x29E0] =	vst v45  }
0x5a: {  	v47 =	vand.u32 $0xFFFF, v41;
	[tilespmem:$0x28F0] =	vst v46  }
0x5b: {  	[tilespmem:$0x29F0] =	vst v47  }
0x5c: {  	[tilespmem:s23], [sflag:$0x2] =	stream.indirect.gather [hbm4b:s4+s20], $0x80, s22, s20, $0xb8;
	[tilespmem:$0x1EA00] =	vst v63  }
0x5d: {  	_ =	swait.ge [sflag:s24], $0x4000  }
0x5e: {  	[sflag:s24] =	ssyncset.done $0x0  }
0x5f: {  	[sflag:s24] =	ssyncadd.s32 $0xFFFFC000  }
0x60: {  	[spmem:s1] =	stream.indirect.scatter.add.f32 [tilespmem:s19], [sflag:$0x3], $0x80, s25, s20, $0xb8;
	[tilespmem:$0x1EA00] =	vst v63  }
0x61: {  	_ =	swait.ge [sflag:s18], $0x4000  }
0x62: {  	[sflag:s18] =	ssyncset.done $0x0  }
0x63: {  	s30 =	simm.s32 $0x0;
	[sflag:s18] =	ssyncadd.s32 $0xFFFFC000  }
0x64: {  	v48 =	vld [tilespmem:s30+$0x100];
	_ =	sdelay $0x4  }
0x65: {  	v49 =	vshrl.u32 v48, $0x10  }
0x66: {  	v0 =	vand.u32 $0xFFFF, v48;
	[tilespmem:$0x2800] =	vst v49  }
0x67: {  	[tilespmem:$0x2900] =	vst v0  }
0x68: {  	v0 =	vld [tilespmem:s30+$0x110];
	_ =	sdelay $0x4  }
0x69: {  	v50 =	vshrl.u32 v0, $0x10  }
0x6a: {  	v0 =	vand.u32 $0xFFFF, v0;
	[tilespmem:$0x2810] =	vst v50  }
0x6b: {  	[tilespmem:$0x2910] =	vst v0  }
0x6c: {  	v0 =	vld [tilespmem:s30+$0x120];
	_ =	sdelay $0x4  }
0x6d: {  	v51 =	vshrl.u32 v0, $0x10  }
0x6e: {  	v0 =	vand.u32 $0xFFFF, v0;
	[tilespmem:$0x2820] =	vst v51  }
0x6f: {  	[tilespmem:$0x2920] =	vst v0  }
0x70: {  	v0 =	vld [tilespmem:s30+$0x130];
	_ =	sdelay $0x4  }
0x71: {  	v52 =	vshrl.u32 v0, $0x10  }
0x72: {  	v0 =	vand.u32 $0xFFFF, v0;
	[tilespmem:$0x2830] =	vst v52  }
0x73: {  	[tilespmem:$0x2930] =	vst v0  }
0x74: {  	v0 =	vld [tilespmem:s30+$0x140];
	_ =	sdelay $0x4  }
0x75: {  	v53 =	vshrl.u32 v0, $0x10  }
0x76: {  	v0 =	vand.u32 $0xFFFF, v0;
	[tilespmem:$0x2840] =	vst v53  }
0x77: {  	[tilespmem:$0x2940] =	vst v0  }
0x78: {  	v0 =	vld [tilespmem:s30+$0x150];
	_ =	sdelay $0x4  }
0x79: {  	v54 =	vshrl.u32 v0, $0x10  }
0x7a: {  	v0 =	vand.u32 $0xFFFF, v0;
	[tilespmem:$0x2850] =	vst v54  }
0x7b: {  	[tilespmem:$0x2950] =	vst v0  }
0x7c: {  	v0 =	vld [tilespmem:s30+$0x160];
	_ =	sdelay $0x4  }
0x7d: {  	v55 =	vshrl.u32 v0, $0x10  }
0x7e: {  	v0 =	vand.u32 $0xFFFF, v0;
	[tilespmem:$0x2860] =	vst v55  }
0x7f: {  	[tilespmem:$0x2960] =	vst v0  }
0x80: {  	v0 =	vld [tilespmem:s30+$0x170];
	_ =	sdelay $0x4  }
0x81: {  	v56 =	vshrl.u32 v0, $0x10  }
0x82: {  	v0 =	vand.u32 $0xFFFF, v0;
	[tilespmem:$0x2870] =	vst v56  }
0x83: {  	[tilespmem:$0x2970] =	vst v0  }
0x84: {  	[tilespmem:s19], [sflag:$0x1] =	stream.indirect.gather [hbm4b:s4+s20], $0x80, s21, s20, $0xb8;
	[tilespmem:$0x1EA00] =	vst v63  }
0x85: {  	_ =	swait.ge [sflag:s26], $0x4000  }
0x86: {  	[sflag:s26] =	ssyncset.done $0x0  }
0x87: {  	[sflag:s26] =	ssyncadd.s32 $0xFFFFC000  }
0x88: {  	[spmem:s1] =	stream.indirect.scatter.add.f32 [tilespmem:s23], [sflag:$0x3], $0x80, s28, s20, $0xb8;
	[tilespmem:$0x1EA00] =	vst v63  }
0x89: {  	_ =	swait.ge [sflag:s18], $0x4000  }
0x8a: {  	[sflag:s18] =	ssyncset.done $0x0  }
0x8b: {  	[sflag:s18] =	ssyncadd.s32 $0xFFFFC000  }
0x8c: {  	v57 =	vld [tilespmem:s30+$0x180];
	_ =	sdelay $0x4  }
0x8d: {  	v58 =	vshrl.u32 v57, $0x10  }
0x8e: {  	v0 =	vand.u32 $0xFFFF, v57;
	[tilespmem:$0x2880] =	vst v58  }
0x8f: {  	[tilespmem:$0x2980] =	vst v0  }
0x90: {  	v0 =	vld [tilespmem:s30+$0x190];
	_ =	sdelay $0x4  }
0x91: {  	v59 =	vshrl.u32 v0, $0x10  }
0x92: {  	v0 =	vand.u32 $0xFFFF, v0;
	[tilespmem:$0x2890] =	vst v59  }
0x93: {  	[tilespmem:$0x2990] =	vst v0  }
0x94: {  	v0 =	vld [tilespmem:s30+$0x1A0];
	_ =	sdelay $0x4  }
0x95: {  	v60 =	vshrl.u32 v0, $0x10  }
0x96: {  	v0 =	vand.u32 $0xFFFF, v0;
	[tilespmem:$0x28A0] =	vst v60  }
0x97: {  	[tilespmem:$0x29A0] =	vst v0  }
0x98: {  	v0 =	vld [tilespmem:s30+$0x1B0];
	_ =	sdelay $0x4  }
0x99: {  	v61 =	vshrl.u32 v0, $0x10  }
0x9a: {  	v0 =	vand.u32 $0xFFFF, v0;
	[tilespmem:$0x28B0] =	vst v61  }
0x9b: {  	[tilespmem:$0x29B0] =	vst v0  }
0x9c: {  	v0 =	vld [tilespmem:s30+$0x1C0];
	_ =	sdelay $0x4  }
0x9d: {  	v62 =	vshrl.u32 v0, $0x10  }
0x9e: {  	v0 =	vand.u32 $0xFFFF, v0;
	[tilespmem:$0x28C0] =	vst v62  }
0x9f: {  	[tilespmem:$0x29C0] =	vst v0  }
0xa0: {  	v0 =	vld [tilespmem:s30+$0x1D0];
	_ =	sdelay $0x4  }
0xa1: {  	v63 =	vshrl.u32 v0, $0x10  }
0xa2: {  	v0 =	vand.u32 $0xFFFF, v0;
	[tilespmem:$0x28D0] =	vst v63  }
0xa3: {  	s31 =	simm.s32 $0x400;
	[tilespmem:$0x29D0] =	vst v0  }
.LBB2_2:
0xa4: {  	p0 =	sne.s32 s31, $0x9800;
	v0 =	vld [tilespmem:s30+$0x1E0];
	s0 =	smov.u32 s31;
	s31 =	sadd.s32 $0x400, s31  }
0xa5: {  	_ =	sdelay $0x3  }
0xa6: {  	v1 =	vshrl.u32 v0, $0x10;
	v0 =	vand.u32 $0xFFFF, v0  }
0xa7: {  	[tilespmem:$0x28E0] =	vst v1  }
0xa8: {  	[tilespmem:$0x29E0] =	vst v0  }
0xa9: {  	v0 =	vld [tilespmem:s30+$0x1F0];
	_ =	sdelay $0x4  }
0xaa: {  	v1 =	vshrl.u32 v0, $0x10;
	v0 =	vand.u32 $0xFFFF, v0  }
0xab: {  	[tilespmem:$0x28F0] =	vst v1  }
0xac: {  	[tilespmem:$0x29F0] =	vst v0  }
0xad: {  	[tilespmem:s23], [sflag:$0x2] =	stream.indirect.gather [hbm4b:s4+s20], $0x80, s22, s20, $0xb8;
	[tilespmem:$0x1EA00] =	vst v63  }
0xae: {  	_ =	swait.ge [sflag:s24], $0x4000  }
0xaf: {  	[sflag:s24] =	ssyncset.done $0x0  }
0xb0: {  	[sflag:s24] =	ssyncadd.s32 $0xFFFFC000  }
0xb1: {  	[spmem:s1] =	stream.indirect.scatter.add.f32 [tilespmem:s19], [sflag:$0x3], $0x80, s25, s20, $0xb8;
	[tilespmem:$0x1EA00] =	vst v63  }
0xb2: {  	_ =	swait.ge [sflag:s18], $0x4000  }
0xb3: {  	[sflag:s18] =	ssyncset.done $0x0  }
0xb4: {  	s30 =	sshra.s32 s0, $0x2;
	[sflag:s18] =	ssyncadd.s32 $0xFFFFC000  }
0xb5: {  	v0 =	vld [tilespmem:s30+$0x100];
	_ =	sdelay $0x4  }
0xb6: {  	v1 =	vshrl.u32 v0, $0x10;
	v0 =	vand.u32 $0xFFFF, v0  }
0xb7: {  	[tilespmem:$0x2800] =	vst v1  }
0xb8: {  	[tilespmem:$0x2900] =	vst v0  }
0xb9: {  	v0 =	vld [tilespmem:s30+$0x110];
	_ =	sdelay $0x4  }
0xba: {  	v1 =	vshrl.u32 v0, $0x10;
	v0 =	vand.u32 $0xFFFF, v0  }
0xbb: {  	[tilespmem:$0x2810] =	vst v1  }
0xbc: {  	[tilespmem:$0x2910] =	vst v0  }
0xbd: {  	v0 =	vld [tilespmem:s30+$0x120];
	_ =	sdelay $0x4  }
0xbe: {  	v1 =	vshrl.u32 v0, $0x10;
	v0 =	vand.u32 $0xFFFF, v0  }
0xbf: {  	[tilespmem:$0x2820] =	vst v1  }
0xc0: {  	[tilespmem:$0x2920] =	vst v0  }
0xc1: {  	v0 =	vld [tilespmem:s30+$0x130];
	_ =	sdelay $0x4  }
0xc2: {  	v1 =	vshrl.u32 v0, $0x10;
	v0 =	vand.u32 $0xFFFF, v0  }
0xc3: {  	[tilespmem:$0x2830] =	vst v1  }
0xc4: {  	[tilespmem:$0x2930] =	vst v0  }
0xc5: {  	v0 =	vld [tilespmem:s30+$0x140];
	_ =	sdelay $0x4  }
0xc6: {  	v1 =	vshrl.u32 v0, $0x10;
	v0 =	vand.u32 $0xFFFF, v0  }
0xc7: {  	[tilespmem:$0x2840] =	vst v1  }
0xc8: {  	[tilespmem:$0x2940] =	vst v0  }
0xc9: {  	v0 =	vld [tilespmem:s30+$0x150];
	_ =	sdelay $0x4  }
0xca: {  	v1 =	vshrl.u32 v0, $0x10;
	v0 =	vand.u32 $0xFFFF, v0  }
0xcb: {  	[tilespmem:$0x2850] =	vst v1  }
0xcc: {  	[tilespmem:$0x2950] =	vst v0  }
0xcd: {  	v0 =	vld [tilespmem:s30+$0x160];
	_ =	sdelay $0x4  }
0xce: {  	v1 =	vshrl.u32 v0, $0x10;
	v0 =	vand.u32 $0xFFFF, v0  }
0xcf: {  	[tilespmem:$0x2860] =	vst v1  }
0xd0: {  	[tilespmem:$0x2960] =	vst v0  }
0xd1: {  	v0 =	vld [tilespmem:s30+$0x170];
	_ =	sdelay $0x4  }
0xd2: {  	v1 =	vshrl.u32 v0, $0x10;
	v0 =	vand.u32 $0xFFFF, v0  }
0xd3: {  	[tilespmem:$0x2870] =	vst v1  }
0xd4: {  	[tilespmem:$0x2970] =	vst v0  }
0xd5: {  	[tilespmem:s19], [sflag:$0x1] =	stream.indirect.gather [hbm4b:s4+s20], $0x80, s21, s20, $0xb8;
	[tilespmem:$0x1EA00] =	vst v63  }
0xd6: {  	_ =	swait.ge [sflag:s26], $0x4000  }
0xd7: {  	[sflag:s26] =	ssyncset.done $0x0  }
0xd8: {  	[sflag:s26] =	ssyncadd.s32 $0xFFFFC000  }
0xd9: {  	[spmem:s1] =	stream.indirect.scatter.add.f32 [tilespmem:s23], [sflag:$0x3], $0x80, s28, s20, $0xb8;
	[tilespmem:$0x1EA00] =	vst v63  }
0xda: {  	_ =	swait.ge [sflag:s18], $0x4000  }
0xdb: {  	[sflag:s18] =	ssyncset.done $0x0  }
0xdc: {  	[sflag:s18] =	ssyncadd.s32 $0xFFFFC000  }
0xdd: {  	v0 =	vld [tilespmem:s30+$0x180];
	_ =	sdelay $0x4  }
0xde: {  	v1 =	vshrl.u32 v0, $0x10;
	v0 =	vand.u32 $0xFFFF, v0  }
0xdf: {  	[tilespmem:$0x2880] =	vst v1  }
0xe0: {  	[tilespmem:$0x2980] =	vst v0  }
0xe1: {  	v0 =	vld [tilespmem:s30+$0x190];
	_ =	sdelay $0x4  }
0xe2: {  	v1 =	vshrl.u32 v0, $0x10;
	v0 =	vand.u32 $0xFFFF, v0  }
0xe3: {  	[tilespmem:$0x2890] =	vst v1  }
0xe4: {  	[tilespmem:$0x2990] =	vst v0  }
0xe5: {  	v0 =	vld [tilespmem:s30+$0x1A0];
	_ =	sdelay $0x4  }
0xe6: {  	v1 =	vshrl.u32 v0, $0x10;
	v0 =	vand.u32 $0xFFFF, v0  }
0xe7: {  	[tilespmem:$0x28A0] =	vst v1  }
0xe8: {  	[tilespmem:$0x29A0] =	vst v0  }
0xe9: {  	v0 =	vld [tilespmem:s30+$0x1B0];
	_ =	sdelay $0x4  }
0xea: {  	v1 =	vshrl.u32 v0, $0x10;
	v0 =	vand.u32 $0xFFFF, v0  }
0xeb: {  	[tilespmem:$0x28B0] =	vst v1  }
0xec: {  	[tilespmem:$0x29B0] =	vst v0  }
0xed: {  	v0 =	vld [tilespmem:s30+$0x1C0];
	_ =	sdelay $0x4  }
0xee: {  	v1 =	vshrl.u32 v0, $0x10;
	v0 =	vand.u32 $0xFFFF, v0  }
0xef: {  	[tilespmem:$0x28C0] =	vst v1  }
0xf0: {  	[tilespmem:$0x29C0] =	vst v0  }
0xf1: {  	v0 =	vld [tilespmem:s30+$0x1D0];
	_ =	sdelay $0x2  }
.Ltmp0:
0xf2: {  	(pc) =	sbr.rel @p0 .LBB2_2-.Ltmp0, $4  }
0xf3: {  	_ = 	snop  }
0xf4: {  	v1 =	vshrl.u32 v0, $0x10;
	v0 =	vand.u32 $0xFFFF, v0  }
0xf5: {  	[tilespmem:$0x28D0] =	vst v1  }
0xf6: {  	[tilespmem:$0x29D0] =	vst v0  }
0xf7: {  	v0 =	vld [tilespmem:s30+$0x1E0];
	_ =	sdelay $0x4  }
0xf8: {  	v1 =	vshrl.u32 v0, $0x10  }
0xf9: {  	v0 =	vand.u32 $0xFFFF, v0;
	[tilespmem:$0x28E0] =	vst v1  }
0xfa: {  	[tilespmem:$0x29E0] =	vst v0  }
0xfb: {  	v0 =	vld [tilespmem:s30+$0x1F0];
	_ =	sdelay $0x4  }
0xfc: {  	v63 =	vshrl.u32 v0, $0x10  }
0xfd: {  	v0 =	vand.u32 $0xFFFF, v0;
	[tilespmem:$0x28F0] =	vst v63  }
0xfe: {  	[tilespmem:$0x29F0] =	vst v0  }
0xff: {  	[tilespmem:s23], [sflag:$0x2] =	stream.indirect.gather [hbm4b:s4+s20], $0x80, s22, s20, $0xb8;
	[tilespmem:$0x1EA00] =	vst v63  }
0x100: {  	_ =	swait.ge [sflag:s24], $0x4000  }
0x101: {  	[sflag:s24] =	ssyncset.done $0x0  }
0x102: {  	[sflag:s24] =	ssyncadd.s32 $0xFFFFC000  }
0x103: {  	[spmem:s1] =	stream.indirect.scatter.add.f32 [tilespmem:s19], [sflag:$0x3], $0x80, s25, s20, $0xb8;
	[tilespmem:$0x1EA00] =	vst v63  }
0x104: {  	_ =	swait.ge [sflag:s18], $0x4000  }
0x105: {  	[sflag:s18] =	ssyncset.done $0x0  }
0x106: {  	[sflag:s18] =	ssyncadd.s32 $0xFFFFC000  }
0x107: {  	_ =	swait.ge [sflag:s26], $0x4000  }
0x108: {  	[sflag:s26] =	ssyncset.done $0x0  }
0x109: {  	[sflag:s26] =	ssyncadd.s32 $0xFFFFC000  }
0x10a: {  	[spmem:s1] =	stream.indirect.scatter.add.f32 [tilespmem:s23], [sflag:$0x3], $0x80, s28, s20, $0xb8;
	[tilespmem:$0x1EA00] =	vst v63  }
0x10b: {  	_ =	swait.ge [sflag:s18], $0x4000  }
0x10c: {  	[sflag:s18] =	ssyncset.done $0x0  }
0x10d: {  	[sflag:s18] =	ssyncadd.s32 $0xFFFFC000  }
0x10e: {  	[bflag:$0x0] =	sbarrier.arrive $0xFFFF  }
0x10f: {  	[tilespmem:s19], [sflag:$0x3] =	stream.linear.gather [spmem:s7], $0x4000, $0x38;
	[tilespmem:$0x1EA00] =	vst v63  }
0x110: {  	_ =	swait.ge [sflag:s18], $0x4000  }
0x111: {  	[sflag:s18] =	ssyncset.done $0x0  }
0x112: {  	[sflag:s18] =	ssyncadd.s32 $0xFFFFC000  }
0x113: {  	[hbm4b:s12+s2] =	stream.linear.scatter [tilespmem:s19], [sflag:$0x3], $0x4000, $0x38;
	[tilespmem:$0x1EA00] =	vst v63  }
0x114: {  	_ =	swait.ge [sflag:s18], $0x4000  }
0x115: {  	[sflag:s18] =	ssyncset.done $0x0  }
0x116: {  	[sflag:s18] =	ssyncadd.s32 $0xFFFFC000  }
0x117: {  	[tilespmem:s19], [sflag:$0x3] =	stream.linear.gather [spmem:s8], $0x4000, $0x38;
	[tilespmem:$0x1EA00] =	vst v63  }
0x118: {  	_ =	swait.ge [sflag:s18], $0x4000  }
0x119: {  	[sflag:s18] =	ssyncset.done $0x0  }
0x11a: {  	[sflag:s18] =	ssyncadd.s32 $0xFFFFC000  }
0x11b: {  	[hbm4b:s13+s2] =	stream.linear.scatter [tilespmem:s19], [sflag:$0x3], $0x4000, $0x38;
	[tilespmem:$0x1EA00] =	vst v63  }
0x11c: {  	_ =	swait.ge [sflag:s18], $0x4000  }
0x11d: {  	[sflag:s18] =	ssyncset.done $0x0  }
0x11e: {  	[sflag:s18] =	ssyncadd.s32 $0xFFFFC000  }
0x11f: {  	[tilespmem:s19], [sflag:$0x3] =	stream.linear.gather [spmem:s9], $0x4000, $0x38;
	[tilespmem:$0x1EA00] =	vst v63  }
0x120: {  	_ =	swait.ge [sflag:s18], $0x4000  }
0x121: {  	[sflag:s18] =	ssyncset.done $0x0  }
0x122: {  	[sflag:s18] =	ssyncadd.s32 $0xFFFFC000  }
0x123: {  	[hbm4b:s14+s2] =	stream.linear.scatter [tilespmem:s19], [sflag:$0x3], $0x4000, $0x38;
	[tilespmem:$0x1EA00] =	vst v63  }
0x124: {  	_ =	swait.ge [sflag:s18], $0x4000  }
0x125: {  	[sflag:s18] =	ssyncset.done $0x0  }
0x126: {  	[sflag:s18] =	ssyncadd.s32 $0xFFFFC000  }
0x127: {  	[tilespmem:s19], [sflag:$0x3] =	stream.linear.gather [spmem:s10], $0x4000, $0x38;
	[tilespmem:$0x1EA00] =	vst v63  }
0x128: {  	_ =	swait.ge [sflag:s18], $0x4000  }
0x129: {  	[sflag:s18] =	ssyncset.done $0x0  }
0x12a: {  	[sflag:s18] =	ssyncadd.s32 $0xFFFFC000  }
0x12b: {  	[hbm4b:s15+s2] =	stream.linear.scatter [tilespmem:s19], [sflag:$0x3], $0x4000, $0x38;
	[tilespmem:$0x1EA00] =	vst v63  }
0x12c: {  	_ =	swait.ge [sflag:s18], $0x4000  }
0x12d: {  	[sflag:s18] =	ssyncset.done $0x0  }
0x12e: {  	[sflag:s18] =	ssyncadd.s32 $0xFFFFC000  }
0x12f: {  	[tilespmem:s19], [sflag:$0x3] =	stream.linear.gather [spmem:s11], $0x4000, $0x38;
	[tilespmem:$0x1EA00] =	vst v63  }
0x130: {  	s29 =	sadd.s32 $0x1, s29;
	_ =	swait.ge [sflag:s18], $0x4000  }
0x131: {  	p0 =	sne.s32 s29, s17;
	[sflag:s18] =	ssyncset.done $0x0  }
.Ltmp1:
0x132: {  	[sflag:s18] =	ssyncadd.s32 $0xFFFFC000;
	(pc) =	sbr.rel @p0 .LBB2_1-.Ltmp1, $4  }
0x133: {  	[hbm4b:s16+s2] =	stream.linear.scatter [tilespmem:s19], [sflag:$0x3], $0x4000, $0x38;
	[tilespmem:$0x1EA00] =	vst v63  }
0x134: {  	_ =	swait.ge [sflag:s18], $0x4000  }
0x135: {  	[sflag:s18] =	ssyncset.done $0x0  }
0x136: {  	[sflag:s18] =	ssyncadd.s32 $0xFFFFC000  }
0x137: {  	_ =	sfence.sel $0x180000  }
0x138: {  	[bflag:$0x0] =	sbarrier.arrive $0xFFFF  }
0x139: {  	_ =	strace $0x9000004A  }
0x13a: {  	[bflag:$0x2] =	sbarrier.arrive $0xFFFF  }
0x13b: {  	p0 =	sne.s32 s3, $0x0;
	s0 =	rddreg [dreg:$0x3]  }
0x13c: {  	s0 =	sadd.s32 @!p0 $0x100000, s0  }
0x13d: {  	[sflag:s0] =	ssyncadd.tile.s32 @!p0 $0x1;
	_ =	shalt  }
.Lfunc_end2:
_tile_overlayer_lowered:
.L_overlay_start_2:
0x13e: {  	(tag) =	ssettag $0x2  }
0x13f: {  	s0 =	rddreg [dreg:$0x0];
	s2 =	stileid.u32  }
0x140: {  	s1 =	rddreg [dreg:$0x1];
	p0 =	sne.s32 s2, $0x0  }
0x141: {  	s3 =	rddreg [dreg:$0x2];
	[bflag:$0x3] =	sbarrier.arrive $0xFFFF;
	s2 =	simm.s32 @!p0 $0x1C03  }
0x142: {  	[timem:s3], [sflag:s2] =	dma.local @!p0 [hbm:s0], s1  }
0x143: {  	s0 =	simm.s32 @!p0 $0x3  }
0x144: {  	_ =	swait.ge @!p0 [sflag:s0], s1  }
0x145: {  	s1 =	ssub.s32 @!p0 $0x0, s1;
	[sflag:s0] =	ssyncset.done @!p0 $0x0  }
0x146: {  	[sflag:s0] =	ssyncadd.s32 @!p0 s1  }
0x147: {  	[bflag:$0x3] =	sbarrier.arrive $0xFFFF  }
0x148: {  	_ =	shalt  }

// kernel: kernel.14.cloned.1.call-start
scs
__scs_entry_jumppad:
0x0: {  	(pc) =	sbr.rel $0x88, $3  }
0x1: {  	(tag) =	ssettag $0x0;
	lr =	simm.s32 $0x1  }
0x2: {  	[smem:$0x3F97] =	sst lr;
	_ =	strace $0xD0000000  }
0x3: {  	_ = 	snop  }
0x4: {  	_ = 	snop  }
0x5: {  	_ = 	snop  }
0x6: {  	_ = 	snop  }
0x7: {  	_ = 	snop  }
__scs_overlays_trampoline_lowered:
0x8: {  	[smem:$0x3FA6] =	sst s0  }
0x9: {  	[smem:$0x3FA7] =	sst s1  }
0xa: {  	[smem:$0x3FA8] =	sst s2  }
0xb: {  	[smem:$0x3FA9] =	sst s3  }
0xc: {  	[smem:$0x3FAA] =	sst s4  }
0xd: {  	[smem:$0x3FAB] =	sst s5  }
0xe: {  	[smem:$0x3FAC] =	sst s6  }
0xf: {  	[smem:$0x3FAD] =	sst s7  }
0x10: {  	[smem:$0x3FAE] =	sst s8  }
0x11: {  	[smem:$0x3FAF] =	sst s9;
	s0 =	simm.s32 @!p0 $0x0  }
0x12: {  	s1 =	sld [smem:$0x3F95];
	s0 =	simm.s32 @p0 $0x1  }
0x13: {  	[smem:$0x3FB0] =	sst s0;
	s0 =	simm.s32 @!p1 $0x0  }
0x14: {  	s2 =	sld [smem:$0x3F94];
	s0 =	simm.s32 @p1 $0x1  }
0x15: {  	[smem:$0x3FB1] =	sst s0;
	s0 =	simm.s32 @!p2 $0x0  }
0x16: {  	s3 =	sld [smem:$0x3FDB];
	s0 =	simm.s32 @p2 $0x1  }
0x17: {  	s4 =	simm.s32 $0x1BF5;
	[smem:$0x3FB3] =	sst s0  }
0x18: {  	s0 =	sld [smem:$0x3F96];
	_ =	swait.ge [sflag:s4], $0x0  }
0x19: {  	s7 =	sld [smem:$0x3F97]  }
0x1a: {  	s8 =	sadd.s32 $0xFFFFE003, lr  }
0x1b: {  	s9 =	sadd.s32 $0xFFFFFEF7, lr;
	s5 =	simm.s32 $0xFFFFFFFF;
	p2 =	slt.u32 s8, $0xFFFFF086  }
0x1c: {  	p1 =	slt.u32 s9, $0xF7A;
	s5 =	simm.s32 @!p2 $0x0  }
0x1d: {  	s5 =	simm.s32 @p1 $0x1;
	p0 =	seq.s32 s7, s2  }
0x1e: {  	s7 =	smul.u32 @!p0 $0xF7A, s2;
	p2 =	seq.s32 @!p0 s5, $0x0  }
0x1f: {  	s9 =	smul.u32 $0xF7A, s1;
	s8 =	simm.s32 @!p0 $0x1BF5;
	p2 =	por !p2, p0  }
0x20: {  	[sflag:s8] =	ssyncset.s32 @!p0 $0xFFFFF086;
	s6 =	sadd.s32 @!p0 s3, s7;
	s7 =	simm.s32 @!p0 $0x108  }
0x21: {  	s3 =	sadd.s32 s3, s9;
	s6 =	sadd.s32 @!p0 $0x88, s6;
	s7 =	simm.s32 @p2 $0x1082  }
0x22: {  	[simem:s7], [sflag:s8] =	dma.local @!p0 [hbm:s6], $0xF7A  }
0x23: {  	s9 =	sor.u32 $0xD0000000, s2;
	s6 =	simm.s32 $0x108;
	_ =	swait.ge @!p0 [sflag:s8], $0x0  }
0x24: {  	s3 =	sadd.s32 $0x88, s3;
	s6 =	simm.s32 @!p1 $0x1082;
	[sflag:s4] =	ssyncset.s32 $0xFFFFF086  }
0x25: {  	[simem:s6], [sflag:s4] =	dma.local [hbm:s3], $0xF7A  }
0x26: {  	[smem:$0x3F97] =	sst s1;
	(tag) =	ssettag s2;
	_ =	strace s9  }
0x27: {  	s1 =	sld [smem:$0x3FA7]  }
0x28: {  	s2 =	sld [smem:$0x3FA8]  }
0x29: {  	s4 =	sld [smem:$0x3FAA]  }
0x2a: {  	p0 =	seq.s32 s5, $0x0;
	s5 =	sld [smem:$0x3FAB]  }
0x2b: {  	s6 =	sld [smem:$0x3FAC]  }
0x2c: {  	s7 =	sld [smem:$0x3FAD]  }
0x2d: {  	s3 =	simm.s32 $0x108;
	s8 =	sld [smem:$0x3FAE]  }
0x2e: {  	s3 =	simm.s32 @!p0 $0x1082;
	s9 =	sld [smem:$0x3FAF]  }
0x2f: {  	lr =	sadd.s32 s0, s3;
	s0 =	sld [smem:$0x3FA6]  }
0x30: {  	s3 =	sld [smem:$0x3FA9]  }
0x31: {  	[smem:$0x3FB2] =	sst s10  }
0x32: {  	s10 =	sld [smem:$0x3FB0];
	_ =	sdelay $0x3  }
0x33: {  	p0 =	seq.s32 s10, $0x1;
	s10 =	sld [smem:$0x3FB2];
	_ =	sdelay $0x3  }
0x34: {  	[smem:$0x3FB2] =	sst s10  }
0x35: {  	s10 =	sld [smem:$0x3FB1];
	_ =	sdelay $0x3  }
0x36: {  	p1 =	seq.s32 s10, $0x1;
	s10 =	sld [smem:$0x3FB2];
	_ =	sdelay $0x3  }
0x37: {  	[smem:$0x3FB2] =	sst s10  }
0x38: {  	s10 =	sld [smem:$0x3FB3]  }
0x39: {  	_ = 	snop;
	(pc) =	sbr.ind lr, $3  }
0x3a: {  	_ = 	snop  }
0x3b: {  	_ = 	snop  }
0x3c: {  	p2 =	seq.s32 s10, $0x1;
	s10 =	sld [smem:$0x3FB2]  }
0x3d: {  	_ =	shalt  }
0x3e: {  	_ =	shalt  }
0x3f: {  	_ =	shalt  }
0x40: {  	_ =	shalt  }
0x41: {  	_ =	shalt  }
0x42: {  	_ =	shalt  }
0x43: {  	_ =	shalt  }
0x44: {  	_ =	shalt  }
0x45: {  	_ =	shalt  }
0x46: {  	_ =	shalt  }
0x47: {  	_ =	shalt  }
0x48: {  	_ =	shalt  }
0x49: {  	_ =	shalt  }
0x4a: {  	_ =	shalt  }
0x4b: {  	_ =	shalt  }
0x4c: {  	_ =	shalt  }
0x4d: {  	_ =	shalt  }
0x4e: {  	_ =	shalt  }
0x4f: {  	_ =	shalt  }
0x50: {  	_ =	shalt  }
0x51: {  	_ =	shalt  }
0x52: {  	_ =	shalt  }
0x53: {  	_ =	shalt  }
0x54: {  	_ =	shalt  }
0x55: {  	_ =	shalt  }
0x56: {  	_ =	shalt  }
0x57: {  	_ =	shalt  }
0x58: {  	_ =	shalt  }
0x59: {  	_ =	shalt  }
0x5a: {  	_ =	shalt  }
0x5b: {  	_ =	shalt  }
0x5c: {  	_ =	shalt  }
0x5d: {  	_ =	shalt  }
0x5e: {  	_ =	shalt  }
0x5f: {  	_ =	shalt  }
0x60: {  	_ =	shalt  }
0x61: {  	_ =	shalt  }
0x62: {  	_ =	shalt  }
0x63: {  	_ =	shalt  }
0x64: {  	_ =	shalt  }
0x65: {  	_ =	shalt  }
0x66: {  	_ =	shalt  }
0x67: {  	_ =	shalt  }
0x68: {  	_ =	shalt  }
0x69: {  	_ =	shalt  }
0x6a: {  	_ =	shalt  }
0x6b: {  	_ =	shalt  }
0x6c: {  	_ =	shalt  }
0x6d: {  	_ =	shalt  }
0x6e: {  	_ =	shalt  }
0x6f: {  	_ =	shalt  }
0x70: {  	_ =	shalt  }
0x71: {  	_ =	shalt  }
0x72: {  	_ =	shalt  }
0x73: {  	_ =	shalt  }
0x74: {  	_ =	shalt  }
0x75: {  	_ =	shalt  }
0x76: {  	_ =	shalt  }
0x77: {  	_ =	shalt  }
0x78: {  	_ =	shalt  }
0x79: {  	_ =	shalt  }
0x7a: {  	_ =	shalt  }
0x7b: {  	_ =	shalt  }
0x7c: {  	_ =	shalt  }
0x7d: {  	_ =	shalt  }
0x7e: {  	_ =	shalt  }
0x7f: {  	_ =	shalt  }
0x80: {  	_ =	shalt  }
0x81: {  	_ =	shalt  }
0x82: {  	_ =	shalt  }
0x83: {  	_ =	shalt  }
0x84: {  	_ =	shalt  }
0x85: {  	_ =	shalt  }
0x86: {  	_ =	shalt  }
0x87: {  	_ =	shalt  }
.Lfunc_end0:
.L_simem_size_0:
called_computation.2_lowered:
.L_overlay_start_0:
0x88: {  	s2 =	sld [smem:$0x3FD9]  }
0x89: {  	s3 =	sld [smem:$0x3FFE];
	_ =	sdelay $0x1  }
0x8a: {  	s1 =	srdreg.scid  }
0x8b: {  	s0 =	sand.u32 $0x1, s1  }
0x8c: {  	s17 =	sshll.u32 s0, $0xA;
	s2 =	sadd.s32 s3, s2  }
0x8d: {  	s2 =	sadd.s32 s2, s17  }
0x8e: {  	[smem:$0x3FBE] =	sst s2  }
0x8f: {  	_ = 	snop  }
0x90: {  	s2 =	sld [smem:$0x3FD0];
	(tm) =	ssettm $0x1  }
0x91: {  	s18 =	sld [smem:$0x3FFB];
	_ =	sdelay $0x3  }
0x92: {  	_ =	strace s18  }
0x93: {  	s3 =	sld [smem:$0x3FFC];
	_ =	sdelay $0x3  }
0x94: {  	_ =	strace s3  }
0x95: {  	s3 =	sld [smem:$0x3FFD];
	_ =	sdelay $0x3  }
0x96: {  	_ =	strace s3  }
0x97: {  	_ =	strace $0x8FFFFFFF  }
0x98: {  	s19 =	sld [smem:$0x3FDB];
	_ =	sdelay $0x1  }
0x99: {  	s4 =	simm.s32 $_scs_section_size  }
0x9a: {  	s5 =	simm.s32 $_size__tile_overlayer_lowered;
	s6 =	simm.s32 $_tile_overlayer_lowered  }
0x9b: {  	s22 =	simm.s32 $0x1BFF;
	s21 =	sshll.u32 s6, $0x1;
	s3 =	sadd.s32 s4, s19  }
0x9c: {  	s7 =	simm.s32 $0x0;
	s20 =	sshll.u32 s5, $0x1;
	s5 =	sadd.s32 s21, s3  }
0x9d: {  	[timem:s7], [sflag:s22] =	dma.local [hbm:s5], s20  }
0x9e: {  	_ =	swait.ge [sflag:s22], s20  }
0x9f: {  	s4 =	ssub.s32 $0x0, s20;
	[sflag:s22] =	ssyncset.done $0x0  }
0xa0: {  	[sflag:s22] =	ssyncadd.s32 s4;
	_ =	sdelay $0x1  }
0xa1: {  	s23 =	simm.s32 $0x1B8B  }
0xa2: {  	_ =	swait.ge [sflag:s23], $0x1  }
0xa3: {  	[sflag:s23] =	ssyncset.done $0x0  }
0xa4: {  	s25 =	simm.s32 $0x1B8E;
	s24 =	sld [smem:$0x3FFE];
	[sflag:s23] =	ssyncadd.s32 $0xFFFFFFFF  }
0xa5: {  	s26 =	simm.s32 $execute0_lowered;
	[smem:$0x3FD2] =	sst s25  }
0xa6: {  	s5 =	sshll.u32 s26, $0x1;
	_ =	strace $0x8000004C;
	[dreg:$0x1] =	wrdreg $0xFFFFFFFF  }
0xa7: {  	s28 =	simm.s32 $_size_execute0_lowered;
	s3 =	sadd.s32 s3, s5;
	[dreg:$0x0] =	wrdreg $0x0  }
0xa8: {  	s5 =	sshll.u32 s28, $0x1;
	[dreg:$0x2] =	wrdreg s3  }
0xa9: {  	[dreg:$0x3] =	wrdreg s5  }
0xaa: {  	[dreg:$0x4] =	wrdreg $0xC0  }
0xab: {  	_ =	task [dreg:s7], $0x5FFFF  }
0xac: {  	[dreg:$0x1] =	wrdreg $0xFFFFFFFF  }
0xad: {  	[dreg:$0x0] =	wrdreg $0x60  }
0xae: {  	[dreg:$0x2] =	wrdreg s24  }
0xaf: {  	[dreg:$0x3] =	wrdreg s2  }
0xb0: {  	[dreg:$0x4] =	wrdreg $0xAA000  }
0xb1: {  	[dreg:$0x5] =	wrdreg $0x9  }
0xb2: {  	_ =	task.clear_ibuf [dreg:s7], $0x6FFFF;
	_ =	strace $0x9000004C  }
0xb3: {  	s29 =	simm.s32 $0x9;
	_ =	strace $0x8000004E  }
0xb4: {  	_ =	swait.ge [sflag:s29], $0x1  }
0xb5: {  	[sflag:s29] =	ssyncadd.s32 $0xFFFFFFFF  }
0xb6: {  	_ =	strace $0x9000004E  }
0xb7: {  	_ =	sfence  }
0xb8: {  	s30 =	sld [smem:$0x0];
	_ =	sdelay $0x2  }
0xb9: {  	s31 =	sshll.u32 s1, $0xD;
	s1 =	sshrl.u32 s1, $0x2  }
0xba: {  	s3 =	sand.u32 $0x4000, s31;
	s1 =	sadd.s32 s1, s30  }
0xbb: {  	s0 =	sor.u32 s3, s0;
	s1 =	sshll.u32 s1, $0x11  }
0xbc: {  	s0 =	sor.u32 s1, s0  }
0xbd: {  	s0 =	sadd.s32 $0x8F2B, s0  }
0xbe: {  	[sflag:s0] =	ssyncadd.remote.s32 $0x1  }
0xbf: {  	_ =	sfence.sel $0xFFFF  }
0xc0: {  	[dreg:$0x0] =	wrdreg $0xFFFFFFFF;
	(pc) =	sbr.abs _section_cstart, $3  }
0xc1: {  	[dreg:$0x1] =	wrdreg $0xFFFFFFFF  }
0xc2: {  	_ =	task.clear_ibuf [dreg:s7], $0x2FFFF;
	_ =	strace $0x9FFFFFFF  }
0xc3: {  	(tm) =	ssettm $0x7FFFFFFF  }
tec
execute0_lowered:
.L_overlay_start_1:
0x0: {  	(tag) =	ssettag $0x1  }
0x1: {  	s6 =	rddreg [dreg:$0x0]  }
0x2: {  	s7 =	rddreg [dreg:$0x1]  }
0x3: {  	s1 =	rddreg [dreg:$0x2];
	s2 =	simm.s32 $0x0;
	s3 =	srdreg.scid  }
0x4: {  	s20 =	simm.s32 $0x80;
	s21 =	simm.s32 $0x2800;
	s22 =	simm.s32 $0x2880  }
0x5: {  	s23 =	simm.s32 $0x6A00;
	s24 =	simm.s32 $0x1;
	s28 =	simm.s32 $0x2980  }
0x6: {  	s29 =	simm.s32 $0x0;
	[smem:$0x7FF] =	sst s2;
	s8 =	sand.u32 $0x1, s3  }
0x7: {  	s4 =	sadd.s32 $0x4000, s6;
	s3 =	stileid.u32;
	s5 =	sadd.s32 $0x7C000, s6  }
0x8: {  	s16 =	sadd.s32 $0x7C800, s6;
	_ =	strace $0x8000004D;
	s10 =	smul.u32 $0x50000, s3  }
0x9: {  	s9 =	sshll.u32 s8, $0x4;
	s25 =	ssub.s32 $0x2, s8;
	s12 =	smul.u32 $0x14000, s3  }
0xa: {  	s15 =	smul.u32 $0x140000, s8;
	s9 =	sor.u32 s3, s9;
	s11 =	sshrl.u32 s25, $0x1  }
0xb: {  	s9 =	smul.u32 $0x500, s9;
	s10 =	sshrl.u32 s10, $0x2;
	s17 =	ssub.s32 s25, s11  }
0xc: {  	s26 =	sadd.s32 $0x4000, s12;
	s14 =	sadd.s32 $0x8000, s12;
	s18 =	sadd.s32 $0xC000, s12  }
0xd: {  	s13 =	sadd.s32 s12, s15;
	s19 =	sadd.s32 $0x10000, s12;
	s25 =	simm.s32 $0x2900  }
0xe: {  	s8 =	sadd.s32 s26, s1;
	s11 =	sadd.s32 s15, s26;
	s30 =	sshrl.u32 s13, $0x3  }
0xf: {  	s17 =	smax.u32 s17, $0x1;
	s26 =	simm.s32 $0x2;
	s6 =	sadd.s32 s7, s9  }
0x10: {  	s7 =	sadd.s32 s10, s1;
	s9 =	sadd.s32 s14, s1;
	s10 =	sadd.s32 s18, s1  }
0x11: {  	s31 =	sshrl.u32 s11, $0x3;
	s11 =	sadd.s32 s19, s1;
	s12 =	sadd.s32 s16, s30  }
0x12: {  	s14 =	sadd.s32 s15, s14;
	s18 =	sadd.s32 s15, s18;
	s15 =	sadd.s32 s15, s19  }
0x13: {  	s13 =	sadd.s32 s16, s31;
	s14 =	sshrl.u32 s14, $0x3;
	s18 =	sshrl.u32 s18, $0x3  }
0x14: {  	s19 =	sshrl.u32 s15, $0x3;
	s14 =	sadd.s32 s16, s14;
	s15 =	sadd.s32 s16, s18  }
0x15: {  	s16 =	sadd.s32 s16, s19;
	s18 =	simm.s32 $0x3;
	s19 =	simm.s32 $0x2A00  }
.LBB2_1:
0x16: {  	[tilespmem:s2], [sflag:$0x3] =	stream.linear.gather [hbm4b:s6+s2], $0x2800, $0x38;
	[tilespmem:$0x1EA00] =	vst v63  }
0x17: {  	_ =	swait.ge [sflag:s18], $0x2800  }
0x18: {  	[sflag:s18] =	ssyncset.done $0x0  }
0x19: {  	[sflag:s18] =	ssyncadd.s32 $0xFFFFD800  }
0x1a: {  	[tilespmem:s19], [sflag:$0x3] =	stream.linear.gather [hbm4b:s5+s2], $0x4000, $0x38;
	[tilespmem:$0x1EA00] =	vst v63  }
0x1b: {  	_ =	swait.ge [sflag:s18], $0x4000  }
0x1c: {  	[sflag:s18] =	ssyncset.done $0x0  }
0x1d: {  	[sflag:s18] =	ssyncadd.s32 $0xFFFFC000  }
0x1e: {  	[spmem:s7] =	stream.linear.scatter [tilespmem:s19], [sflag:$0x3], $0x4000, $0x38;
	[tilespmem:$0x1EA00] =	vst v63  }
0x1f: {  	_ =	swait.ge [sflag:s18], $0x4000  }
0x20: {  	[sflag:s18] =	ssyncset.done $0x0  }
0x21: {  	[sflag:s18] =	ssyncadd.s32 $0xFFFFC000  }
0x22: {  	[spmem:s8] =	stream.linear.scatter [tilespmem:s19], [sflag:$0x3], $0x4000, $0x38;
	[tilespmem:$0x1EA00] =	vst v63  }
0x23: {  	_ =	swait.ge [sflag:s18], $0x4000  }
0x24: {  	[sflag:s18] =	ssyncset.done $0x0  }
0x25: {  	[sflag:s18] =	ssyncadd.s32 $0xFFFFC000  }
0x26: {  	[spmem:s9] =	stream.linear.scatter [tilespmem:s19], [sflag:$0x3], $0x4000, $0x38;
	[tilespmem:$0x1EA00] =	vst v63  }
0x27: {  	_ =	swait.ge [sflag:s18], $0x4000  }
0x28: {  	[sflag:s18] =	ssyncset.done $0x0  }
0x29: {  	[sflag:s18] =	ssyncadd.s32 $0xFFFFC000  }
0x2a: {  	[spmem:s10] =	stream.linear.scatter [tilespmem:s19], [sflag:$0x3], $0x4000, $0x38;
	[tilespmem:$0x1EA00] =	vst v63  }
0x2b: {  	_ =	swait.ge [sflag:s18], $0x4000  }
0x2c: {  	[sflag:s18] =	ssyncset.done $0x0  }
0x2d: {  	[sflag:s18] =	ssyncadd.s32 $0xFFFFC000  }
0x2e: {  	[spmem:s11] =	stream.linear.scatter [tilespmem:s19], [sflag:$0x3], $0x4000, $0x38;
	[tilespmem:$0x1EA00] =	vst v63  }
0x2f: {  	_ =	swait.ge [sflag:s18], $0x4000  }
0x30: {  	[sflag:s18] =	ssyncset.done $0x0  }
0x31: {  	[sflag:s18] =	ssyncadd.s32 $0xFFFFC000  }
0x32: {  	[bflag:$0x0] =	sbarrier.arrive $0xFFFF  }
0x33: {  	v0 =	vld [tilespmem:$0x0];
	_ =	sdelay $0x1  }
0x34: {  	v1 =	vld [tilespmem:$0x10];
	_ =	sdelay $0x1  }
0x35: {  	v2 =	vld [tilespmem:$0x20]  }
0x36: {  	v3 =	vshrl.u32 v0, $0x10  }
0x37: {  	v6 =	vld [tilespmem:$0x30];
	v0 =	vand.u32 $0xFFFF, v0;
	[tilespmem:$0x2800] =	vst v3  }
0x38: {  	v7 =	vshrl.u32 v1, $0x10;
	[tilespmem:$0x2900] =	vst v0  }
0x39: {  	v9 =	vld [tilespmem:$0x40];
	v8 =	vand.u32 $0xFFFF, v1;
	[tilespmem:$0x2810] =	vst v7  }
0x3a: {  	v10 =	vshrl.u32 v2, $0x10;
	[tilespmem:$0x2910] =	vst v8  }
0x3b: {  	v12 =	vld [tilespmem:$0x50];
	v11 =	vand.u32 $0xFFFF, v2;
	[tilespmem:$0x2820] =	vst v10  }
0x3c: {  	v13 =	vshrl.u32 v6, $0x10;
	[tilespmem:$0x2920] =	vst v11  }
0x3d: {  	v15 =	vld [tilespmem:$0x60];
	v14 =	vand.u32 $0xFFFF, v6;
	[tilespmem:$0x2830] =	vst v13  }
0x3e: {  	v16 =	vshrl.u32 v9, $0x10;
	[tilespmem:$0x2930] =	vst v14  }
0x3f: {  	v18 =	vld [tilespmem:$0x70];
	v17 =	vand.u32 $0xFFFF, v9;
	[tilespmem:$0x2840] =	vst v16  }
0x40: {  	v19 =	vshrl.u32 v12, $0x10;
	[tilespmem:$0x2940] =	vst v17  }
0x41: {  	v20 =	vand.u32 $0xFFFF, v12;
	[tilespmem:$0x2850] =	vst v19  }
0x42: {  	v21 =	vshrl.u32 v15, $0x10;
	[tilespmem:$0x2950] =	vst v20  }
0x43: {  	v22 =	vand.u32 $0xFFFF, v15;
	[tilespmem:$0x2860] =	vst v21  }
0x44: {  	v23 =	vshrl.u32 v18, $0x10;
	[tilespmem:$0x2960] =	vst v22  }
0x45: {  	v24 =	vand.u32 $0xFFFF, v18;
	[tilespmem:$0x2870] =	vst v23  }
0x46: {  	[tilespmem:$0x2970] =	vst v24  }
0x47: {  	[tilespmem:s19], [sflag:$0x1] =	stream.indirect.gather [hbm4b:s4+s20], $0x80, s21, s20, $0xb8;
	[tilespmem:$0x1EA00] =	vst v63  }
0x48: {  	v25 =	vld [tilespmem:$0x80];
	_ =	sdelay $0x1  }
0x49: {  	v26 =	vld [tilespmem:$0x90];
	_ =	sdelay $0x1  }
0x4a: {  	v27 =	vld [tilespmem:$0xA0]  }
0x4b: {  	v28 =	vshrl.u32 v25, $0x10  }
0x4c: {  	v29 =	vld [tilespmem:$0xB0];
	v0 =	vand.u32 $0xFFFF, v25;
	[tilespmem:$0x2880] =	vst v28  }
0x4d: {  	v30 =	vshrl.u32 v26, $0x10;
	[tilespmem:$0x2980] =	vst v0  }
0x4e: {  	v32 =	vld [tilespmem:$0xC0];
	v31 =	vand.u32 $0xFFFF, v26;
	[tilespmem:$0x2890] =	vst v30  }
0x4f: {  	v33 =	vshrl.u32 v27, $0x10;
	[tilespmem:$0x2990] =	vst v31  }
0x50: {  	v35 =	vld [tilespmem:$0xD0];
	v34 =	vand.u32 $0xFFFF, v27;
	[tilespmem:$0x28A0] =	vst v33  }
0x51: {  	v36 =	vshrl.u32 v29, $0x10;
	[tilespmem:$0x29A0] =	vst v34  }
0x52: {  	v38 =	vld [tilespmem:$0xE0];
	v37 =	vand.u32 $0xFFFF, v29;
	[tilespmem:$0x28B0] =	vst v36  }
0x53: {  	v39 =	vshrl.u32 v32, $0x10;
	[tilespmem:$0x29B0] =	vst v37  }
0x54: {  	v41 =	vld [tilespmem:$0xF0];
	v40 =	vand.u32 $0xFFFF, v32;
	[tilespmem:$0x28C0] =	vst v39  }
0x55: {  	v42 =	vshrl.u32 v35, $0x10;
	[tilespmem:$0x29C0] =	vst v40  }
0x56: {  	v43 =	vand.u32 $0xFFFF, v35;
	[tilespmem:$0x28D0] =	vst v42  }
0x57: {  	v44 =	vshrl.u32 v38, $0x10;
	[tilespmem:$0x29D0] =	vst v43  }
0x58: {  	v45 =	vand.u32 $0xFFFF, v38;
	[tilespmem:$0x28E0] =	vst v44  }
0x59: {  	v46 =	vshrl.u32 v41, $0x10;
	[tilespmem:$0x29E0] =	vst v45  }
0x5a: {  	v47 =	vand.u32 $0xFFFF, v41;
	[tilespmem:$0x28F0] =	vst v46  }
0x5b: {  	[tilespmem:$0x29F0] =	vst v47  }
0x5c: {  	[tilespmem:s23], [sflag:$0x2] =	stream.indirect.gather [hbm4b:s4+s20], $0x80, s22, s20, $0xb8;
	[tilespmem:$0x1EA00] =	vst v63  }
0x5d: {  	_ =	swait.ge [sflag:s24], $0x4000  }
0x5e: {  	[sflag:s24] =	ssyncset.done $0x0  }
0x5f: {  	[sflag:s24] =	ssyncadd.s32 $0xFFFFC000  }
0x60: {  	[spmem:s1] =	stream.indirect.scatter.add.f32 [tilespmem:s19], [sflag:$0x3], $0x80, s25, s20, $0xb8;
	[tilespmem:$0x1EA00] =	vst v63  }
0x61: {  	_ =	swait.ge [sflag:s18], $0x4000  }
0x62: {  	[sflag:s18] =	ssyncset.done $0x0  }
0x63: {  	s30 =	simm.s32 $0x0;
	[sflag:s18] =	ssyncadd.s32 $0xFFFFC000  }
0x64: {  	v48 =	vld [tilespmem:s30+$0x100];
	_ =	sdelay $0x4  }
0x65: {  	v49 =	vshrl.u32 v48, $0x10  }
0x66: {  	v0 =	vand.u32 $0xFFFF, v48;
	[tilespmem:$0x2800] =	vst v49  }
0x67: {  	[tilespmem:$0x2900] =	vst v0  }
0x68: {  	v0 =	vld [tilespmem:s30+$0x110];
	_ =	sdelay $0x4  }
0x69: {  	v50 =	vshrl.u32 v0, $0x10  }
0x6a: {  	v0 =	vand.u32 $0xFFFF, v0;
	[tilespmem:$0x2810] =	vst v50  }
0x6b: {  	[tilespmem:$0x2910] =	vst v0  }
0x6c: {  	v0 =	vld [tilespmem:s30+$0x120];
	_ =	sdelay $0x4  }
0x6d: {  	v51 =	vshrl.u32 v0, $0x10  }
0x6e: {  	v0 =	vand.u32 $0xFFFF, v0;
	[tilespmem:$0x2820] =	vst v51  }
0x6f: {  	[tilespmem:$0x2920] =	vst v0  }
0x70: {  	v0 =	vld [tilespmem:s30+$0x130];
	_ =	sdelay $0x4  }
0x71: {  	v52 =	vshrl.u32 v0, $0x10  }
0x72: {  	v0 =	vand.u32 $0xFFFF, v0;
	[tilespmem:$0x2830] =	vst v52  }
0x73: {  	[tilespmem:$0x2930] =	vst v0  }
0x74: {  	v0 =	vld [tilespmem:s30+$0x140];
	_ =	sdelay $0x4  }
0x75: {  	v53 =	vshrl.u32 v0, $0x10  }
0x76: {  	v0 =	vand.u32 $0xFFFF, v0;
	[tilespmem:$0x2840] =	vst v53  }
0x77: {  	[tilespmem:$0x2940] =	vst v0  }
0x78: {  	v0 =	vld [tilespmem:s30+$0x150];
	_ =	sdelay $0x4  }
0x79: {  	v54 =	vshrl.u32 v0, $0x10  }
0x7a: {  	v0 =	vand.u32 $0xFFFF, v0;
	[tilespmem:$0x2850] =	vst v54  }
0x7b: {  	[tilespmem:$0x2950] =	vst v0  }
0x7c: {  	v0 =	vld [tilespmem:s30+$0x160];
	_ =	sdelay $0x4  }
0x7d: {  	v55 =	vshrl.u32 v0, $0x10  }
0x7e: {  	v0 =	vand.u32 $0xFFFF, v0;
	[tilespmem:$0x2860] =	vst v55  }
0x7f: {  	[tilespmem:$0x2960] =	vst v0  }
0x80: {  	v0 =	vld [tilespmem:s30+$0x170];
	_ =	sdelay $0x4  }
0x81: {  	v56 =	vshrl.u32 v0, $0x10  }
0x82: {  	v0 =	vand.u32 $0xFFFF, v0;
	[tilespmem:$0x2870] =	vst v56  }
0x83: {  	[tilespmem:$0x2970] =	vst v0  }
0x84: {  	[tilespmem:s19], [sflag:$0x1] =	stream.indirect.gather [hbm4b:s4+s20], $0x80, s21, s20, $0xb8;
	[tilespmem:$0x1EA00] =	vst v63  }
0x85: {  	_ =	swait.ge [sflag:s26], $0x4000  }
0x86: {  	[sflag:s26] =	ssyncset.done $0x0  }
0x87: {  	[sflag:s26] =	ssyncadd.s32 $0xFFFFC000  }
0x88: {  	[spmem:s1] =	stream.indirect.scatter.add.f32 [tilespmem:s23], [sflag:$0x3], $0x80, s28, s20, $0xb8;
	[tilespmem:$0x1EA00] =	vst v63  }
0x89: {  	_ =	swait.ge [sflag:s18], $0x4000  }
0x8a: {  	[sflag:s18] =	ssyncset.done $0x0  }
0x8b: {  	[sflag:s18] =	ssyncadd.s32 $0xFFFFC000  }
0x8c: {  	v57 =	vld [tilespmem:s30+$0x180];
	_ =	sdelay $0x4  }
0x8d: {  	v58 =	vshrl.u32 v57, $0x10  }
0x8e: {  	v0 =	vand.u32 $0xFFFF, v57;
	[tilespmem:$0x2880] =	vst v58  }
0x8f: {  	[tilespmem:$0x2980] =	vst v0  }
0x90: {  	v0 =	vld [tilespmem:s30+$0x190];
	_ =	sdelay $0x4  }
0x91: {  	v59 =	vshrl.u32 v0, $0x10  }
0x92: {  	v0 =	vand.u32 $0xFFFF, v0;
	[tilespmem:$0x2890] =	vst v59  }
0x93: {  	[tilespmem:$0x2990] =	vst v0  }
0x94: {  	v0 =	vld [tilespmem:s30+$0x1A0];
	_ =	sdelay $0x4  }
0x95: {  	v60 =	vshrl.u32 v0, $0x10  }
0x96: {  	v0 =	vand.u32 $0xFFFF, v0;
	[tilespmem:$0x28A0] =	vst v60  }
0x97: {  	[tilespmem:$0x29A0] =	vst v0  }
0x98: {  	v0 =	vld [tilespmem:s30+$0x1B0];
	_ =	sdelay $0x4  }
0x99: {  	v61 =	vshrl.u32 v0, $0x10  }
0x9a: {  	v0 =	vand.u32 $0xFFFF, v0;
	[tilespmem:$0x28B0] =	vst v61  }
0x9b: {  	[tilespmem:$0x29B0] =	vst v0  }
0x9c: {  	v0 =	vld [tilespmem:s30+$0x1C0];
	_ =	sdelay $0x4  }
0x9d: {  	v62 =	vshrl.u32 v0, $0x10  }
0x9e: {  	v0 =	vand.u32 $0xFFFF, v0;
	[tilespmem:$0x28C0] =	vst v62  }
0x9f: {  	[tilespmem:$0x29C0] =	vst v0  }
0xa0: {  	v0 =	vld [tilespmem:s30+$0x1D0];
	_ =	sdelay $0x4  }
0xa1: {  	v63 =	vshrl.u32 v0, $0x10  }
0xa2: {  	v0 =	vand.u32 $0xFFFF, v0;
	[tilespmem:$0x28D0] =	vst v63  }
0xa3: {  	s31 =	simm.s32 $0x400;
	[tilespmem:$0x29D0] =	vst v0  }
.LBB2_2:
0xa4: {  	p0 =	sne.s32 s31, $0x9800;
	v0 =	vld [tilespmem:s30+$0x1E0];
	s0 =	smov.u32 s31;
	s31 =	sadd.s32 $0x400, s31  }
0xa5: {  	_ =	sdelay $0x3  }
0xa6: {  	v1 =	vshrl.u32 v0, $0x10;
	v0 =	vand.u32 $0xFFFF, v0  }
0xa7: {  	[tilespmem:$0x28E0] =	vst v1  }
0xa8: {  	[tilespmem:$0x29E0] =	vst v0  }
0xa9: {  	v0 =	vld [tilespmem:s30+$0x1F0];
	_ =	sdelay $0x4  }
0xaa: {  	v1 =	vshrl.u32 v0, $0x10;
	v0 =	vand.u32 $0xFFFF, v0  }
0xab: {  	[tilespmem:$0x28F0] =	vst v1  }
0xac: {  	[tilespmem:$0x29F0] =	vst v0  }
0xad: {  	[tilespmem:s23], [sflag:$0x2] =	stream.indirect.gather [hbm4b:s4+s20], $0x80, s22, s20, $0xb8;
	[tilespmem:$0x1EA00] =	vst v63  }
0xae: {  	_ =	swait.ge [sflag:s24], $0x4000  }
0xaf: {  	[sflag:s24] =	ssyncset.done $0x0  }
0xb0: {  	[sflag:s24] =	ssyncadd.s32 $0xFFFFC000  }
0xb1: {  	[spmem:s1] =	stream.indirect.scatter.add.f32 [tilespmem:s19], [sflag:$0x3], $0x80, s25, s20, $0xb8;
	[tilespmem:$0x1EA00] =	vst v63  }
0xb2: {  	_ =	swait.ge [sflag:s18], $0x4000  }
0xb3: {  	[sflag:s18] =	ssyncset.done $0x0  }
0xb4: {  	s30 =	sshra.s32 s0, $0x2;
	[sflag:s18] =	ssyncadd.s32 $0xFFFFC000  }
0xb5: {  	v0 =	vld [tilespmem:s30+$0x100];
	_ =	sdelay $0x4  }
0xb6: {  	v1 =	vshrl.u32 v0, $0x10;
	v0 =	vand.u32 $0xFFFF, v0  }
0xb7: {  	[tilespmem:$0x2800] =	vst v1  }
0xb8: {  	[tilespmem:$0x2900] =	vst v0  }
0xb9: {  	v0 =	vld [tilespmem:s30+$0x110];
	_ =	sdelay $0x4  }
0xba: {  	v1 =	vshrl.u32 v0, $0x10;
	v0 =	vand.u32 $0xFFFF, v0  }
0xbb: {  	[tilespmem:$0x2810] =	vst v1  }
0xbc: {  	[tilespmem:$0x2910] =	vst v0  }
0xbd: {  	v0 =	vld [tilespmem:s30+$0x120];
	_ =	sdelay $0x4  }
0xbe: {  	v1 =	vshrl.u32 v0, $0x10;
	v0 =	vand.u32 $0xFFFF, v0  }
0xbf: {  	[tilespmem:$0x2820] =	vst v1  }
0xc0: {  	[tilespmem:$0x2920] =	vst v0  }
0xc1: {  	v0 =	vld [tilespmem:s30+$0x130];
	_ =	sdelay $0x4  }
0xc2: {  	v1 =	vshrl.u32 v0, $0x10;
	v0 =	vand.u32 $0xFFFF, v0  }
0xc3: {  	[tilespmem:$0x2830] =	vst v1  }
0xc4: {  	[tilespmem:$0x2930] =	vst v0  }
0xc5: {  	v0 =	vld [tilespmem:s30+$0x140];
	_ =	sdelay $0x4  }
0xc6: {  	v1 =	vshrl.u32 v0, $0x10;
	v0 =	vand.u32 $0xFFFF, v0  }
0xc7: {  	[tilespmem:$0x2840] =	vst v1  }
0xc8: {  	[tilespmem:$0x2940] =	vst v0  }
0xc9: {  	v0 =	vld [tilespmem:s30+$0x150];
	_ =	sdelay $0x4  }
0xca: {  	v1 =	vshrl.u32 v0, $0x10;
	v0 =	vand.u32 $0xFFFF, v0  }
0xcb: {  	[tilespmem:$0x2850] =	vst v1  }
0xcc: {  	[tilespmem:$0x2950] =	vst v0  }
0xcd: {  	v0 =	vld [tilespmem:s30+$0x160];
	_ =	sdelay $0x4  }
0xce: {  	v1 =	vshrl.u32 v0, $0x10;
	v0 =	vand.u32 $0xFFFF, v0  }
0xcf: {  	[tilespmem:$0x2860] =	vst v1  }
0xd0: {  	[tilespmem:$0x2960] =	vst v0  }
0xd1: {  	v0 =	vld [tilespmem:s30+$0x170];
	_ =	sdelay $0x4  }
0xd2: {  	v1 =	vshrl.u32 v0, $0x10;
	v0 =	vand.u32 $0xFFFF, v0  }
0xd3: {  	[tilespmem:$0x2870] =	vst v1  }
0xd4: {  	[tilespmem:$0x2970] =	vst v0  }
0xd5: {  	[tilespmem:s19], [sflag:$0x1] =	stream.indirect.gather [hbm4b:s4+s20], $0x80, s21, s20, $0xb8;
	[tilespmem:$0x1EA00] =	vst v63  }
0xd6: {  	_ =	swait.ge [sflag:s26], $0x4000  }
0xd7: {  	[sflag:s26] =	ssyncset.done $0x0  }
0xd8: {  	[sflag:s26] =	ssyncadd.s32 $0xFFFFC000  }
0xd9: {  	[spmem:s1] =	stream.indirect.scatter.add.f32 [tilespmem:s23], [sflag:$0x3], $0x80, s28, s20, $0xb8;
	[tilespmem:$0x1EA00] =	vst v63  }
0xda: {  	_ =	swait.ge [sflag:s18], $0x4000  }
0xdb: {  	[sflag:s18] =	ssyncset.done $0x0  }
0xdc: {  	[sflag:s18] =	ssyncadd.s32 $0xFFFFC000  }
0xdd: {  	v0 =	vld [tilespmem:s30+$0x180];
	_ =	sdelay $0x4  }
0xde: {  	v1 =	vshrl.u32 v0, $0x10;
	v0 =	vand.u32 $0xFFFF, v0  }
0xdf: {  	[tilespmem:$0x2880] =	vst v1  }
0xe0: {  	[tilespmem:$0x2980] =	vst v0  }
0xe1: {  	v0 =	vld [tilespmem:s30+$0x190];
	_ =	sdelay $0x4  }
0xe2: {  	v1 =	vshrl.u32 v0, $0x10;
	v0 =	vand.u32 $0xFFFF, v0  }
0xe3: {  	[tilespmem:$0x2890] =	vst v1  }
0xe4: {  	[tilespmem:$0x2990] =	vst v0  }
0xe5: {  	v0 =	vld [tilespmem:s30+$0x1A0];
	_ =	sdelay $0x4  }
0xe6: {  	v1 =	vshrl.u32 v0, $0x10;
	v0 =	vand.u32 $0xFFFF, v0  }
0xe7: {  	[tilespmem:$0x28A0] =	vst v1  }
0xe8: {  	[tilespmem:$0x29A0] =	vst v0  }
0xe9: {  	v0 =	vld [tilespmem:s30+$0x1B0];
	_ =	sdelay $0x4  }
0xea: {  	v1 =	vshrl.u32 v0, $0x10;
	v0 =	vand.u32 $0xFFFF, v0  }
0xeb: {  	[tilespmem:$0x28B0] =	vst v1  }
0xec: {  	[tilespmem:$0x29B0] =	vst v0  }
0xed: {  	v0 =	vld [tilespmem:s30+$0x1C0];
	_ =	sdelay $0x4  }
0xee: {  	v1 =	vshrl.u32 v0, $0x10;
	v0 =	vand.u32 $0xFFFF, v0  }
0xef: {  	[tilespmem:$0x28C0] =	vst v1  }
0xf0: {  	[tilespmem:$0x29C0] =	vst v0  }
0xf1: {  	v0 =	vld [tilespmem:s30+$0x1D0];
	_ =	sdelay $0x2  }
.Ltmp0:
0xf2: {  	(pc) =	sbr.rel @p0 .LBB2_2-.Ltmp0, $4  }
0xf3: {  	_ = 	snop  }
0xf4: {  	v1 =	vshrl.u32 v0, $0x10;
	v0 =	vand.u32 $0xFFFF, v0  }
0xf5: {  	[tilespmem:$0x28D0] =	vst v1  }
0xf6: {  	[tilespmem:$0x29D0] =	vst v0  }
0xf7: {  	v0 =	vld [tilespmem:s30+$0x1E0];
	_ =	sdelay $0x4  }
0xf8: {  	v1 =	vshrl.u32 v0, $0x10  }
0xf9: {  	v0 =	vand.u32 $0xFFFF, v0;
	[tilespmem:$0x28E0] =	vst v1  }
0xfa: {  	[tilespmem:$0x29E0] =	vst v0  }
0xfb: {  	v0 =	vld [tilespmem:s30+$0x1F0];
	_ =	sdelay $0x4  }
0xfc: {  	v63 =	vshrl.u32 v0, $0x10  }
0xfd: {  	v0 =	vand.u32 $0xFFFF, v0;
	[tilespmem:$0x28F0] =	vst v63  }
0xfe: {  	[tilespmem:$0x29F0] =	vst v0  }
0xff: {  	[tilespmem:s23], [sflag:$0x2] =	stream.indirect.gather [hbm4b:s4+s20], $0x80, s22, s20, $0xb8;
	[tilespmem:$0x1EA00] =	vst v63  }
0x100: {  	_ =	swait.ge [sflag:s24], $0x4000  }
0x101: {  	[sflag:s24] =	ssyncset.done $0x0  }
0x102: {  	[sflag:s24] =	ssyncadd.s32 $0xFFFFC000  }
0x103: {  	[spmem:s1] =	stream.indirect.scatter.add.f32 [tilespmem:s19], [sflag:$0x3], $0x80, s25, s20, $0xb8;
	[tilespmem:$0x1EA00] =	vst v63  }
0x104: {  	_ =	swait.ge [sflag:s18], $0x4000  }
0x105: {  	[sflag:s18] =	ssyncset.done $0x0  }
0x106: {  	[sflag:s18] =	ssyncadd.s32 $0xFFFFC000  }
0x107: {  	_ =	swait.ge [sflag:s26], $0x4000  }
0x108: {  	[sflag:s26] =	ssyncset.done $0x0  }
0x109: {  	[sflag:s26] =	ssyncadd.s32 $0xFFFFC000  }
0x10a: {  	[spmem:s1] =	stream.indirect.scatter.add.f32 [tilespmem:s23], [sflag:$0x3], $0x80, s28, s20, $0xb8;
	[tilespmem:$0x1EA00] =	vst v63  }
0x10b: {  	_ =	swait.ge [sflag:s18], $0x4000  }
0x10c: {  	[sflag:s18] =	ssyncset.done $0x0  }
0x10d: {  	[sflag:s18] =	ssyncadd.s32 $0xFFFFC000  }
0x10e: {  	[bflag:$0x0] =	sbarrier.arrive $0xFFFF  }
0x10f: {  	[tilespmem:s19], [sflag:$0x3] =	stream.linear.gather [spmem:s7], $0x4000, $0x38;
	[tilespmem:$0x1EA00] =	vst v63  }
0x110: {  	_ =	swait.ge [sflag:s18], $0x4000  }
0x111: {  	[sflag:s18] =	ssyncset.done $0x0  }
0x112: {  	[sflag:s18] =	ssyncadd.s32 $0xFFFFC000  }
0x113: {  	[hbm4b:s12+s2] =	stream.linear.scatter [tilespmem:s19], [sflag:$0x3], $0x4000, $0x38;
	[tilespmem:$0x1EA00] =	vst v63  }
0x114: {  	_ =	swait.ge [sflag:s18], $0x4000  }
0x115: {  	[sflag:s18] =	ssyncset.done $0x0  }
0x116: {  	[sflag:s18] =	ssyncadd.s32 $0xFFFFC000  }
0x117: {  	[tilespmem:s19], [sflag:$0x3] =	stream.linear.gather [spmem:s8], $0x4000, $0x38;
	[tilespmem:$0x1EA00] =	vst v63  }
0x118: {  	_ =	swait.ge [sflag:s18], $0x4000  }
0x119: {  	[sflag:s18] =	ssyncset.done $0x0  }
0x11a: {  	[sflag:s18] =	ssyncadd.s32 $0xFFFFC000  }
0x11b: {  	[hbm4b:s13+s2] =	stream.linear.scatter [tilespmem:s19], [sflag:$0x3], $0x4000, $0x38;
	[tilespmem:$0x1EA00] =	vst v63  }
0x11c: {  	_ =	swait.ge [sflag:s18], $0x4000  }
0x11d: {  	[sflag:s18] =	ssyncset.done $0x0  }
0x11e: {  	[sflag:s18] =	ssyncadd.s32 $0xFFFFC000  }
0x11f: {  	[tilespmem:s19], [sflag:$0x3] =	stream.linear.gather [spmem:s9], $0x4000, $0x38;
	[tilespmem:$0x1EA00] =	vst v63  }
0x120: {  	_ =	swait.ge [sflag:s18], $0x4000  }
0x121: {  	[sflag:s18] =	ssyncset.done $0x0  }
0x122: {  	[sflag:s18] =	ssyncadd.s32 $0xFFFFC000  }
0x123: {  	[hbm4b:s14+s2] =	stream.linear.scatter [tilespmem:s19], [sflag:$0x3], $0x4000, $0x38;
	[tilespmem:$0x1EA00] =	vst v63  }
0x124: {  	_ =	swait.ge [sflag:s18], $0x4000  }
0x125: {  	[sflag:s18] =	ssyncset.done $0x0  }
0x126: {  	[sflag:s18] =	ssyncadd.s32 $0xFFFFC000  }
0x127: {  	[tilespmem:s19], [sflag:$0x3] =	stream.linear.gather [spmem:s10], $0x4000, $0x38;
	[tilespmem:$0x1EA00] =	vst v63  }
0x128: {  	_ =	swait.ge [sflag:s18], $0x4000  }
0x129: {  	[sflag:s18] =	ssyncset.done $0x0  }
0x12a: {  	[sflag:s18] =	ssyncadd.s32 $0xFFFFC000  }
0x12b: {  	[hbm4b:s15+s2] =	stream.linear.scatter [tilespmem:s19], [sflag:$0x3], $0x4000, $0x38;
	[tilespmem:$0x1EA00] =	vst v63  }
0x12c: {  	_ =	swait.ge [sflag:s18], $0x4000  }
0x12d: {  	[sflag:s18] =	ssyncset.done $0x0  }
0x12e: {  	[sflag:s18] =	ssyncadd.s32 $0xFFFFC000  }
0x12f: {  	[tilespmem:s19], [sflag:$0x3] =	stream.linear.gather [spmem:s11], $0x4000, $0x38;
	[tilespmem:$0x1EA00] =	vst v63  }
0x130: {  	s29 =	sadd.s32 $0x1, s29;
	_ =	swait.ge [sflag:s18], $0x4000  }
0x131: {  	p0 =	sne.s32 s29, s17;
	[sflag:s18] =	ssyncset.done $0x0  }
.Ltmp1:
0x132: {  	[sflag:s18] =	ssyncadd.s32 $0xFFFFC000;
	(pc) =	sbr.rel @p0 .LBB2_1-.Ltmp1, $4  }
0x133: {  	[hbm4b:s16+s2] =	stream.linear.scatter [tilespmem:s19], [sflag:$0x3], $0x4000, $0x38;
	[tilespmem:$0x1EA00] =	vst v63  }
0x134: {  	_ =	swait.ge [sflag:s18], $0x4000  }
0x135: {  	[sflag:s18] =	ssyncset.done $0x0  }
0x136: {  	[sflag:s18] =	ssyncadd.s32 $0xFFFFC000  }
0x137: {  	_ =	sfence.sel $0x180000  }
0x138: {  	[bflag:$0x0] =	sbarrier.arrive $0xFFFF  }
0x139: {  	_ =	strace $0x9000004D  }
0x13a: {  	[bflag:$0x2] =	sbarrier.arrive $0xFFFF  }
0x13b: {  	p0 =	sne.s32 s3, $0x0;
	s0 =	rddreg [dreg:$0x3]  }
0x13c: {  	s0 =	sadd.s32 @!p0 $0x100000, s0  }
0x13d: {  	[sflag:s0] =	ssyncadd.tile.s32 @!p0 $0x1;
	_ =	shalt  }
.Lfunc_end2:
_tile_overlayer_lowered:
.L_overlay_start_2:
0x13e: {  	(tag) =	ssettag $0x2  }
0x13f: {  	s0 =	rddreg [dreg:$0x0];
	s2 =	stileid.u32  }
0x140: {  	s1 =	rddreg [dreg:$0x1];
	p0 =	sne.s32 s2, $0x0  }
0x141: {  	s3 =	rddreg [dreg:$0x2];
	[bflag:$0x3] =	sbarrier.arrive $0xFFFF;
	s2 =	simm.s32 @!p0 $0x1C03  }
0x142: {  	[timem:s3], [sflag:s2] =	dma.local @!p0 [hbm:s0], s1  }
0x143: {  	s0 =	simm.s32 @!p0 $0x3  }
0x144: {  	_ =	swait.ge @!p0 [sflag:s0], s1  }
0x145: {  	s1 =	ssub.s32 @!p0 $0x0, s1;
	[sflag:s0] =	ssyncset.done @!p0 $0x0  }
0x146: {  	[sflag:s0] =	ssyncadd.s32 @!p0 s1  }
0x147: {  	[bflag:$0x3] =	sbarrier.arrive $0xFFFF  }
0x148: {  	_ =	shalt  }

// kernel: kernel.8.cloned.1.call-start
scs
__scs_entry_jumppad:
0x0: {  	(pc) =	sbr.rel $0x88, $3  }
0x1: {  	(tag) =	ssettag $0x0;
	lr =	simm.s32 $0x1  }
0x2: {  	[smem:$0x3F97] =	sst lr;
	_ =	strace $0xD0000000  }
0x3: {  	_ = 	snop  }
0x4: {  	_ = 	snop  }
0x5: {  	_ = 	snop  }
0x6: {  	_ = 	snop  }
0x7: {  	_ = 	snop  }
__scs_overlays_trampoline_lowered:
0x8: {  	[smem:$0x3FA6] =	sst s0  }
0x9: {  	[smem:$0x3FA7] =	sst s1  }
0xa: {  	[smem:$0x3FA8] =	sst s2  }
0xb: {  	[smem:$0x3FA9] =	sst s3  }
0xc: {  	[smem:$0x3FAA] =	sst s4  }
0xd: {  	[smem:$0x3FAB] =	sst s5  }
0xe: {  	[smem:$0x3FAC] =	sst s6  }
0xf: {  	[smem:$0x3FAD] =	sst s7  }
0x10: {  	[smem:$0x3FAE] =	sst s8  }
0x11: {  	[smem:$0x3FAF] =	sst s9;
	s0 =	simm.s32 @!p0 $0x0  }
0x12: {  	s1 =	sld [smem:$0x3F95];
	s0 =	simm.s32 @p0 $0x1  }
0x13: {  	[smem:$0x3FB0] =	sst s0;
	s0 =	simm.s32 @!p1 $0x0  }
0x14: {  	s2 =	sld [smem:$0x3F94];
	s0 =	simm.s32 @p1 $0x1  }
0x15: {  	[smem:$0x3FB1] =	sst s0;
	s0 =	simm.s32 @!p2 $0x0  }
0x16: {  	s3 =	sld [smem:$0x3FDB];
	s0 =	simm.s32 @p2 $0x1  }
0x17: {  	s4 =	simm.s32 $0x1BF5;
	[smem:$0x3FB3] =	sst s0  }
0x18: {  	s0 =	sld [smem:$0x3F96];
	_ =	swait.ge [sflag:s4], $0x0  }
0x19: {  	s7 =	sld [smem:$0x3F97]  }
0x1a: {  	s8 =	sadd.s32 $0xFFFFE003, lr  }
0x1b: {  	s9 =	sadd.s32 $0xFFFFFEF7, lr;
	s5 =	simm.s32 $0xFFFFFFFF;
	p2 =	slt.u32 s8, $0xFFFFF086  }
0x1c: {  	p1 =	slt.u32 s9, $0xF7A;
	s5 =	simm.s32 @!p2 $0x0  }
0x1d: {  	s5 =	simm.s32 @p1 $0x1;
	p0 =	seq.s32 s7, s2  }
0x1e: {  	s7 =	smul.u32 @!p0 $0xF7A, s2;
	p2 =	seq.s32 @!p0 s5, $0x0  }
0x1f: {  	s9 =	smul.u32 $0xF7A, s1;
	s8 =	simm.s32 @!p0 $0x1BF5;
	p2 =	por !p2, p0  }
0x20: {  	[sflag:s8] =	ssyncset.s32 @!p0 $0xFFFFF086;
	s6 =	sadd.s32 @!p0 s3, s7;
	s7 =	simm.s32 @!p0 $0x108  }
0x21: {  	s3 =	sadd.s32 s3, s9;
	s6 =	sadd.s32 @!p0 $0x88, s6;
	s7 =	simm.s32 @p2 $0x1082  }
0x22: {  	[simem:s7], [sflag:s8] =	dma.local @!p0 [hbm:s6], $0xF7A  }
0x23: {  	s9 =	sor.u32 $0xD0000000, s2;
	s6 =	simm.s32 $0x108;
	_ =	swait.ge @!p0 [sflag:s8], $0x0  }
0x24: {  	s3 =	sadd.s32 $0x88, s3;
	s6 =	simm.s32 @!p1 $0x1082;
	[sflag:s4] =	ssyncset.s32 $0xFFFFF086  }
0x25: {  	[simem:s6], [sflag:s4] =	dma.local [hbm:s3], $0xF7A  }
0x26: {  	[smem:$0x3F97] =	sst s1;
	(tag) =	ssettag s2;
	_ =	strace s9  }
0x27: {  	s1 =	sld [smem:$0x3FA7]  }
0x28: {  	s2 =	sld [smem:$0x3FA8]  }
0x29: {  	s4 =	sld [smem:$0x3FAA]  }
0x2a: {  	p0 =	seq.s32 s5, $0x0;
	s5 =	sld [smem:$0x3FAB]  }
0x2b: {  	s6 =	sld [smem:$0x3FAC]  }
0x2c: {  	s7 =	sld [smem:$0x3FAD]  }
0x2d: {  	s3 =	simm.s32 $0x108;
	s8 =	sld [smem:$0x3FAE]  }
0x2e: {  	s3 =	simm.s32 @!p0 $0x1082;
	s9 =	sld [smem:$0x3FAF]  }
0x2f: {  	lr =	sadd.s32 s0, s3;
	s0 =	sld [smem:$0x3FA6]  }
0x30: {  	s3 =	sld [smem:$0x3FA9]  }
0x31: {  	[smem:$0x3FB2] =	sst s10  }
0x32: {  	s10 =	sld [smem:$0x3FB0];
	_ =	sdelay $0x3  }
0x33: {  	p0 =	seq.s32 s10, $0x1;
	s10 =	sld [smem:$0x3FB2];
	_ =	sdelay $0x3  }
0x34: {  	[smem:$0x3FB2] =	sst s10  }
0x35: {  	s10 =	sld [smem:$0x3FB1];
	_ =	sdelay $0x3  }
0x36: {  	p1 =	seq.s32 s10, $0x1;
	s10 =	sld [smem:$0x3FB2];
	_ =	sdelay $0x3  }
0x37: {  	[smem:$0x3FB2] =	sst s10  }
0x38: {  	s10 =	sld [smem:$0x3FB3]  }
0x39: {  	_ = 	snop;
	(pc) =	sbr.ind lr, $3  }
0x3a: {  	_ = 	snop  }
0x3b: {  	_ = 	snop  }
0x3c: {  	p2 =	seq.s32 s10, $0x1;
	s10 =	sld [smem:$0x3FB2]  }
0x3d: {  	_ =	shalt  }
0x3e: {  	_ =	shalt  }
0x3f: {  	_ =	shalt  }
0x40: {  	_ =	shalt  }
0x41: {  	_ =	shalt  }
0x42: {  	_ =	shalt  }
0x43: {  	_ =	shalt  }
0x44: {  	_ =	shalt  }
0x45: {  	_ =	shalt  }
0x46: {  	_ =	shalt  }
0x47: {  	_ =	shalt  }
0x48: {  	_ =	shalt  }
0x49: {  	_ =	shalt  }
0x4a: {  	_ =	shalt  }
0x4b: {  	_ =	shalt  }
0x4c: {  	_ =	shalt  }
0x4d: {  	_ =	shalt  }
0x4e: {  	_ =	shalt  }
0x4f: {  	_ =	shalt  }
0x50: {  	_ =	shalt  }
0x51: {  	_ =	shalt  }
0x52: {  	_ =	shalt  }
0x53: {  	_ =	shalt  }
0x54: {  	_ =	shalt  }
0x55: {  	_ =	shalt  }
0x56: {  	_ =	shalt  }
0x57: {  	_ =	shalt  }
0x58: {  	_ =	shalt  }
0x59: {  	_ =	shalt  }
0x5a: {  	_ =	shalt  }
0x5b: {  	_ =	shalt  }
0x5c: {  	_ =	shalt  }
0x5d: {  	_ =	shalt  }
0x5e: {  	_ =	shalt  }
0x5f: {  	_ =	shalt  }
0x60: {  	_ =	shalt  }
0x61: {  	_ =	shalt  }
0x62: {  	_ =	shalt  }
0x63: {  	_ =	shalt  }
0x64: {  	_ =	shalt  }
0x65: {  	_ =	shalt  }
0x66: {  	_ =	shalt  }
0x67: {  	_ =	shalt  }
0x68: {  	_ =	shalt  }
0x69: {  	_ =	shalt  }
0x6a: {  	_ =	shalt  }
0x6b: {  	_ =	shalt  }
0x6c: {  	_ =	shalt  }
0x6d: {  	_ =	shalt  }
0x6e: {  	_ =	shalt  }
0x6f: {  	_ =	shalt  }
0x70: {  	_ =	shalt  }
0x71: {  	_ =	shalt  }
0x72: {  	_ =	shalt  }
0x73: {  	_ =	shalt  }
0x74: {  	_ =	shalt  }
0x75: {  	_ =	shalt  }
0x76: {  	_ =	shalt  }
0x77: {  	_ =	shalt  }
0x78: {  	_ =	shalt  }
0x79: {  	_ =	shalt  }
0x7a: {  	_ =	shalt  }
0x7b: {  	_ =	shalt  }
0x7c: {  	_ =	shalt  }
0x7d: {  	_ =	shalt  }
0x7e: {  	_ =	shalt  }
0x7f: {  	_ =	shalt  }
0x80: {  	_ =	shalt  }
0x81: {  	_ =	shalt  }
0x82: {  	_ =	shalt  }
0x83: {  	_ =	shalt  }
0x84: {  	_ =	shalt  }
0x85: {  	_ =	shalt  }
0x86: {  	_ =	shalt  }
0x87: {  	_ =	shalt  }
.Lfunc_end0:
.L_simem_size_0:
called_computation_lowered:
.L_overlay_start_0:
0x88: {  	s2 =	sld [smem:$0x3FD9]  }
0x89: {  	s3 =	sld [smem:$0x3FFE];
	_ =	sdelay $0x1  }
0x8a: {  	s1 =	srdreg.scid  }
0x8b: {  	s0 =	sand.u32 $0x1, s1  }
0x8c: {  	s17 =	sshll.u32 s0, $0xA;
	s2 =	sadd.s32 s3, s2  }
0x8d: {  	s2 =	sadd.s32 s2, s17  }
0x8e: {  	[smem:$0x3FBE] =	sst s2  }
0x8f: {  	_ = 	snop  }
0x90: {  	s2 =	sld [smem:$0x3FD0];
	(tm) =	ssettm $0x1  }
0x91: {  	s18 =	sld [smem:$0x3FFB];
	_ =	sdelay $0x3  }
0x92: {  	_ =	strace s18  }
0x93: {  	s3 =	sld [smem:$0x3FFC];
	_ =	sdelay $0x3  }
0x94: {  	_ =	strace s3  }
0x95: {  	s3 =	sld [smem:$0x3FFD];
	_ =	sdelay $0x3  }
0x96: {  	_ =	strace s3  }
0x97: {  	_ =	strace $0x8FFFFFFF  }
0x98: {  	s19 =	sld [smem:$0x3FDB];
	_ =	sdelay $0x1  }
0x99: {  	s4 =	simm.s32 $_scs_section_size  }
0x9a: {  	s5 =	simm.s32 $_size__tile_overlayer_lowered;
	s6 =	simm.s32 $_tile_overlayer_lowered  }
0x9b: {  	s22 =	simm.s32 $0x1BFF;
	s21 =	sshll.u32 s6, $0x1;
	s3 =	sadd.s32 s4, s19  }
0x9c: {  	s7 =	simm.s32 $0x0;
	s20 =	sshll.u32 s5, $0x1;
	s5 =	sadd.s32 s21, s3  }
0x9d: {  	[timem:s7], [sflag:s22] =	dma.local [hbm:s5], s20  }
0x9e: {  	_ =	swait.ge [sflag:s22], s20  }
0x9f: {  	s4 =	ssub.s32 $0x0, s20;
	[sflag:s22] =	ssyncset.done $0x0  }
0xa0: {  	[sflag:s22] =	ssyncadd.s32 s4;
	_ =	sdelay $0x1  }
0xa1: {  	s23 =	simm.s32 $0x1B8B  }
0xa2: {  	_ =	swait.ge [sflag:s23], $0x1  }
0xa3: {  	[sflag:s23] =	ssyncset.done $0x0  }
0xa4: {  	s25 =	simm.s32 $0x1B8E;
	s24 =	sld [smem:$0x3FFE];
	[sflag:s23] =	ssyncadd.s32 $0xFFFFFFFF  }
0xa5: {  	s26 =	simm.s32 $execute0_lowered;
	[smem:$0x3FD2] =	sst s25  }
0xa6: {  	s5 =	sshll.u32 s26, $0x1;
	_ =	strace $0x80000046;
	[dreg:$0x1] =	wrdreg $0xFFFFFFFF  }
0xa7: {  	s28 =	simm.s32 $_size_execute0_lowered;
	s3 =	sadd.s32 s3, s5;
	[dreg:$0x0] =	wrdreg $0x0  }
0xa8: {  	s5 =	sshll.u32 s28, $0x1;
	[dreg:$0x2] =	wrdreg s3  }
0xa9: {  	[dreg:$0x3] =	wrdreg s5  }
0xaa: {  	[dreg:$0x4] =	wrdreg $0xC0  }
0xab: {  	_ =	task [dreg:s7], $0x5FFFF  }
0xac: {  	[dreg:$0x1] =	wrdreg $0xFFFFFFFF  }
0xad: {  	[dreg:$0x0] =	wrdreg $0x60  }
0xae: {  	[dreg:$0x2] =	wrdreg s2  }
0xaf: {  	[dreg:$0x3] =	wrdreg s24  }
0xb0: {  	[dreg:$0x4] =	wrdreg $0x53000  }
0xb1: {  	[dreg:$0x5] =	wrdreg $0x9  }
0xb2: {  	_ =	task.clear_ibuf [dreg:s7], $0x6FFFF;
	_ =	strace $0x90000046  }
0xb3: {  	s29 =	simm.s32 $0x9;
	_ =	strace $0x80000048  }
0xb4: {  	_ =	swait.ge [sflag:s29], $0x1  }
0xb5: {  	[sflag:s29] =	ssyncadd.s32 $0xFFFFFFFF  }
0xb6: {  	_ =	strace $0x90000048  }
0xb7: {  	_ =	sfence  }
0xb8: {  	s30 =	sld [smem:$0x0];
	_ =	sdelay $0x2  }
0xb9: {  	s31 =	sshll.u32 s1, $0xD;
	s1 =	sshrl.u32 s1, $0x2  }
0xba: {  	s3 =	sand.u32 $0x4000, s31;
	s1 =	sadd.s32 s1, s30  }
0xbb: {  	s0 =	sor.u32 s3, s0;
	s1 =	sshll.u32 s1, $0x11  }
0xbc: {  	s0 =	sor.u32 s1, s0  }
0xbd: {  	s0 =	sadd.s32 $0x8F2B, s0  }
0xbe: {  	[sflag:s0] =	ssyncadd.remote.s32 $0x1  }
0xbf: {  	_ =	sfence.sel $0xFFFF  }
0xc0: {  	[dreg:$0x0] =	wrdreg $0xFFFFFFFF;
	(pc) =	sbr.abs _section_cstart, $3  }
0xc1: {  	[dreg:$0x1] =	wrdreg $0xFFFFFFFF  }
0xc2: {  	_ =	task.clear_ibuf [dreg:s7], $0x2FFFF;
	_ =	strace $0x9FFFFFFF  }
0xc3: {  	(tm) =	ssettm $0x7FFFFFFF  }
tec
execute0_lowered:
.L_overlay_start_1:
0x0: {  	(tag) =	ssettag $0x1  }
0x1: {  	s4 =	rddreg [dreg:$0x0]  }
0x2: {  	s5 =	rddreg [dreg:$0x1]  }
0x3: {  	s2 =	rddreg [dreg:$0x2]  }
0x4: {  	s0 =	rddreg [dreg:$0x3]  }
0x5: {  	s3 =	simm.s32 $0x0;
	s6 =	srdreg.scid;
	s1 =	stileid.u32  }
0x6: {  	s11 =	simm.s32 $0x5000;
	s14 =	simm.s32 $0x20;
	s15 =	simm.s32 $0x10  }
0x7: {  	s16 =	simm.s32 $0x0;
	[smem:$0x7FF] =	sst s3;
	s7 =	smul.u32 $0x500, s1  }
0x8: {  	s6 =	sand.u32 $0x1, s6;
	s30 =	smul.u32 $0xA00, s1;
	s12 =	sshll.u32 s1, $0x6  }
0x9: {  	_ =	strace $0x80000047;
	s8 =	sshll.u32 s6, $0x7;
	s9 =	sshll.u32 s6, $0x4  }
0xa: {  	s6 =	ssub.s32 $0x2, s6;
	s12 =	sor.u32 $0x1C01, s12;
	s7 =	sor.u32 s8, s7  }
0xb: {  	s29 =	sor.u32 s1, s9;
	s31 =	sshrl.u32 s6, $0x1;
	s9 =	sshrl.u32 s30, $0x2  }
0xc: {  	s7 =	sshrl.u32 s7, $0x3;
	s8 =	smul.u32 $0x500, s29;
	s10 =	ssub.s32 s6, s31  }
0xd: {  	s7 =	sadd.s32 s7, s5;
	s5 =	sadd.s32 s9, s2;
	s9 =	simm.s32 $0x5080  }
0xe: {  	s4 =	sadd.s32 s4, s8;
	s6 =	sadd.s32 $0x4000, s7;
	s7 =	smax.u32 s10, $0x1  }
0xf: {  	v0 =	vimm.f32 $1.000000000e+00;
	v1 =	vimm.f32 $0.0e+00;
	s8 =	simm.s32 $0x1;
	s10 =	simm.s32 $0x80;
	s13 =	sshrl.u32 s5, $0x3  }
.LBB2_1:
0x10: {  	[tilespmem:s3], [sflag:$0x1] =	stream.linear.gather [hbm4b:s4+s3], $0x2800, $0x38;
	[tilespmem:$0x5580] =	vst v63  }
0x11: {  	_ =	swait.ge [sflag:s8], $0x2800  }
0x12: {  	[sflag:s8] =	ssyncset.done $0x0  }
0x13: {  	s18 =	simm.s32 $0x0;
	[sflag:s8] =	ssyncadd.s32 $0xFFFFD800  }
0x14: {  	v3 =	vld [tilespmem:s18+$0x70]  }
0x15: {  	v6 =	vld [tilespmem:s18+$0x0]  }
0x16: {  	v7 =	vld [tilespmem:s18+$0x10]  }
0x17: {  	v5 =	vld [tilespmem:s18+$0x20]  }
0x18: {  	v4 =	vld [tilespmem:s18+$0x30]  }
0x19: {  	v2 =	vld [tilespmem:s18+$0x40];
	v8 =	vand.u32 $0xFFFF, v3  }
0x1a: {  	v3 =	vld [tilespmem:s18+$0x50];
	v6 =	vand.u32 $0xFFFF, v6;
	[tilespmem:s18+$0x2870] =	vst v8  }
0x1b: {  	s17 =	simm.s32 $0x80;
	s19 =	simm.s32 $0x400;
	v7 =	vand.u32 $0xFFFF, v7;
	[tilespmem:s18+$0x2800] =	vst v6;
	v6 =	vld [tilespmem:s18+$0x60]  }
.LBB2_2:
0x1c: {  	p0 =	sne.s32 s19, $0x9E00;
	v8 =	vld [tilespmem:s17+$0x70];
	[tilespmem:s18+$0x2810] =	vst v7;
	v5 =	vand.u32 $0xFFFF, v5  }
0x1d: {  	v7 =	vld [tilespmem:s17+$0x0];
	[tilespmem:s18+$0x2820] =	vst v5;
	v4 =	vand.u32 $0xFFFF, v4  }
0x1e: {  	v9 =	vld [tilespmem:s17+$0x10];
	[tilespmem:s18+$0x2830] =	vst v4;
	v2 =	vand.u32 $0xFFFF, v2  }
.Ltmp0:
0x1f: {  	v5 =	vld [tilespmem:s17+$0x20];
	[tilespmem:s18+$0x2840] =	vst v2;
	v2 =	vand.u32 $0xFFFF, v3;
	(pc) =	sbr.rel @p0 .LBB2_2-.Ltmp0, $4  }
0x20: {  	v4 =	vld [tilespmem:s17+$0x30];
	[tilespmem:s18+$0x2850] =	vst v2;
	v3 =	vand.u32 $0xFFFF, v6  }
0x21: {  	v2 =	vld [tilespmem:s17+$0x40];
	v6 =	vand.u32 $0xFFFF, v8;
	[tilespmem:s18+$0x2860] =	vst v3;
	s18 =	smov.u32 s17  }
0x22: {  	v7 =	vand.u32 $0xFFFF, v7;
	v3 =	vld [tilespmem:s18+$0x50];
	[tilespmem:s18+$0x2870] =	vst v6  }
0x23: {  	s17 =	sshra.s32 s19, $0x2;
	s19 =	sadd.s32 $0x200, s19;
	[tilespmem:s18+$0x2800] =	vst v7;
	v7 =	vand.u32 $0xFFFF, v9;
	v6 =	vld [tilespmem:s18+$0x60]  }
0x24: {  	v8 =	vld [tilespmem:s17+$0x70];
	[tilespmem:s18+$0x2810] =	vst v7;
	v5 =	vand.u32 $0xFFFF, v5  }
0x25: {  	v7 =	vld [tilespmem:s17+$0x0];
	[tilespmem:s18+$0x2820] =	vst v5;
	v4 =	vand.u32 $0xFFFF, v4  }
0x26: {  	v5 =	vld [tilespmem:s17+$0x10];
	[tilespmem:s18+$0x2830] =	vst v4;
	v2 =	vand.u32 $0xFFFF, v2  }
0x27: {  	v4 =	vld [tilespmem:s17+$0x20];
	[tilespmem:s18+$0x2840] =	vst v2;
	v2 =	vand.u32 $0xFFFF, v3  }
0x28: {  	v3 =	vld [tilespmem:s17+$0x30];
	[tilespmem:s18+$0x2850] =	vst v2;
	v2 =	vand.u32 $0xFFFF, v6  }
0x29: {  	v61 =	vld [tilespmem:s17+$0x40];
	[tilespmem:s18+$0x2860] =	vst v2;
	v2 =	vand.u32 $0xFFFF, v8  }
0x2a: {  	v62 =	vld [tilespmem:s17+$0x50];
	v7 =	vand.u32 $0xFFFF, v7;
	[tilespmem:s17+$0x2870] =	vst v2  }
0x2b: {  	v63 =	vld [tilespmem:s17+$0x60];
	[tilespmem:s17+$0x2800] =	vst v7;
	v2 =	vand.u32 $0xFFFF, v5  }
0x2c: {  	[tilespmem:s17+$0x2810] =	vst v2;
	v2 =	vand.u32 $0xFFFF, v4  }
0x2d: {  	[tilespmem:s17+$0x2820] =	vst v2;
	v2 =	vand.u32 $0xFFFF, v3  }
0x2e: {  	[tilespmem:s17+$0x2830] =	vst v2;
	v2 =	vand.u32 $0xFFFF, v61  }
0x2f: {  	[tilespmem:s17+$0x2840] =	vst v2;
	v2 =	vand.u32 $0xFFFF, v62  }
0x30: {  	[tilespmem:s17+$0x2850] =	vst v2;
	v2 =	vand.u32 $0xFFFF, v63  }
0x31: {  	[tilespmem:s17+$0x2860] =	vst v2  }
0x32: {  	[tilespmem:$0x5000] =	vst v0  }
0x33: {  	[tilespmem:$0x5010] =	vst v0  }
0x34: {  	[tilespmem:$0x5020] =	vst v0  }
0x35: {  	[tilespmem:$0x5030] =	vst v0  }
0x36: {  	[tilespmem:$0x5040] =	vst v0  }
0x37: {  	[tilespmem:$0x5050] =	vst v0  }
0x38: {  	[tilespmem:$0x5060] =	vst v0  }
0x39: {  	[tilespmem:$0x5070] =	vst v0  }
0x3a: {  	[tilespmem:$0x5080] =	vst v1  }
0x3b: {  	[tilespmem:$0x5090] =	vst v1  }
0x3c: {  	[tilespmem:$0x50A0] =	vst v1  }
0x3d: {  	[tilespmem:$0x50B0] =	vst v1  }
0x3e: {  	[tilespmem:$0x50C0] =	vst v1  }
0x3f: {  	[tilespmem:$0x50D0] =	vst v1  }
0x40: {  	[tilespmem:$0x50E0] =	vst v1  }
0x41: {  	[tilespmem:$0x50F0] =	vst v1  }
0x42: {  	[tilespmem:$0x5100] =	vst v1  }
0x43: {  	[tilespmem:$0x5110] =	vst v1  }
0x44: {  	[tilespmem:$0x5120] =	vst v1  }
0x45: {  	[tilespmem:$0x5130] =	vst v1  }
0x46: {  	[tilespmem:$0x5140] =	vst v1  }
0x47: {  	[tilespmem:$0x5150] =	vst v1  }
0x48: {  	[tilespmem:$0x5160] =	vst v1  }
0x49: {  	[tilespmem:$0x5170] =	vst v1  }
0x4a: {  	[tilespmem:$0x5180] =	vst v1  }
0x4b: {  	[tilespmem:$0x5190] =	vst v1  }
0x4c: {  	[tilespmem:$0x51A0] =	vst v1  }
0x4d: {  	[tilespmem:$0x51B0] =	vst v1  }
0x4e: {  	[tilespmem:$0x51C0] =	vst v1  }
0x4f: {  	[tilespmem:$0x51D0] =	vst v1  }
0x50: {  	[tilespmem:$0x51E0] =	vst v1  }
0x51: {  	[tilespmem:$0x51F0] =	vst v1  }
0x52: {  	[tilespmem:$0x5200] =	vst v1  }
0x53: {  	[tilespmem:$0x5210] =	vst v1  }
0x54: {  	[tilespmem:$0x5220] =	vst v1  }
0x55: {  	[tilespmem:$0x5230] =	vst v1  }
0x56: {  	[tilespmem:$0x5240] =	vst v1  }
0x57: {  	[tilespmem:$0x5250] =	vst v1  }
0x58: {  	[tilespmem:$0x5260] =	vst v1  }
0x59: {  	[tilespmem:$0x5270] =	vst v1  }
0x5a: {  	[tilespmem:$0x5280] =	vst v1  }
0x5b: {  	[tilespmem:$0x5290] =	vst v1  }
0x5c: {  	[tilespmem:$0x52A0] =	vst v1  }
0x5d: {  	[tilespmem:$0x52B0] =	vst v1  }
0x5e: {  	[tilespmem:$0x52C0] =	vst v1  }
0x5f: {  	[tilespmem:$0x52D0] =	vst v1  }
0x60: {  	[tilespmem:$0x52E0] =	vst v1  }
0x61: {  	[tilespmem:$0x52F0] =	vst v1  }
0x62: {  	[spmem:s5] =	stream.linear.scatter [tilespmem:s9], [sflag:$0x1], $0x280, $0x38;
	[tilespmem:$0x5580] =	vst v63  }
0x63: {  	_ =	swait.ge [sflag:s8], $0x280  }
0x64: {  	[sflag:s8] =	ssyncset.done $0x0  }
0x65: {  	[sflag:s8] =	ssyncadd.s32 $0xFFFFFD80  }
0x66: {  	s31 =	simm.s32 $0x2800;
	[bflag:$0x0] =	sbarrier.arrive $0xFFFF  }
0x67: {  	[spmem:s2] =	stream.indirect.scatter.add.f32 [tilespmem:s11], [sflag:$0x1], $0x1, s31, s10, $0xb8;
	[tilespmem:$0x5580] =	vst v63  }
0x68: {  	s17 =	simm.s32 $0x200;
	_ =	swait.ge [sflag:s8], $0x80  }
.LBB2_4:
0x69: {  	s18 =	sshra.s32 s17, $0x2;
	[sflag:s8] =	ssyncset.done $0x0;
	p0 =	sne.s32 s17, $0x9E00  }
.Ltmp1:
0x6a: {  	s18 =	sadd.s32 $0x2800, s18;
	[sflag:s8] =	ssyncadd.s32 $0xFFFFFF80;
	(pc) =	sbr.rel @p0 .LBB2_4-.Ltmp1, $3  }
0x6b: {  	[spmem:s2] =	stream.indirect.scatter.add.f32 [tilespmem:s11], [sflag:$0x1], $0x1, s18, s10, $0xb8;
	[tilespmem:$0x5580] =	vst v63  }
0x6c: {  	s17 =	sadd.s32 $0x200, s17;
	_ =	sdelay $0x1  }
0x6d: {  	_ =	swait.ge [sflag:s8], $0x80  }
0x6e: {  	[sflag:s8] =	ssyncset.done $0x0;
	s16 =	sadd.s32 $0x1, s16  }
0x6f: {  	[sflag:s8] =	ssyncadd.s32 $0xFFFFFF80;
	p0 =	sne.s32 s16, s7  }
.Ltmp2:
0x70: {  	[bflag:$0x0] =	sbarrier.arrive $0xFFFF;
	(pc) =	sbr.rel @p0 .LBB2_1-.Ltmp2, $4  }
0x71: {  	[hbm:s6@s14], [sflag:s12] =	dma.strided [spmem:s13@s15], $0x50, s8, $0x10   }
0x72: {  	_ =	swait.ge [sflag:s8], $0x50  }
0x73: {  	[sflag:s8] =	ssyncset.done $0x0  }
0x74: {  	[sflag:s8] =	ssyncadd.s32 $0xFFFFFFB0  }
0x75: {  	_ =	sfence.sel $0x180000  }
0x76: {  	[bflag:$0x0] =	sbarrier.arrive $0xFFFF  }
0x77: {  	p0 =	sne.s32 s1, $0x0;
	_ =	strace $0x90000047  }
0x78: {  	s0 =	sadd.s32 @!p0 $0x100000, s0;
	[bflag:$0x2] =	sbarrier.arrive $0xFFFF  }
0x79: {  	[sflag:s0] =	ssyncadd.tile.s32 @!p0 $0x1;
	_ =	shalt  }
.Lfunc_end2:
_tile_overlayer_lowered:
.L_overlay_start_2:
0x7a: {  	(tag) =	ssettag $0x2  }
0x7b: {  	s0 =	rddreg [dreg:$0x0];
	s2 =	stileid.u32  }
0x7c: {  	s1 =	rddreg [dreg:$0x1];
	p0 =	sne.s32 s2, $0x0  }
0x7d: {  	s3 =	rddreg [dreg:$0x2];
	[bflag:$0x3] =	sbarrier.arrive $0xFFFF;
	s2 =	simm.s32 @!p0 $0x1C01  }
0x7e: {  	[timem:s3], [sflag:s2] =	dma.local @!p0 [hbm:s0], s1  }
0x7f: {  	s0 =	simm.s32 @!p0 $0x1  }
0x80: {  	_ =	swait.ge @!p0 [sflag:s0], s1  }
0x81: {  	s1 =	ssub.s32 @!p0 $0x0, s1;
	[sflag:s0] =	ssyncset.done @!p0 $0x0  }
0x82: {  	[sflag:s0] =	ssyncadd.s32 @!p0 s1  }
0x83: {  	[bflag:$0x3] =	sbarrier.arrive $0xFFFF  }
0x84: {  	_ =	shalt  }

</sc_bundles>
